<compile_context>
chip_gen: v7x
topology: tpu7x:2x2x1
jax: 0.10.2.dev20260603
libtpu: 0.0.44.dev20260713+nightly
codegen_flags: <defaults>
</compile_context>

<pallas_src>
import functools

import jax
import jax.numpy as jnp
from jax.experimental import pallas as pl
from jax.experimental.pallas import tpu as pltpu
from jax.experimental.pallas import tpu_sc as plsc

Q = 16
C = 100
P = 196
D = 768
PB = 16
NFULL = P // PB
TAIL = P - NFULL * PB
QR = Q * PB
CR = C * PB


def _body(q_ref, k_ref, dist_ref, g8_ref, s2_ref, q2_ref):
    pp = pl.program_id(0)

    @pl.when(pp == 0)
    def _init():
        g8_ref[...] = jnp.zeros_like(g8_ref)
        s2_ref[...] = jnp.zeros_like(s2_ref)
        q2_ref[...] = jnp.zeros_like(q2_ref)

    @pl.when(pp < NFULL)
    def _main():
        qblk = q_ref[...]
        kblk = k_ref[...]
        qr = qblk.reshape(QR, D)
        kr = kblk.reshape(CR, D)
        qhi = qr.astype(jnp.bfloat16)
        qlo = (qr - qhi.astype(jnp.float32)).astype(jnp.bfloat16)
        khi = kr.astype(jnp.bfloat16)
        klo = (kr - khi.astype(jnp.float32)).astype(jnp.bfloat16)

        def _dot(a, b):
            return jax.lax.dot_general(
                a, b, (((1,), (1,)), ((), ())),
                preferred_element_type=jnp.float32,
            )

        g8_ref[...] += _dot(qhi, khi) + _dot(qhi, klo) + _dot(qlo, khi)
        s2_ref[...] += kblk * kblk
        q2_ref[...] += qblk * qblk

    @pl.when(pp == NFULL)
    def _fin():
        dtail = jnp.zeros((Q, C), jnp.float32)
        s2t = jnp.zeros((C, D), jnp.float32)
        q2t = jnp.zeros((Q, D), jnp.float32)
        for p in range(TAIL):
            qp = q_ref[p, :, :]
            kp = k_ref[:, p, :]
            dtail += jax.lax.dot_general(
                qp, kp, (((1,), (1,)), ((), ())),
                preferred_element_type=jnp.float32,
                precision=jax.lax.Precision.HIGHEST,
            )
            s2t += kp * kp
            q2t += qp * qp

        g8 = g8_ref[...]
        row = jax.lax.broadcasted_iota(jnp.int32, (QR, CR), 0)
        col = jax.lax.broadcasted_iota(jnp.int32, (QR, CR), 1)
        g8m = jnp.where((row // Q) == (col % PB), g8, 0.0)
        srow = jax.lax.broadcasted_iota(jnp.int32, (Q, QR), 0)
        scol = jax.lax.broadcasted_iota(jnp.int32, (Q, QR), 1)
        s_fold = jnp.where(srow == scol % Q, 1.0, 0.0)
        frow = jax.lax.broadcasted_iota(jnp.int32, (CR, C), 0)
        fcol = jax.lax.broadcasted_iota(jnp.int32, (CR, C), 1)
        f_fold = jnp.where(frow // PB == fcol, 1.0, 0.0)
        gq = jax.lax.dot_general(
            s_fold, g8m, (((1,), (0,)), ((), ())),
            preferred_element_type=jnp.float32,
            precision=jax.lax.Precision.HIGHEST,
        )
        dot = jax.lax.dot_general(
            gq, f_fold, (((1,), (0,)), ((), ())),
            preferred_element_type=jnp.float32,
            precision=jax.lax.Precision.HIGHEST,
        ) + dtail

        ks = jnp.sum(s2_ref[...], axis=(1, 2)) + jnp.sum(s2t, axis=1)
        qs = (jnp.sum(q2_ref[...], axis=(0, 2))
              + jnp.sum(q2t, axis=1))[:, None]
        d2 = jnp.maximum(qs + ks[None, :] - 2.0 * dot, 0.0)
        dist = jnp.sqrt(d2)
        dist_ref[...] = jnp.pad(
            dist, ((0, 0), (0, 128 - C)), constant_values=jnp.inf)


def _take16(v, perm):
    return jax.lax.gather(
        v, perm[:, None],
        jax.lax.GatherDimensionNumbers(
            offset_dims=(), collapsed_slice_dims=(0,), start_index_map=(0,)),
        slice_sizes=(1,),
        mode=jax.lax.GatherScatterMode.PROMISE_IN_BOUNDS,
    )


def _sc_select(distpad):
    mesh = plsc.VectorSubcoreMesh(core_axis_name="c", subcore_axis_name="s")

    @functools.partial(
        pl.kernel,
        out_type=[
            jax.ShapeDtypeStruct((Q,), jnp.float32),
            jax.ShapeDtypeStruct((Q,), jnp.int32),
        ],
        mesh=mesh,
        scratch_types=[
            pltpu.VMEM((Q, 128), jnp.float32),
            pltpu.VMEM((Q,), jnp.float32),
            pltpu.VMEM((Q,), jnp.int32),
        ],
    )
    def _sel(d_hbm, dist_hbm, idx_hbm, buf, dv, iv):
        cid = jax.lax.axis_index("c")
        sid = jax.lax.axis_index("s")

        @pl.when(jnp.logical_and(cid == 0, sid == 0))
        def _():
            pltpu.sync_copy(d_hbm, buf)
            ii = jax.lax.iota(jnp.int32, 16)
            dvv = jnp.full((16,), 3.4e38, jnp.float32)
            ivv = jnp.zeros((16,), jnp.int32)
            for i in range(Q):
                minv = jnp.full((16,), 3.4e38, jnp.float32)
                mindi = jnp.zeros((16,), jnp.int32)
                for h in range(128 // 16):
                    v = buf[i, pl.ds(h * 16, 16)]
                    better = v < minv
                    minv = jnp.where(better, v, minv)
                    mindi = jnp.where(better, ii + h * 16, mindi)
                for s in (1, 2, 4, 8):
                    perm = ii ^ s
                    v2 = _take16(minv, perm)
                    i2 = _take16(mindi, perm)
                    better = (v2 < minv) | ((v2 == minv) & (i2 < mindi))
                    minv = jnp.where(better, v2, minv)
                    mindi = jnp.where(better, i2, mindi)
                lane = ii == i
                dvv = jnp.where(lane, minv, dvv)
                ivv = jnp.where(lane, mindi, ivv)
            dv[...] = dvv
            iv[...] = ivv
            pltpu.sync_copy(dv, dist_hbm)
            pltpu.sync_copy(iv, idx_hbm)

    return _sel(distpad)


def kernel(query_features, keys):
    qt = jnp.swapaxes(query_features, 0, 1)
    distpad = pl.pallas_call(
        _body,
        grid=(NFULL + 1,),
        in_specs=[
            pl.BlockSpec((PB, Q, D), lambda p: (p, 0, 0)),
            pl.BlockSpec((C, PB, D), lambda p: (0, p, 0)),
        ],
        out_specs=pl.BlockSpec((Q, 128), lambda p: (0, 0)),
        out_shape=jax.ShapeDtypeStruct((Q, 128), jnp.float32),
        scratch_shapes=[
            pltpu.VMEM((QR, CR), jnp.float32),
            pltpu.VMEM((C, PB, D), jnp.float32),
            pltpu.VMEM((PB, Q, D), jnp.float32),
        ],
    )(qt, keys)
    dist, idx = _sc_select(distpad)
    return dist, idx

# --- scband reference (transcript-rebuilt; emitter-appended) ---
"""Pipeline reference for scband-continual-prompting-module-9225589751978 (READ-ONLY COPY).

The authoritative reference and input builder live on the scoring server;
editing this copy changes nothing except your own understanding.
"""

import jax, jax.numpy as jnp
import numpy as np


def setup_inputs(seed: int = 0) -> dict:
    key = jax.random.key(seed)
    k1, k2 = jax.random.split(key)
    # query_features: [Q, P, D] ViT patch-token features for 16 query images
    query_features = jax.random.normal(k1, (16, 196, 768), dtype=jnp.float32)
    # keys: module state self.keys stacked -> [num_classes, P, D]
    # (each class key is the mean-pooled key pool, shape [196, 768])
    keys = jax.random.normal(k2, (100, 196, 768), dtype=jnp.float32)
    return {"query_features": query_features, "keys": keys}


def reference(query_features, keys):
    # Faithful translation of ContinualPromptingModule.retrieve_key:
    #   sampled_features = cat(keys)                     -> [C, P, D]
    #   sampled_features_flat = view(C, -1)              -> [C, P*D]
    #   new_features_flat = query.view(Q, -1)            -> [Q, P*D]
    #   distances = cdist(q.unsqueeze(1), k.unsqueeze(0), p=2).squeeze(1)
    #   min_dist, min_indices = distances.min(dim=1)
    Q = query_features.shape[0]
    C = keys.shape[0]
    qf = query_features.reshape(Q, -1)
    kf = keys.reshape(C, -1)
    # Euclidean cdist via the expanded quadratic form (avoids [Q,C,P*D] blowup)
    q_sq = jnp.sum(qf * qf, axis=1, keepdims=True)          # [Q, 1]
    k_sq = jnp.sum(kf * kf, axis=1, keepdims=True)          # [C, 1]
    d2 = q_sq + k_sq.T - 2.0 * (qf @ kf.T)                  # [Q, C]
    distances = jnp.sqrt(jnp.maximum(d2, 0.0))
    min_dist = jnp.min(distances, axis=1)                   # [Q]
    min_indices = jnp.argmin(distances, axis=1)             # [Q] class ids
    # torch code maps min_indices through key_i_dict; with ordered class_names
    # this is the identity mapping, so min_indices are the class ids directly.
    return min_dist, min_indices

if __name__ == "__main__":
    import jax
    _d = setup_inputs()
    print(jax.jit(kernel)(*tuple(_d.values())))

</pallas_src>

<mosaic_0001>
#map = affine_map<(d0, d1) -> (0, 0)>
#map1 = affine_map<(d0, d1) -> (0)>
module attributes {stable_mosaic.version = 14 : i64} {
  func.func @_sel(%arg0: i32, %arg1: i32, %arg2: memref<16x128xf32, #tpu.memory_space<hbm>>, %arg3: memref<16xf32, #tpu.memory_space<hbm>>, %arg4: memref<16xi32, #tpu.memory_space<hbm>>, %arg5: memref<16x128xf32, #tpu.memory_space<vmem>>, %arg6: memref<16xf32, #tpu.memory_space<vmem>>, %arg7: memref<16xi32, #tpu.memory_space<vmem>>) attributes {dimension_semantics = [#tpu.dimension_semantics<core_parallel>, #tpu.dimension_semantics<subcore_parallel>], iteration_bounds = array<i64: 2, 16>, scalar_prefetch = 0 : i64, scratch_operands = 3 : i64, tpu.core_type = #tpu.core_type<sc_vector_subcore>, window_params = [{transform_indices = #map}, {transform_indices = #map1}, {transform_indices = #map1}]} {
    %eq3A = arith.constant 0 : i32
    %eq3A_0 = arith.cmpi eq, %arg0, %eq3A : i32
    %eq3A_1 = arith.constant 0 : i32
    %eq3A_2 = arith.cmpi eq, %arg1, %eq3A_1 : i32
    %and3A = arith.andi %eq3A_0, %eq3A_2 : i1
    %convert_element_type3A = arith.extui %and3A : i1 to i32
    %cond3A = arith.constant 0 : i32
    %cond3A_3 = arith.cmpi ne, %convert_element_type3A, %cond3A : i32
    scf.if %cond3A_3 {
      "tpu.region"() ({
        %run_scoped3A = tpu.sem_alloc : memref<!tpu.dma_semaphore, #tpu.memory_space<semaphore_mem>>
        tpu.enqueue_dma source(%arg2 : memref<16x128xf32, #tpu.memory_space<hbm>>) target(%arg5 : memref<16x128xf32, #tpu.memory_space<vmem>>) target_semaphore(%run_scoped3A : memref<!tpu.dma_semaphore, #tpu.memory_space<semaphore_mem>>)
        tpu.wait_dma2 semaphore(%run_scoped3A : memref<!tpu.dma_semaphore, #tpu.memory_space<semaphore_mem>>) src(%arg2 : memref<16x128xf32, #tpu.memory_space<hbm>>) dst(%arg5 : memref<16x128xf32, #tpu.memory_space<vmem>>)
        tpu.yield
      }) : () -> ()
      %iota3A = tpu.iota {dimensions = array<i32: 0>} : vector<16xi32>
      %broadcast_in_dim3A = arith.constant 3.400000e+38 : f32
      %broadcast_in_dim3A_4 = vector.broadcast %broadcast_in_dim3A : f32 to vector<16xf32>
      %broadcast_in_dim3A_5 = arith.constant 0 : i32
      %broadcast_in_dim3A_6 = vector.broadcast %broadcast_in_dim3A_5 : i32 to vector<16xi32>
      %broadcast_in_dim3A_7 = arith.constant 3.400000e+38 : f32
      %broadcast_in_dim3A_8 = vector.broadcast %broadcast_in_dim3A_7 : f32 to vector<16xf32>
      %broadcast_in_dim3A_9 = arith.constant 0 : i32
      %broadcast_in_dim3A_10 = vector.broadcast %broadcast_in_dim3A_9 : i32 to vector<16xi32>
      %get3A = arith.constant 0 : i32
      %get3A_11 = arith.index_cast %get3A : i32 to index
      %get3A_12 = arith.constant 0 : index
      %get3A_13 = tpu.vector_load %arg5[%get3A_11, %get3A_12] {strides = array<i32>} : memref<16x128xf32, #tpu.memory_space<vmem>>, vector<1x16xf32>,
      %get3A_14 = vector.shape_cast %get3A_13 : vector<1x16xf32> to vector<16xf32>
      %lt3A = arith.cmpf olt, %get3A_14, %broadcast_in_dim3A_8 : vector<16xf32>
      %select_n3A = arith.select %lt3A, %get3A_14, %broadcast_in_dim3A_8 : vector<16xi1>, vector<16xf32>
      %add3A = arith.constant 0 : i32
      %add3A_15 = vector.broadcast %add3A : i32 to vector<16xi32>
      %add3A_16 = arith.addi %iota3A, %add3A_15 : vector<16xi32>
      %select_n3A_17 = arith.select %lt3A, %add3A_16, %broadcast_in_dim3A_10 : vector<16xi1>, vector<16xi32>
      %get3A_18 = arith.constant 0 : i32
      %get3A_19 = arith.index_cast %get3A_18 : i32 to index
      %get3A_20 = arith.constant 16 : index
      %get3A_21 = tpu.vector_load %arg5[%get3A_19, %get3A_20] {strides = array<i32>} : memref<16x128xf32, #tpu.memory_space<vmem>>, vector<1x16xf32>,
      %get3A_22 = vector.shape_cast %get3A_21 : vector<1x16xf32> to vector<16xf32>
      %lt3A_23 = arith.cmpf olt, %get3A_22, %select_n3A : vector<16xf32>
      %select_n3A_24 = arith.select %lt3A_23, %get3A_22, %select_n3A : vector<16xi1>, vector<16xf32>
      %add3A_25 = arith.constant 16 : i32
      %add3A_26 = vector.broadcast %add3A_25 : i32 to vector<16xi32>
      %add3A_27 = arith.addi %iota3A, %add3A_26 : vector<16xi32>
      %select_n3A_28 = arith.select %lt3A_23, %add3A_27, %select_n3A_17 : vector<16xi1>, vector<16xi32>
      %get3A_29 = arith.constant 0 : i32
      %get3A_30 = arith.index_cast %get3A_29 : i32 to index
      %get3A_31 = arith.constant 32 : index
      %get3A_32 = tpu.vector_load %arg5[%get3A_30, %get3A_31] {strides = array<i32>} : memref<16x128xf32, #tpu.memory_space<vmem>>, vector<1x16xf32>,
      %get3A_33 = vector.shape_cast %get3A_32 : vector<1x16xf32> to vector<16xf32>
      %lt3A_34 = arith.cmpf olt, %get3A_33, %select_n3A_24 : vector<16xf32>
      %select_n3A_35 = arith.select %lt3A_34, %get3A_33, %select_n3A_24 : vector<16xi1>, vector<16xf32>
      %add3A_36 = arith.constant 32 : i32
      %add3A_37 = vector.broadcast %add3A_36 : i32 to vector<16xi32>
      %add3A_38 = arith.addi %iota3A, %add3A_37 : vector<16xi32>
      %select_n3A_39 = arith.select %lt3A_34, %add3A_38, %select_n3A_28 : vector<16xi1>, vector<16xi32>
      %get3A_40 = arith.constant 0 : i32
      %get3A_41 = arith.index_cast %get3A_40 : i32 to index
      %get3A_42 = arith.constant 48 : index
      %get3A_43 = tpu.vector_load %arg5[%get3A_41, %get3A_42] {strides = array<i32>} : memref<16x128xf32, #tpu.memory_space<vmem>>, vector<1x16xf32>,
      %get3A_44 = vector.shape_cast %get3A_43 : vector<1x16xf32> to vector<16xf32>
      %lt3A_45 = arith.cmpf olt, %get3A_44, %select_n3A_35 : vector<16xf32>
      %select_n3A_46 = arith.select %lt3A_45, %get3A_44, %select_n3A_35 : vector<16xi1>, vector<16xf32>
      %add3A_47 = arith.constant 48 : i32
      %add3A_48 = vector.broadcast %add3A_47 : i32 to vector<16xi32>
      %add3A_49 = arith.addi %iota3A, %add3A_48 : vector<16xi32>
      %select_n3A_50 = arith.select %lt3A_45, %add3A_49, %select_n3A_39 : vector<16xi1>, vector<16xi32>
      %get3A_51 = arith.constant 0 : i32
      %get3A_52 = arith.index_cast %get3A_51 : i32 to index
      %get3A_53 = arith.constant 64 : index
      %get3A_54 = tpu.vector_load %arg5[%get3A_52, %get3A_53] {strides = array<i32>} : memref<16x128xf32, #tpu.memory_space<vmem>>, vector<1x16xf32>,
      %get3A_55 = vector.shape_cast %get3A_54 : vector<1x16xf32> to vector<16xf32>
      %lt3A_56 = arith.cmpf olt, %get3A_55, %select_n3A_46 : vector<16xf32>
      %select_n3A_57 = arith.select %lt3A_56, %get3A_55, %select_n3A_46 : vector<16xi1>, vector<16xf32>
      %add3A_58 = arith.constant 64 : i32
      %add3A_59 = vector.broadcast %add3A_58 : i32 to vector<16xi32>
      %add3A_60 = arith.addi %iota3A, %add3A_59 : vector<16xi32>
      %select_n3A_61 = arith.select %lt3A_56, %add3A_60, %select_n3A_50 : vector<16xi1>, vector<16xi32>
      %get3A_62 = arith.constant 0 : i32
      %get3A_63 = arith.index_cast %get3A_62 : i32 to index
      %get3A_64 = arith.constant 80 : index
      %get3A_65 = tpu.vector_load %arg5[%get3A_63, %get3A_64] {strides = array<i32>} : memref<16x128xf32, #tpu.memory_space<vmem>>, vector<1x16xf32>,
      %get3A_66 = vector.shape_cast %get3A_65 : vector<1x16xf32> to vector<16xf32>
      %lt3A_67 = arith.cmpf olt, %get3A_66, %select_n3A_57 : vector<16xf32>
      %select_n3A_68 = arith.select %lt3A_67, %get3A_66, %select_n3A_57 : vector<16xi1>, vector<16xf32>
      %add3A_69 = arith.constant 80 : i32
      %add3A_70 = vector.broadcast %add3A_69 : i32 to vector<16xi32>
      %add3A_71 = arith.addi %iota3A, %add3A_70 : vector<16xi32>
      %select_n3A_72 = arith.select %lt3A_67, %add3A_71, %select_n3A_61 : vector<16xi1>, vector<16xi32>
      %get3A_73 = arith.constant 0 : i32
      %get3A_74 = arith.index_cast %get3A_73 : i32 to index
      %get3A_75 = arith.constant 96 : index
      %get3A_76 = tpu.vector_load %arg5[%get3A_74, %get3A_75] {strides = array<i32>} : memref<16x128xf32, #tpu.memory_space<vmem>>, vector<1x16xf32>,
      %get3A_77 = vector.shape_cast %get3A_76 : vector<1x16xf32> to vector<16xf32>
      %lt3A_78 = arith.cmpf olt, %get3A_77, %select_n3A_68 : vector<16xf32>
      %select_n3A_79 = arith.select %lt3A_78, %get3A_77, %select_n3A_68 : vector<16xi1>, vector<16xf32>
      %add3A_80 = arith.constant 96 : i32
      %add3A_81 = vector.broadcast %add3A_80 : i32 to vector<16xi32>
      %add3A_82 = arith.addi %iota3A, %add3A_81 : vector<16xi32>
      %select_n3A_83 = arith.select %lt3A_78, %add3A_82, %select_n3A_72 : vector<16xi1>, vector<16xi32>
      %get3A_84 = arith.constant 0 : i32
      %get3A_85 = arith.index_cast %get3A_84 : i32 to index
      %get3A_86 = arith.constant 112 : index
      %get3A_87 = tpu.vector_load %arg5[%get3A_85, %get3A_86] {strides = array<i32>} : memref<16x128xf32, #tpu.memory_space<vmem>>, vector<1x16xf32>,
      %get3A_88 = vector.shape_cast %get3A_87 : vector<1x16xf32> to vector<16xf32>
      %lt3A_89 = arith.cmpf olt, %get3A_88, %select_n3A_79 : vector<16xf32>
      %select_n3A_90 = arith.select %lt3A_89, %get3A_88, %select_n3A_79 : vector<16xi1>, vector<16xf32>
      %add3A_91 = arith.constant 112 : i32
      %add3A_92 = vector.broadcast %add3A_91 : i32 to vector<16xi32>
      %add3A_93 = arith.addi %iota3A, %add3A_92 : vector<16xi32>
      %select_n3A_94 = arith.select %lt3A_89, %add3A_93, %select_n3A_83 : vector<16xi1>, vector<16xi32>
      %xor3A = arith.constant 1 : i32
      %xor3A_95 = vector.broadcast %xor3A : i32 to vector<16xi32>
      %xor3A_96 = arith.xori %iota3A, %xor3A_95 : vector<16xi32>
      %broadcast_in_dim3A_97 = vector.shape_cast %xor3A_96 : vector<16xi32> to vector<16x1xi32>
      %gather3A = vector.shape_cast %broadcast_in_dim3A_97 : vector<16x1xi32> to vector<16xi32>
      %gather3A_98 = tpu.dynamic_gather %select_n3A_90[%gather3A] in [0] : vector<16xf32>, vector<16xi32> -> vector<16xf32>
      %broadcast_in_dim3A_99 = vector.shape_cast %xor3A_96 : vector<16xi32> to vector<16x1xi32>
      %gather3A_100 = vector.shape_cast %broadcast_in_dim3A_99 : vector<16x1xi32> to vector<16xi32>
      %gather3A_101 = tpu.dynamic_gather %select_n3A_94[%gather3A_100] in [0] : vector<16xi32>, vector<16xi32> -> vector<16xi32>
      %lt3A_102 = arith.cmpf olt, %gather3A_98, %select_n3A_90 : vector<16xf32>
      %eq3A_103 = arith.cmpf oeq, %gather3A_98, %select_n3A_90 : vector<16xf32>
      %lt3A_104 = arith.cmpi slt, %gather3A_101, %select_n3A_94 : vector<16xi32>
      %and3A_105 = arith.andi %eq3A_103, %lt3A_104 : vector<16xi1>
      %or3A = arith.ori %lt3A_102, %and3A_105 : vector<16xi1>
      %select_n3A_106 = arith.select %or3A, %gather3A_98, %select_n3A_90 : vector<16xi1>, vector<16xf32>
      %select_n3A_107 = arith.select %or3A, %gather3A_101, %select_n3A_94 : vector<16xi1>, vector<16xi32>
      %xor3A_108 = arith.constant 2 : i32
      %xor3A_109 = vector.broadcast %xor3A_108 : i32 to vector<16xi32>
      %xor3A_110 = arith.xori %iota3A, %xor3A_109 : vector<16xi32>
      %broadcast_in_dim3A_111 = vector.shape_cast %xor3A_110 : vector<16xi32> to vector<16x1xi32>
      %gather3A_112 = vector.shape_cast %broadcast_in_dim3A_111 : vector<16x1xi32> to vector<16xi32>
      %gather3A_113 = tpu.dynamic_gather %select_n3A_106[%gather3A_112] in [0] : vector<16xf32>, vector<16xi32> -> vector<16xf32>
      %broadcast_in_dim3A_114 = vector.shape_cast %xor3A_110 : vector<16xi32> to vector<16x1xi32>
      %gather3A_115 = vector.shape_cast %broadcast_in_dim3A_114 : vector<16x1xi32> to vector<16xi32>
      %gather3A_116 = tpu.dynamic_gather %select_n3A_107[%gather3A_115] in [0] : vector<16xi32>, vector<16xi32> -> vector<16xi32>
      %lt3A_117 = arith.cmpf olt, %gather3A_113, %select_n3A_106 : vector<16xf32>
      %eq3A_118 = arith.cmpf oeq, %gather3A_113, %select_n3A_106 : vector<16xf32>
      %lt3A_119 = arith.cmpi slt, %gather3A_116, %select_n3A_107 : vector<16xi32>
      %and3A_120 = arith.andi %eq3A_118, %lt3A_119 : vector<16xi1>
      %or3A_121 = arith.ori %lt3A_117, %and3A_120 : vector<16xi1>
      %select_n3A_122 = arith.select %or3A_121, %gather3A_113, %select_n3A_106 : vector<16xi1>, vector<16xf32>
      %select_n3A_123 = arith.select %or3A_121, %gather3A_116, %select_n3A_107 : vector<16xi1>, vector<16xi32>
      %xor3A_124 = arith.constant 4 : i32
      %xor3A_125 = vector.broadcast %xor3A_124 : i32 to vector<16xi32>
      %xor3A_126 = arith.xori %iota3A, %xor3A_125 : vector<16xi32>
      %broadcast_in_dim3A_127 = vector.shape_cast %xor3A_126 : vector<16xi32> to vector<16x1xi32>
      %gather3A_128 = vector.shape_cast %broadcast_in_dim3A_127 : vector<16x1xi32> to vector<16xi32>
      %gather3A_129 = tpu.dynamic_gather %select_n3A_122[%gather3A_128] in [0] : vector<16xf32>, vector<16xi32> -> vector<16xf32>
      %broadcast_in_dim3A_130 = vector.shape_cast %xor3A_126 : vector<16xi32> to vector<16x1xi32>
      %gather3A_131 = vector.shape_cast %broadcast_in_dim3A_130 : vector<16x1xi32> to vector<16xi32>
      %gather3A_132 = tpu.dynamic_gather %select_n3A_123[%gather3A_131] in [0] : vector<16xi32>, vector<16xi32> -> vector<16xi32>
      %lt3A_133 = arith.cmpf olt, %gather3A_129, %select_n3A_122 : vector<16xf32>
      %eq3A_134 = arith.cmpf oeq, %gather3A_129, %select_n3A_122 : vector<16xf32>
      %lt3A_135 = arith.cmpi slt, %gather3A_132, %select_n3A_123 : vector<16xi32>
      %and3A_136 = arith.andi %eq3A_134, %lt3A_135 : vector<16xi1>
      %or3A_137 = arith.ori %lt3A_133, %and3A_136 : vector<16xi1>
      %select_n3A_138 = arith.select %or3A_137, %gather3A_129, %select_n3A_122 : vector<16xi1>, vector<16xf32>
      %select_n3A_139 = arith.select %or3A_137, %gather3A_132, %select_n3A_123 : vector<16xi1>, vector<16xi32>
      %xor3A_140 = arith.constant 8 : i32
      %xor3A_141 = vector.broadcast %xor3A_140 : i32 to vector<16xi32>
      %xor3A_142 = arith.xori %iota3A, %xor3A_141 : vector<16xi32>
      %broadcast_in_dim3A_143 = vector.shape_cast %xor3A_142 : vector<16xi32> to vector<16x1xi32>
      %gather3A_144 = vector.shape_cast %broadcast_in_dim3A_143 : vector<16x1xi32> to vector<16xi32>
      %gather3A_145 = tpu.dynamic_gather %select_n3A_138[%gather3A_144] in [0] : vector<16xf32>, vector<16xi32> -> vector<16xf32>
      %broadcast_in_dim3A_146 = vector.shape_cast %xor3A_142 : vector<16xi32> to vector<16x1xi32>
      %gather3A_147 = vector.shape_cast %broadcast_in_dim3A_146 : vector<16x1xi32> to vector<16xi32>
      %gather3A_148 = tpu.dynamic_gather %select_n3A_139[%gather3A_147] in [0] : vector<16xi32>, vector<16xi32> -> vector<16xi32>
      %lt3A_149 = arith.cmpf olt, %gather3A_145, %select_n3A_138 : vector<16xf32>
      %eq3A_150 = arith.cmpf oeq, %gather3A_145, %select_n3A_138 : vector<16xf32>
      %lt3A_151 = arith.cmpi slt, %gather3A_148, %select_n3A_139 : vector<16xi32>
      %and3A_152 = arith.andi %eq3A_150, %lt3A_151 : vector<16xi1>
      %or3A_153 = arith.ori %lt3A_149, %and3A_152 : vector<16xi1>
      %select_n3A_154 = arith.select %or3A_153, %gather3A_145, %select_n3A_138 : vector<16xi1>, vector<16xf32>
      %select_n3A_155 = arith.select %or3A_153, %gather3A_148, %select_n3A_139 : vector<16xi1>, vector<16xi32>
      %eq3A_156 = arith.constant 0 : i32
      %eq3A_157 = vector.broadcast %eq3A_156 : i32 to vector<16xi32>
      %eq3A_158 = arith.cmpi eq, %iota3A, %eq3A_157 : vector<16xi32>
      %select_n3A_159 = arith.select %eq3A_158, %select_n3A_154, %broadcast_in_dim3A_4 : vector<16xi1>, vector<16xf32>
      %select_n3A_160 = arith.select %eq3A_158, %select_n3A_155, %broadcast_in_dim3A_6 : vector<16xi1>, vector<16xi32>
      %broadcast_in_dim3A_161 = arith.constant 3.400000e+38 : f32
      %broadcast_in_dim3A_162 = vector.broadcast %broadcast_in_dim3A_161 : f32 to vector<16xf32>
      %broadcast_in_dim3A_163 = arith.constant 0 : i32
      %broadcast_in_dim3A_164 = vector.broadcast %broadcast_in_dim3A_163 : i32 to vector<16xi32>
      %get3A_165 = arith.constant 1 : i32
      %get3A_166 = arith.index_cast %get3A_165 : i32 to index
      %get3A_167 = arith.constant 0 : index
      %get3A_168 = tpu.vector_load %arg5[%get3A_166, %get3A_167] {strides = array<i32>} : memref<16x128xf32, #tpu.memory_space<vmem>>, vector<1x16xf32>,
      %get3A_169 = vector.shape_cast %get3A_168 : vector<1x16xf32> to vector<16xf32>
      %lt3A_170 = arith.cmpf olt, %get3A_169, %broadcast_in_dim3A_162 : vector<16xf32>
      %select_n3A_171 = arith.select %lt3A_170, %get3A_169, %broadcast_in_dim3A_162 : vector<16xi1>, vector<16xf32>
      %add3A_172 = arith.constant 0 : i32
      %add3A_173 = vector.broadcast %add3A_172 : i32 to vector<16xi32>
      %add3A_174 = arith.addi %iota3A, %add3A_173 : vector<16xi32>
      %select_n3A_175 = arith.select %lt3A_170, %add3A_174, %broadcast_in_dim3A_164 : vector<16xi1>, vector<16xi32>
      %get3A_176 = arith.constant 1 : i32
      %get3A_177 = arith.index_cast %get3A_176 : i32 to index
      %get3A_178 = arith.constant 16 : index
      %get3A_179 = tpu.vector_load %arg5[%get3A_177, %get3A_178] {strides = array<i32>} : memref<16x128xf32, #tpu.memory_space<vmem>>, vector<1x16xf32>,
      %get3A_180 = vector.shape_cast %get3A_179 : vector<1x16xf32> to vector<16xf32>
      %lt3A_181 = arith.cmpf olt, %get3A_180, %select_n3A_171 : vector<16xf32>
      %select_n3A_182 = arith.select %lt3A_181, %get3A_180, %select_n3A_171 : vector<16xi1>, vector<16xf32>
      %add3A_183 = arith.constant 16 : i32
      %add3A_184 = vector.broadcast %add3A_183 : i32 to vector<16xi32>
      %add3A_185 = arith.addi %iota3A, %add3A_184 : vector<16xi32>
      %select_n3A_186 = arith.select %lt3A_181, %add3A_185, %select_n3A_175 : vector<16xi1>, vector<16xi32>
      %get3A_187 = arith.constant 1 : i32
      %get3A_188 = arith.index_cast %get3A_187 : i32 to index
      %get3A_189 = arith.constant 32 : index
      %get3A_190 = tpu.vector_load %arg5[%get3A_188, %get3A_189] {strides = array<i32>} : memref<16x128xf32, #tpu.memory_space<vmem>>, vector<1x16xf32>,
      %get3A_191 = vector.shape_cast %get3A_190 : vector<1x16xf32> to vector<16xf32>
      %lt3A_192 = arith.cmpf olt, %get3A_191, %select_n3A_182 : vector<16xf32>
      %select_n3A_193 = arith.select %lt3A_192, %get3A_191, %select_n3A_182 : vector<16xi1>, vector<16xf32>
      %add3A_194 = arith.constant 32 : i32
      %add3A_195 = vector.broadcast %add3A_194 : i32 to vector<16xi32>
      %add3A_196 = arith.addi %iota3A, %add3A_195 : vector<16xi32>
      %select_n3A_197 = arith.select %lt3A_192, %add3A_196, %select_n3A_186 : vector<16xi1>, vector<16xi32>
      %get3A_198 = arith.constant 1 : i32
      %get3A_199 = arith.index_cast %get3A_198 : i32 to index
      %get3A_200 = arith.constant 48 : index
      %get3A_201 = tpu.vector_load %arg5[%get3A_199, %get3A_200] {strides = array<i32>} : memref<16x128xf32, #tpu.memory_space<vmem>>, vector<1x16xf32>,
      %get3A_202 = vector.shape_cast %get3A_201 : vector<1x16xf32> to vector<16xf32>
      %lt3A_203 = arith.cmpf olt, %get3A_202, %select_n3A_193 : vector<16xf32>
      %select_n3A_204 = arith.select %lt3A_203, %get3A_202, %select_n3A_193 : vector<16xi1>, vector<16xf32>
      %add3A_205 = arith.constant 48 : i32
      %add3A_206 = vector.broadcast %add3A_205 : i32 to vector<16xi32>
      %add3A_207 = arith.addi %iota3A, %add3A_206 : vector<16xi32>
      %select_n3A_208 = arith.select %lt3A_203, %add3A_207, %select_n3A_197 : vector<16xi1>, vector<16xi32>
      %get3A_209 = arith.constant 1 : i32
      %get3A_210 = arith.index_cast %get3A_209 : i32 to index
      %get3A_211 = arith.constant 64 : index
      %get3A_212 = tpu.vector_load %arg5[%get3A_210, %get3A_211] {strides = array<i32>} : memref<16x128xf32, #tpu.memory_space<vmem>>, vector<1x16xf32>,
      %get3A_213 = vector.shape_cast %get3A_212 : vector<1x16xf32> to vector<16xf32>
      %lt3A_214 = arith.cmpf olt, %get3A_213, %select_n3A_204 : vector<16xf32>
      %select_n3A_215 = arith.select %lt3A_214, %get3A_213, %select_n3A_204 : vector<16xi1>, vector<16xf32>
      %add3A_216 = arith.constant 64 : i32
      %add3A_217 = vector.broadcast %add3A_216 : i32 to vector<16xi32>
      %add3A_218 = arith.addi %iota3A, %add3A_217 : vector<16xi32>
      %select_n3A_219 = arith.select %lt3A_214, %add3A_218, %select_n3A_208 : vector<16xi1>, vector<16xi32>
      %get3A_220 = arith.constant 1 : i32
      %get3A_221 = arith.index_cast %get3A_220 : i32 to index
      %get3A_222 = arith.constant 80 : index
      %get3A_223 = tpu.vector_load %arg5[%get3A_221, %get3A_222] {strides = array<i32>} : memref<16x128xf32, #tpu.memory_space<vmem>>, vector<1x16xf32>,
      %get3A_224 = vector.shape_cast %get3A_223 : vector<1x16xf32> to vector<16xf32>
      %lt3A_225 = arith.cmpf olt, %get3A_224, %select_n3A_215 : vector<16xf32>
      %select_n3A_226 = arith.select %lt3A_225, %get3A_224, %select_n3A_215 : vector<16xi1>, vector<16xf32>
      %add3A_227 = arith.constant 80 : i32
      %add3A_228 = vector.broadcast %add3A_227 : i32 to vector<16xi32>
      %add3A_229 = arith.addi %iota3A, %add3A_228 : vector<16xi32>
      %select_n3A_230 = arith.select %lt3A_225, %add3A_229, %select_n3A_219 : vector<16xi1>, vector<16xi32>
      %get3A_231 = arith.constant 1 : i32
      %get3A_232 = arith.index_cast %get3A_231 : i32 to index
      %get3A_233 = arith.constant 96 : index
      %get3A_234 = tpu.vector_load %arg5[%get3A_232, %get3A_233] {strides = array<i32>} : memref<16x128xf32, #tpu.memory_space<vmem>>, vector<1x16xf32>,
      %get3A_235 = vector.shape_cast %get3A_234 : vector<1x16xf32> to vector<16xf32>
      %lt3A_236 = arith.cmpf olt, %get3A_235, %select_n3A_226 : vector<16xf32>
      %select_n3A_237 = arith.select %lt3A_236, %get3A_235, %select_n3A_226 : vector<16xi1>, vector<16xf32>
      %add3A_238 = arith.constant 96 : i32
      %add3A_239 = vector.broadcast %add3A_238 : i32 to vector<16xi32>
      %add3A_240 = arith.addi %iota3A, %add3A_239 : vector<16xi32>
      %select_n3A_241 = arith.select %lt3A_236, %add3A_240, %select_n3A_230 : vector<16xi1>, vector<16xi32>
      %get3A_242 = arith.constant 1 : i32
      %get3A_243 = arith.index_cast %get3A_242 : i32 to index
      %get3A_244 = arith.constant 112 : index
      %get3A_245 = tpu.vector_load %arg5[%get3A_243, %get3A_244] {strides = array<i32>} : memref<16x128xf32, #tpu.memory_space<vmem>>, vector<1x16xf32>,
      %get3A_246 = vector.shape_cast %get3A_245 : vector<1x16xf32> to vector<16xf32>
      %lt3A_247 = arith.cmpf olt, %get3A_246, %select_n3A_237 : vector<16xf32>
      %select_n3A_248 = arith.select %lt3A_247, %get3A_246, %select_n3A_237 : vector<16xi1>, vector<16xf32>
      %add3A_249 = arith.constant 112 : i32
      %add3A_250 = vector.broadcast %add3A_249 : i32 to vector<16xi32>
      %add3A_251 = arith.addi %iota3A, %add3A_250 : vector<16xi32>
      %select_n3A_252 = arith.select %lt3A_247, %add3A_251, %select_n3A_241 : vector<16xi1>, vector<16xi32>
      %xor3A_253 = arith.constant 1 : i32
      %xor3A_254 = vector.broadcast %xor3A_253 : i32 to vector<16xi32>
      %xor3A_255 = arith.xori %iota3A, %xor3A_254 : vector<16xi32>
      %broadcast_in_dim3A_256 = vector.shape_cast %xor3A_255 : vector<16xi32> to vector<16x1xi32>
      %gather3A_257 = vector.shape_cast %broadcast_in_dim3A_256 : vector<16x1xi32> to vector<16xi32>
      %gather3A_258 = tpu.dynamic_gather %select_n3A_248[%gather3A_257] in [0] : vector<16xf32>, vector<16xi32> -> vector<16xf32>
      %broadcast_in_dim3A_259 = vector.shape_cast %xor3A_255 : vector<16xi32> to vector<16x1xi32>
      %gather3A_260 = vector.shape_cast %broadcast_in_dim3A_259 : vector<16x1xi32> to vector<16xi32>
      %gather3A_261 = tpu.dynamic_gather %select_n3A_252[%gather3A_260] in [0] : vector<16xi32>, vector<16xi32> -> vector<16xi32>
      %lt3A_262 = arith.cmpf olt, %gather3A_258, %select_n3A_248 : vector<16xf32>
      %eq3A_263 = arith.cmpf oeq, %gather3A_258, %select_n3A_248 : vector<16xf32>
      %lt3A_264 = arith.cmpi slt, %gather3A_261, %select_n3A_252 : vector<16xi32>
      %and3A_265 = arith.andi %eq3A_263, %lt3A_264 : vector<16xi1>
      %or3A_266 = arith.ori %lt3A_262, %and3A_265 : vector<16xi1>
      %select_n3A_267 = arith.select %or3A_266, %gather3A_258, %select_n3A_248 : vector<16xi1>, vector<16xf32>
      %select_n3A_268 = arith.select %or3A_266, %gather3A_261, %select_n3A_252 : vector<16xi1>, vector<16xi32>
      %xor3A_269 = arith.constant 2 : i32
      %xor3A_270 = vector.broadcast %xor3A_269 : i32 to vector<16xi32>
      %xor3A_271 = arith.xori %iota3A, %xor3A_270 : vector<16xi32>
      %broadcast_in_dim3A_272 = vector.shape_cast %xor3A_271 : vector<16xi32> to vector<16x1xi32>
      %gather3A_273 = vector.shape_cast %broadcast_in_dim3A_272 : vector<16x1xi32> to vector<16xi32>
      %gather3A_274 = tpu.dynamic_gather %select_n3A_267[%gather3A_273] in [0] : vector<16xf32>, vector<16xi32> -> vector<16xf32>
      %broadcast_in_dim3A_275 = vector.shape_cast %xor3A_271 : vector<16xi32> to vector<16x1xi32>
      %gather3A_276 = vector.shape_cast %broadcast_in_dim3A_275 : vector<16x1xi32> to vector<16xi32>
      %gather3A_277 = tpu.dynamic_gather %select_n3A_268[%gather3A_276] in [0] : vector<16xi32>, vector<16xi32> -> vector<16xi32>
      %lt3A_278 = arith.cmpf olt, %gather3A_274, %select_n3A_267 : vector<16xf32>
      %eq3A_279 = arith.cmpf oeq, %gather3A_274, %select_n3A_267 : vector<16xf32>
      %lt3A_280 = arith.cmpi slt, %gather3A_277, %select_n3A_268 : vector<16xi32>
      %and3A_281 = arith.andi %eq3A_279, %lt3A_280 : vector<16xi1>
      %or3A_282 = arith.ori %lt3A_278, %and3A_281 : vector<16xi1>
      %select_n3A_283 = arith.select %or3A_282, %gather3A_274, %select_n3A_267 : vector<16xi1>, vector<16xf32>
      %select_n3A_284 = arith.select %or3A_282, %gather3A_277, %select_n3A_268 : vector<16xi1>, vector<16xi32>
      %xor3A_285 = arith.constant 4 : i32
      %xor3A_286 = vector.broadcast %xor3A_285 : i32 to vector<16xi32>
      %xor3A_287 = arith.xori %iota3A, %xor3A_286 : vector<16xi32>
      %broadcast_in_dim3A_288 = vector.shape_cast %xor3A_287 : vector<16xi32> to vector<16x1xi32>
      %gather3A_289 = vector.shape_cast %broadcast_in_dim3A_288 : vector<16x1xi32> to vector<16xi32>
      %gather3A_290 = tpu.dynamic_gather %select_n3A_283[%gather3A_289] in [0] : vector<16xf32>, vector<16xi32> -> vector<16xf32>
      %broadcast_in_dim3A_291 = vector.shape_cast %xor3A_287 : vector<16xi32> to vector<16x1xi32>
      %gather3A_292 = vector.shape_cast %broadcast_in_dim3A_291 : vector<16x1xi32> to vector<16xi32>
      %gather3A_293 = tpu.dynamic_gather %select_n3A_284[%gather3A_292] in [0] : vector<16xi32>, vector<16xi32> -> vector<16xi32>
      %lt3A_294 = arith.cmpf olt, %gather3A_290, %select_n3A_283 : vector<16xf32>
      %eq3A_295 = arith.cmpf oeq, %gather3A_290, %select_n3A_283 : vector<16xf32>
      %lt3A_296 = arith.cmpi slt, %gather3A_293, %select_n3A_284 : vector<16xi32>
      %and3A_297 = arith.andi %eq3A_295, %lt3A_296 : vector<16xi1>
      %or3A_298 = arith.ori %lt3A_294, %and3A_297 : vector<16xi1>
      %select_n3A_299 = arith.select %or3A_298, %gather3A_290, %select_n3A_283 : vector<16xi1>, vector<16xf32>
      %select_n3A_300 = arith.select %or3A_298, %gather3A_293, %select_n3A_284 : vector<16xi1>, vector<16xi32>
      %xor3A_301 = arith.constant 8 : i32
      %xor3A_302 = vector.broadcast %xor3A_301 : i32 to vector<16xi32>
      %xor3A_303 = arith.xori %iota3A, %xor3A_302 : vector<16xi32>
      %broadcast_in_dim3A_304 = vector.shape_cast %xor3A_303 : vector<16xi32> to vector<16x1xi32>
      %gather3A_305 = vector.shape_cast %broadcast_in_dim3A_304 : vector<16x1xi32> to vector<16xi32>
      %gather3A_306 = tpu.dynamic_gather %select_n3A_299[%gather3A_305] in [0] : vector<16xf32>, vector<16xi32> -> vector<16xf32>
      %broadcast_in_dim3A_307 = vector.shape_cast %xor3A_303 : vector<16xi32> to vector<16x1xi32>
      %gather3A_308 = vector.shape_cast %broadcast_in_dim3A_307 : vector<16x1xi32> to vector<16xi32>
      %gather3A_309 = tpu.dynamic_gather %select_n3A_300[%gather3A_308] in [0] : vector<16xi32>, vector<16xi32> -> vector<16xi32>
      %lt3A_310 = arith.cmpf olt, %gather3A_306, %select_n3A_299 : vector<16xf32>
      %eq3A_311 = arith.cmpf oeq, %gather3A_306, %select_n3A_299 : vector<16xf32>
      %lt3A_312 = arith.cmpi slt, %gather3A_309, %select_n3A_300 : vector<16xi32>
      %and3A_313 = arith.andi %eq3A_311, %lt3A_312 : vector<16xi1>
      %or3A_314 = arith.ori %lt3A_310, %and3A_313 : vector<16xi1>
      %select_n3A_315 = arith.select %or3A_314, %gather3A_306, %select_n3A_299 : vector<16xi1>, vector<16xf32>
      %select_n3A_316 = arith.select %or3A_314, %gather3A_309, %select_n3A_300 : vector<16xi1>, vector<16xi32>
      %eq3A_317 = arith.constant 1 : i32
      %eq3A_318 = vector.broadcast %eq3A_317 : i32 to vector<16xi32>
      %eq3A_319 = arith.cmpi eq, %iota3A, %eq3A_318 : vector<16xi32>
      %select_n3A_320 = arith.select %eq3A_319, %select_n3A_315, %select_n3A_159 : vector<16xi1>, vector<16xf32>
      %select_n3A_321 = arith.select %eq3A_319, %select_n3A_316, %select_n3A_160 : vector<16xi1>, vector<16xi32>
      %broadcast_in_dim3A_322 = arith.constant 3.400000e+38 : f32
      %broadcast_in_dim3A_323 = vector.broadcast %broadcast_in_dim3A_322 : f32 to vector<16xf32>
      %broadcast_in_dim3A_324 = arith.constant 0 : i32
      %broadcast_in_dim3A_325 = vector.broadcast %broadcast_in_dim3A_324 : i32 to vector<16xi32>
      %get3A_326 = arith.constant 2 : i32
      %get3A_327 = arith.index_cast %get3A_326 : i32 to index
      %get3A_328 = arith.constant 0 : index
      %get3A_329 = tpu.vector_load %arg5[%get3A_327, %get3A_328] {strides = array<i32>} : memref<16x128xf32, #tpu.memory_space<vmem>>, vector<1x16xf32>,
      %get3A_330 = vector.shape_cast %get3A_329 : vector<1x16xf32> to vector<16xf32>
      %lt3A_331 = arith.cmpf olt, %get3A_330, %broadcast_in_dim3A_323 : vector<16xf32>
      %select_n3A_332 = arith.select %lt3A_331, %get3A_330, %broadcast_in_dim3A_323 : vector<16xi1>, vector<16xf32>
      %add3A_333 = arith.constant 0 : i32
      %add3A_334 = vector.broadcast %add3A_333 : i32 to vector<16xi32>
      %add3A_335 = arith.addi %iota3A, %add3A_334 : vector<16xi32>
      %select_n3A_336 = arith.select %lt3A_331, %add3A_335, %broadcast_in_dim3A_325 : vector<16xi1>, vector<16xi32>
      %get3A_337 = arith.constant 2 : i32
      %get3A_338 = arith.index_cast %get3A_337 : i32 to index
      %get3A_339 = arith.constant 16 : index
      %get3A_340 = tpu.vector_load %arg5[%get3A_338, %get3A_339] {strides = array<i32>} : memref<16x128xf32, #tpu.memory_space<vmem>>, vector<1x16xf32>,
      %get3A_341 = vector.shape_cast %get3A_340 : vector<1x16xf32> to vector<16xf32>
      %lt3A_342 = arith.cmpf olt, %get3A_341, %select_n3A_332 : vector<16xf32>
      %select_n3A_343 = arith.select %lt3A_342, %get3A_341, %select_n3A_332 : vector<16xi1>, vector<16xf32>
      %add3A_344 = arith.constant 16 : i32
      %add3A_345 = vector.broadcast %add3A_344 : i32 to vector<16xi32>
      %add3A_346 = arith.addi %iota3A, %add3A_345 : vector<16xi32>
      %select_n3A_347 = arith.select %lt3A_342, %add3A_346, %select_n3A_336 : vector<16xi1>, vector<16xi32>
      %get3A_348 = arith.constant 2 : i32
      %get3A_349 = arith.index_cast %get3A_348 : i32 to index
      %get3A_350 = arith.constant 32 : index
      %get3A_351 = tpu.vector_load %arg5[%get3A_349, %get3A_350] {strides = array<i32>} : memref<16x128xf32, #tpu.memory_space<vmem>>, vector<1x16xf32>,
      %get3A_352 = vector.shape_cast %get3A_351 : vector<1x16xf32> to vector<16xf32>
      %lt3A_353 = arith.cmpf olt, %get3A_352, %select_n3A_343 : vector<16xf32>
      %select_n3A_354 = arith.select %lt3A_353, %get3A_352, %select_n3A_343 : vector<16xi1>, vector<16xf32>
      %add3A_355 = arith.constant 32 : i32
      %add3A_356 = vector.broadcast %add3A_355 : i32 to vector<16xi32>
      %add3A_357 = arith.addi %iota3A, %add3A_356 : vector<16xi32>
      %select_n3A_358 = arith.select %lt3A_353, %add3A_357, %select_n3A_347 : vector<16xi1>, vector<16xi32>
      %get3A_359 = arith.constant 2 : i32
      %get3A_360 = arith.index_cast %get3A_359 : i32 to index
      %get3A_361 = arith.constant 48 : index
      %get3A_362 = tpu.vector_load %arg5[%get3A_360, %get3A_361] {strides = array<i32>} : memref<16x128xf32, #tpu.memory_space<vmem>>, vector<1x16xf32>,
      %get3A_363 = vector.shape_cast %get3A_362 : vector<1x16xf32> to vector<16xf32>
      %lt3A_364 = arith.cmpf olt, %get3A_363, %select_n3A_354 : vector<16xf32>
      %select_n3A_365 = arith.select %lt3A_364, %get3A_363, %select_n3A_354 : vector<16xi1>, vector<16xf32>
      %add3A_366 = arith.constant 48 : i32
      %add3A_367 = vector.broadcast %add3A_366 : i32 to vector<16xi32>
      %add3A_368 = arith.addi %iota3A, %add3A_367 : vector<16xi32>
      %select_n3A_369 = arith.select %lt3A_364, %add3A_368, %select_n3A_358 : vector<16xi1>, vector<16xi32>
      %get3A_370 = arith.constant 2 : i32
      %get3A_371 = arith.index_cast %get3A_370 : i32 to index
      %get3A_372 = arith.constant 64 : index
      %get3A_373 = tpu.vector_load %arg5[%get3A_371, %get3A_372] {strides = array<i32>} : memref<16x128xf32, #tpu.memory_space<vmem>>, vector<1x16xf32>,
      %get3A_374 = vector.shape_cast %get3A_373 : vector<1x16xf32> to vector<16xf32>
      %lt3A_375 = arith.cmpf olt, %get3A_374, %select_n3A_365 : vector<16xf32>
      %select_n3A_376 = arith.select %lt3A_375, %get3A_374, %select_n3A_365 : vector<16xi1>, vector<16xf32>
      %add3A_377 = arith.constant 64 : i32
      %add3A_378 = vector.broadcast %add3A_377 : i32 to vector<16xi32>
      %add3A_379 = arith.addi %iota3A, %add3A_378 : vector<16xi32>
      %select_n3A_380 = arith.select %lt3A_375, %add3A_379, %select_n3A_369 : vector<16xi1>, vector<16xi32>
      %get3A_381 = arith.constant 2 : i32
      %get3A_382 = arith.index_cast %get3A_381 : i32 to index
      %get3A_383 = arith.constant 80 : index
      %get3A_384 = tpu.vector_load %arg5[%get3A_382, %get3A_383] {strides = array<i32>} : memref<16x128xf32, #tpu.memory_space<vmem>>, vector<1x16xf32>,
      %get3A_385 = vector.shape_cast %get3A_384 : vector<1x16xf32> to vector<16xf32>
      %lt3A_386 = arith.cmpf olt, %get3A_385, %select_n3A_376 : vector<16xf32>
      %select_n3A_387 = arith.select %lt3A_386, %get3A_385, %select_n3A_376 : vector<16xi1>, vector<16xf32>
      %add3A_388 = arith.constant 80 : i32
      %add3A_389 = vector.broadcast %add3A_388 : i32 to vector<16xi32>
      %add3A_390 = arith.addi %iota3A, %add3A_389 : vector<16xi32>
      %select_n3A_391 = arith.select %lt3A_386, %add3A_390, %select_n3A_380 : vector<16xi1>, vector<16xi32>
      %get3A_392 = arith.constant 2 : i32
      %get3A_393 = arith.index_cast %get3A_392 : i32 to index
      %get3A_394 = arith.constant 96 : index
      %get3A_395 = tpu.vector_load %arg5[%get3A_393, %get3A_394] {strides = array<i32>} : memref<16x128xf32, #tpu.memory_space<vmem>>, vector<1x16xf32>,
      %get3A_396 = vector.shape_cast %get3A_395 : vector<1x16xf32> to vector<16xf32>
      %lt3A_397 = arith.cmpf olt, %get3A_396, %select_n3A_387 : vector<16xf32>
      %select_n3A_398 = arith.select %lt3A_397, %get3A_396, %select_n3A_387 : vector<16xi1>, vector<16xf32>
      %add3A_399 = arith.constant 96 : i32
      %add3A_400 = vector.broadcast %add3A_399 : i32 to vector<16xi32>
      %add3A_401 = arith.addi %iota3A, %add3A_400 : vector<16xi32>
      %select_n3A_402 = arith.select %lt3A_397, %add3A_401, %select_n3A_391 : vector<16xi1>, vector<16xi32>
      %get3A_403 = arith.constant 2 : i32
      %get3A_404 = arith.index_cast %get3A_403 : i32 to index
      %get3A_405 = arith.constant 112 : index
      %get3A_406 = tpu.vector_load %arg5[%get3A_404, %get3A_405] {strides = array<i32>} : memref<16x128xf32, #tpu.memory_space<vmem>>, vector<1x16xf32>,
      %get3A_407 = vector.shape_cast %get3A_406 : vector<1x16xf32> to vector<16xf32>
      %lt3A_408 = arith.cmpf olt, %get3A_407, %select_n3A_398 : vector<16xf32>
      %select_n3A_409 = arith.select %lt3A_408, %get3A_407, %select_n3A_398 : vector<16xi1>, vector<16xf32>
      %add3A_410 = arith.constant 112 : i32
      %add3A_411 = vector.broadcast %add3A_410 : i32 to vector<16xi32>
      %add3A_412 = arith.addi %iota3A, %add3A_411 : vector<16xi32>
      %select_n3A_413 = arith.select %lt3A_408, %add3A_412, %select_n3A_402 : vector<16xi1>, vector<16xi32>
      %xor3A_414 = arith.constant 1 : i32
      %xor3A_415 = vector.broadcast %xor3A_414 : i32 to vector<16xi32>
      %xor3A_416 = arith.xori %iota3A, %xor3A_415 : vector<16xi32>
      %broadcast_in_dim3A_417 = vector.shape_cast %xor3A_416 : vector<16xi32> to vector<16x1xi32>
      %gather3A_418 = vector.shape_cast %broadcast_in_dim3A_417 : vector<16x1xi32> to vector<16xi32>
      %gather3A_419 = tpu.dynamic_gather %select_n3A_409[%gather3A_418] in [0] : vector<16xf32>, vector<16xi32> -> vector<16xf32>
      %broadcast_in_dim3A_420 = vector.shape_cast %xor3A_416 : vector<16xi32> to vector<16x1xi32>
      %gather3A_421 = vector.shape_cast %broadcast_in_dim3A_420 : vector<16x1xi32> to vector<16xi32>
      %gather3A_422 = tpu.dynamic_gather %select_n3A_413[%gather3A_421] in [0] : vector<16xi32>, vector<16xi32> -> vector<16xi32>
      %lt3A_423 = arith.cmpf olt, %gather3A_419, %select_n3A_409 : vector<16xf32>
      %eq3A_424 = arith.cmpf oeq, %gather3A_419, %select_n3A_409 : vector<16xf32>
      %lt3A_425 = arith.cmpi slt, %gather3A_422, %select_n3A_413 : vector<16xi32>
      %and3A_426 = arith.andi %eq3A_424, %lt3A_425 : vector<16xi1>
      %or3A_427 = arith.ori %lt3A_423, %and3A_426 : vector<16xi1>
      %select_n3A_428 = arith.select %or3A_427, %gather3A_419, %select_n3A_409 : vector<16xi1>, vector<16xf32>
      %select_n3A_429 = arith.select %or3A_427, %gather3A_422, %select_n3A_413 : vector<16xi1>, vector<16xi32>
      %xor3A_430 = arith.constant 2 : i32
      %xor3A_431 = vector.broadcast %xor3A_430 : i32 to vector<16xi32>
      %xor3A_432 = arith.xori %iota3A, %xor3A_431 : vector<16xi32>
      %broadcast_in_dim3A_433 = vector.shape_cast %xor3A_432 : vector<16xi32> to vector<16x1xi32>
      %gather3A_434 = vector.shape_cast %broadcast_in_dim3A_433 : vector<16x1xi32> to vector<16xi32>
      %gather3A_435 = tpu.dynamic_gather %select_n3A_428[%gather3A_434] in [0] : vector<16xf32>, vector<16xi32> -> vector<16xf32>
      %broadcast_in_dim3A_436 = vector.shape_cast %xor3A_432 : vector<16xi32> to vector<16x1xi32>
      %gather3A_437 = vector.shape_cast %broadcast_in_dim3A_436 : vector<16x1xi32> to vector<16xi32>
      %gather3A_438 = tpu.dynamic_gather %select_n3A_429[%gather3A_437] in [0] : vector<16xi32>, vector<16xi32> -> vector<16xi32>
      %lt3A_439 = arith.cmpf olt, %gather3A_435, %select_n3A_428 : vector<16xf32>
      %eq3A_440 = arith.cmpf oeq, %gather3A_435, %select_n3A_428 : vector<16xf32>
      %lt3A_441 = arith.cmpi slt, %gather3A_438, %select_n3A_429 : vector<16xi32>
      %and3A_442 = arith.andi %eq3A_440, %lt3A_441 : vector<16xi1>
      %or3A_443 = arith.ori %lt3A_439, %and3A_442 : vector<16xi1>
      %select_n3A_444 = arith.select %or3A_443, %gather3A_435, %select_n3A_428 : vector<16xi1>, vector<16xf32>
      %select_n3A_445 = arith.select %or3A_443, %gather3A_438, %select_n3A_429 : vector<16xi1>, vector<16xi32>
      %xor3A_446 = arith.constant 4 : i32
      %xor3A_447 = vector.broadcast %xor3A_446 : i32 to vector<16xi32>
      %xor3A_448 = arith.xori %iota3A, %xor3A_447 : vector<16xi32>
      %broadcast_in_dim3A_449 = vector.shape_cast %xor3A_448 : vector<16xi32> to vector<16x1xi32>
      %gather3A_450 = vector.shape_cast %broadcast_in_dim3A_449 : vector<16x1xi32> to vector<16xi32>
      %gather3A_451 = tpu.dynamic_gather %select_n3A_444[%gather3A_450] in [0] : vector<16xf32>, vector<16xi32> -> vector<16xf32>
      %broadcast_in_dim3A_452 = vector.shape_cast %xor3A_448 : vector<16xi32> to vector<16x1xi32>
      %gather3A_453 = vector.shape_cast %broadcast_in_dim3A_452 : vector<16x1xi32> to vector<16xi32>
      %gather3A_454 = tpu.dynamic_gather %select_n3A_445[%gather3A_453] in [0] : vector<16xi32>, vector<16xi32> -> vector<16xi32>
      %lt3A_455 = arith.cmpf olt, %gather3A_451, %select_n3A_444 : vector<16xf32>
      %eq3A_456 = arith.cmpf oeq, %gather3A_451, %select_n3A_444 : vector<16xf32>
      %lt3A_457 = arith.cmpi slt, %gather3A_454, %select_n3A_445 : vector<16xi32>
      %and3A_458 = arith.andi %eq3A_456, %lt3A_457 : vector<16xi1>
      %or3A_459 = arith.ori %lt3A_455, %and3A_458 : vector<16xi1>
      %select_n3A_460 = arith.select %or3A_459, %gather3A_451, %select_n3A_444 : vector<16xi1>, vector<16xf32>
      %select_n3A_461 = arith.select %or3A_459, %gather3A_454, %select_n3A_445 : vector<16xi1>, vector<16xi32>
      %xor3A_462 = arith.constant 8 : i32
      %xor3A_463 = vector.broadcast %xor3A_462 : i32 to vector<16xi32>
      %xor3A_464 = arith.xori %iota3A, %xor3A_463 : vector<16xi32>
      %broadcast_in_dim3A_465 = vector.shape_cast %xor3A_464 : vector<16xi32> to vector<16x1xi32>
      %gather3A_466 = vector.shape_cast %broadcast_in_dim3A_465 : vector<16x1xi32> to vector<16xi32>
      %gather3A_467 = tpu.dynamic_gather %select_n3A_460[%gather3A_466] in [0] : vector<16xf32>, vector<16xi32> -> vector<16xf32>
      %broadcast_in_dim3A_468 = vector.shape_cast %xor3A_464 : vector<16xi32> to vector<16x1xi32>
      %gather3A_469 = vector.shape_cast %broadcast_in_dim3A_468 : vector<16x1xi32> to vector<16xi32>
      %gather3A_470 = tpu.dynamic_gather %select_n3A_461[%gather3A_469] in [0] : vector<16xi32>, vector<16xi32> -> vector<16xi32>
      %lt3A_471 = arith.cmpf olt, %gather3A_467, %select_n3A_460 : vector<16xf32>
      %eq3A_472 = arith.cmpf oeq, %gather3A_467, %select_n3A_460 : vector<16xf32>
      %lt3A_473 = arith.cmpi slt, %gather3A_470, %select_n3A_461 : vector<16xi32>
      %and3A_474 = arith.andi %eq3A_472, %lt3A_473 : vector<16xi1>
      %or3A_475 = arith.ori %lt3A_471, %and3A_474 : vector<16xi1>
      %select_n3A_476 = arith.select %or3A_475, %gather3A_467, %select_n3A_460 : vector<16xi1>, vector<16xf32>
      %select_n3A_477 = arith.select %or3A_475, %gather3A_470, %select_n3A_461 : vector<16xi1>, vector<16xi32>
      %eq3A_478 = arith.constant 2 : i32
      %eq3A_479 = vector.broadcast %eq3A_478 : i32 to vector<16xi32>
      %eq3A_480 = arith.cmpi eq, %iota3A, %eq3A_479 : vector<16xi32>
      %select_n3A_481 = arith.select %eq3A_480, %select_n3A_476, %select_n3A_320 : vector<16xi1>, vector<16xf32>
      %select_n3A_482 = arith.select %eq3A_480, %select_n3A_477, %select_n3A_321 : vector<16xi1>, vector<16xi32>
      %broadcast_in_dim3A_483 = arith.constant 3.400000e+38 : f32
      %broadcast_in_dim3A_484 = vector.broadcast %broadcast_in_dim3A_483 : f32 to vector<16xf32>
      %broadcast_in_dim3A_485 = arith.constant 0 : i32
      %broadcast_in_dim3A_486 = vector.broadcast %broadcast_in_dim3A_485 : i32 to vector<16xi32>
      %get3A_487 = arith.constant 3 : i32
      %get3A_488 = arith.index_cast %get3A_487 : i32 to index
      %get3A_489 = arith.constant 0 : index
      %get3A_490 = tpu.vector_load %arg5[%get3A_488, %get3A_489] {strides = array<i32>} : memref<16x128xf32, #tpu.memory_space<vmem>>, vector<1x16xf32>,
      %get3A_491 = vector.shape_cast %get3A_490 : vector<1x16xf32> to vector<16xf32>
      %lt3A_492 = arith.cmpf olt, %get3A_491, %broadcast_in_dim3A_484 : vector<16xf32>
      %select_n3A_493 = arith.select %lt3A_492, %get3A_491, %broadcast_in_dim3A_484 : vector<16xi1>, vector<16xf32>
      %add3A_494 = arith.constant 0 : i32
      %add3A_495 = vector.broadcast %add3A_494 : i32 to vector<16xi32>
      %add3A_496 = arith.addi %iota3A, %add3A_495 : vector<16xi32>
      %select_n3A_497 = arith.select %lt3A_492, %add3A_496, %broadcast_in_dim3A_486 : vector<16xi1>, vector<16xi32>
      %get3A_498 = arith.constant 3 : i32
      %get3A_499 = arith.index_cast %get3A_498 : i32 to index
      %get3A_500 = arith.constant 16 : index
      %get3A_501 = tpu.vector_load %arg5[%get3A_499, %get3A_500] {strides = array<i32>} : memref<16x128xf32, #tpu.memory_space<vmem>>, vector<1x16xf32>,
      %get3A_502 = vector.shape_cast %get3A_501 : vector<1x16xf32> to vector<16xf32>
      %lt3A_503 = arith.cmpf olt, %get3A_502, %select_n3A_493 : vector<16xf32>
      %select_n3A_504 = arith.select %lt3A_503, %get3A_502, %select_n3A_493 : vector<16xi1>, vector<16xf32>
      %add3A_505 = arith.constant 16 : i32
      %add3A_506 = vector.broadcast %add3A_505 : i32 to vector<16xi32>
      %add3A_507 = arith.addi %iota3A, %add3A_506 : vector<16xi32>
      %select_n3A_508 = arith.select %lt3A_503, %add3A_507, %select_n3A_497 : vector<16xi1>, vector<16xi32>
      %get3A_509 = arith.constant 3 : i32
      %get3A_510 = arith.index_cast %get3A_509 : i32 to index
      %get3A_511 = arith.constant 32 : index
      %get3A_512 = tpu.vector_load %arg5[%get3A_510, %get3A_511] {strides = array<i32>} : memref<16x128xf32, #tpu.memory_space<vmem>>, vector<1x16xf32>,
      %get3A_513 = vector.shape_cast %get3A_512 : vector<1x16xf32> to vector<16xf32>
      %lt3A_514 = arith.cmpf olt, %get3A_513, %select_n3A_504 : vector<16xf32>
      %select_n3A_515 = arith.select %lt3A_514, %get3A_513, %select_n3A_504 : vector<16xi1>, vector<16xf32>
      %add3A_516 = arith.constant 32 : i32
      %add3A_517 = vector.broadcast %add3A_516 : i32 to vector<16xi32>
      %add3A_518 = arith.addi %iota3A, %add3A_517 : vector<16xi32>
      %select_n3A_519 = arith.select %lt3A_514, %add3A_518, %select_n3A_508 : vector<16xi1>, vector<16xi32>
      %get3A_520 = arith.constant 3 : i32
      %get3A_521 = arith.index_cast %get3A_520 : i32 to index
      %get3A_522 = arith.constant 48 : index
      %get3A_523 = tpu.vector_load %arg5[%get3A_521, %get3A_522] {strides = array<i32>} : memref<16x128xf32, #tpu.memory_space<vmem>>, vector<1x16xf32>,
      %get3A_524 = vector.shape_cast %get3A_523 : vector<1x16xf32> to vector<16xf32>
      %lt3A_525 = arith.cmpf olt, %get3A_524, %select_n3A_515 : vector<16xf32>
      %select_n3A_526 = arith.select %lt3A_525, %get3A_524, %select_n3A_515 : vector<16xi1>, vector<16xf32>
      %add3A_527 = arith.constant 48 : i32
      %add3A_528 = vector.broadcast %add3A_527 : i32 to vector<16xi32>
      %add3A_529 = arith.addi %iota3A, %add3A_528 : vector<16xi32>
      %select_n3A_530 = arith.select %lt3A_525, %add3A_529, %select_n3A_519 : vector<16xi1>, vector<16xi32>
      %get3A_531 = arith.constant 3 : i32
      %get3A_532 = arith.index_cast %get3A_531 : i32 to index
      %get3A_533 = arith.constant 64 : index
      %get3A_534 = tpu.vector_load %arg5[%get3A_532, %get3A_533] {strides = array<i32>} : memref<16x128xf32, #tpu.memory_space<vmem>>, vector<1x16xf32>,
      %get3A_535 = vector.shape_cast %get3A_534 : vector<1x16xf32> to vector<16xf32>
      %lt3A_536 = arith.cmpf olt, %get3A_535, %select_n3A_526 : vector<16xf32>
      %select_n3A_537 = arith.select %lt3A_536, %get3A_535, %select_n3A_526 : vector<16xi1>, vector<16xf32>
      %add3A_538 = arith.constant 64 : i32
      %add3A_539 = vector.broadcast %add3A_538 : i32 to vector<16xi32>
      %add3A_540 = arith.addi %iota3A, %add3A_539 : vector<16xi32>
      %select_n3A_541 = arith.select %lt3A_536, %add3A_540, %select_n3A_530 : vector<16xi1>, vector<16xi32>
      %get3A_542 = arith.constant 3 : i32
      %get3A_543 = arith.index_cast %get3A_542 : i32 to index
      %get3A_544 = arith.constant 80 : index
      %get3A_545 = tpu.vector_load %arg5[%get3A_543, %get3A_544] {strides = array<i32>} : memref<16x128xf32, #tpu.memory_space<vmem>>, vector<1x16xf32>,
      %get3A_546 = vector.shape_cast %get3A_545 : vector<1x16xf32> to vector<16xf32>
      %lt3A_547 = arith.cmpf olt, %get3A_546, %select_n3A_537 : vector<16xf32>
      %select_n3A_548 = arith.select %lt3A_547, %get3A_546, %select_n3A_537 : vector<16xi1>, vector<16xf32>
      %add3A_549 = arith.constant 80 : i32
      %add3A_550 = vector.broadcast %add3A_549 : i32 to vector<16xi32>
      %add3A_551 = arith.addi %iota3A, %add3A_550 : vector<16xi32>
      %select_n3A_552 = arith.select %lt3A_547, %add3A_551, %select_n3A_541 : vector<16xi1>, vector<16xi32>
      %get3A_553 = arith.constant 3 : i32
      %get3A_554 = arith.index_cast %get3A_553 : i32 to index
      %get3A_555 = arith.constant 96 : index
      %get3A_556 = tpu.vector_load %arg5[%get3A_554, %get3A_555] {strides = array<i32>} : memref<16x128xf32, #tpu.memory_space<vmem>>, vector<1x16xf32>,
      %get3A_557 = vector.shape_cast %get3A_556 : vector<1x16xf32> to vector<16xf32>
      %lt3A_558 = arith.cmpf olt, %get3A_557, %select_n3A_548 : vector<16xf32>
      %select_n3A_559 = arith.select %lt3A_558, %get3A_557, %select_n3A_548 : vector<16xi1>, vector<16xf32>
      %add3A_560 = arith.constant 96 : i32
      %add3A_561 = vector.broadcast %add3A_560 : i32 to vector<16xi32>
      %add3A_562 = arith.addi %iota3A, %add3A_561 : vector<16xi32>
      %select_n3A_563 = arith.select %lt3A_558, %add3A_562, %select_n3A_552 : vector<16xi1>, vector<16xi32>
      %get3A_564 = arith.constant 3 : i32
      %get3A_565 = arith.index_cast %get3A_564 : i32 to index
      %get3A_566 = arith.constant 112 : index
      %get3A_567 = tpu.vector_load %arg5[%get3A_565, %get3A_566] {strides = array<i32>} : memref<16x128xf32, #tpu.memory_space<vmem>>, vector<1x16xf32>,
      %get3A_568 = vector.shape_cast %get3A_567 : vector<1x16xf32> to vector<16xf32>
      %lt3A_569 = arith.cmpf olt, %get3A_568, %select_n3A_559 : vector<16xf32>
      %select_n3A_570 = arith.select %lt3A_569, %get3A_568, %select_n3A_559 : vector<16xi1>, vector<16xf32>
      %add3A_571 = arith.constant 112 : i32
      %add3A_572 = vector.broadcast %add3A_571 : i32 to vector<16xi32>
      %add3A_573 = arith.addi %iota3A, %add3A_572 : vector<16xi32>
      %select_n3A_574 = arith.select %lt3A_569, %add3A_573, %select_n3A_563 : vector<16xi1>, vector<16xi32>
      %xor3A_575 = arith.constant 1 : i32
      %xor3A_576 = vector.broadcast %xor3A_575 : i32 to vector<16xi32>
      %xor3A_577 = arith.xori %iota3A, %xor3A_576 : vector<16xi32>
      %broadcast_in_dim3A_578 = vector.shape_cast %xor3A_577 : vector<16xi32> to vector<16x1xi32>
      %gather3A_579 = vector.shape_cast %broadcast_in_dim3A_578 : vector<16x1xi32> to vector<16xi32>
      %gather3A_580 = tpu.dynamic_gather %select_n3A_570[%gather3A_579] in [0] : vector<16xf32>, vector<16xi32> -> vector<16xf32>
      %broadcast_in_dim3A_581 = vector.shape_cast %xor3A_577 : vector<16xi32> to vector<16x1xi32>
      %gather3A_582 = vector.shape_cast %broadcast_in_dim3A_581 : vector<16x1xi32> to vector<16xi32>
      %gather3A_583 = tpu.dynamic_gather %select_n3A_574[%gather3A_582] in [0] : vector<16xi32>, vector<16xi32> -> vector<16xi32>
      %lt3A_584 = arith.cmpf olt, %gather3A_580, %select_n3A_570 : vector<16xf32>
      %eq3A_585 = arith.cmpf oeq, %gather3A_580, %select_n3A_570 : vector<16xf32>
      %lt3A_586 = arith.cmpi slt, %gather3A_583, %select_n3A_574 : vector<16xi32>
      %and3A_587 = arith.andi %eq3A_585, %lt3A_586 : vector<16xi1>
      %or3A_588 = arith.ori %lt3A_584, %and3A_587 : vector<16xi1>
      %select_n3A_589 = arith.select %or3A_588, %gather3A_580, %select_n3A_570 : vector<16xi1>, vector<16xf32>
      %select_n3A_590 = arith.select %or3A_588, %gather3A_583, %select_n3A_574 : vector<16xi1>, vector<16xi32>
      %xor3A_591 = arith.constant 2 : i32
      %xor3A_592 = vector.broadcast %xor3A_591 : i32 to vector<16xi32>
      %xor3A_593 = arith.xori %iota3A, %xor3A_592 : vector<16xi32>
      %broadcast_in_dim3A_594 = vector.shape_cast %xor3A_593 : vector<16xi32> to vector<16x1xi32>
      %gather3A_595 = vector.shape_cast %broadcast_in_dim3A_594 : vector<16x1xi32> to vector<16xi32>
      %gather3A_596 = tpu.dynamic_gather %select_n3A_589[%gather3A_595] in [0] : vector<16xf32>, vector<16xi32> -> vector<16xf32>
      %broadcast_in_dim3A_597 = vector.shape_cast %xor3A_593 : vector<16xi32> to vector<16x1xi32>
      %gather3A_598 = vector.shape_cast %broadcast_in_dim3A_597 : vector<16x1xi32> to vector<16xi32>
      %gather3A_599 = tpu.dynamic_gather %select_n3A_590[%gather3A_598] in [0] : vector<16xi32>, vector<16xi32> -> vector<16xi32>
      %lt3A_600 = arith.cmpf olt, %gather3A_596, %select_n3A_589 : vector<16xf32>
      %eq3A_601 = arith.cmpf oeq, %gather3A_596, %select_n3A_589 : vector<16xf32>
      %lt3A_602 = arith.cmpi slt, %gather3A_599, %select_n3A_590 : vector<16xi32>
      %and3A_603 = arith.andi %eq3A_601, %lt3A_602 : vector<16xi1>
      %or3A_604 = arith.ori %lt3A_600, %and3A_603 : vector<16xi1>
      %select_n3A_605 = arith.select %or3A_604, %gather3A_596, %select_n3A_589 : vector<16xi1>, vector<16xf32>
      %select_n3A_606 = arith.select %or3A_604, %gather3A_599, %select_n3A_590 : vector<16xi1>, vector<16xi32>
      %xor3A_607 = arith.constant 4 : i32
      %xor3A_608 = vector.broadcast %xor3A_607 : i32 to vector<16xi32>
      %xor3A_609 = arith.xori %iota3A, %xor3A_608 : vector<16xi32>
      %broadcast_in_dim3A_610 = vector.shape_cast %xor3A_609 : vector<16xi32> to vector<16x1xi32>
      %gather3A_611 = vector.shape_cast %broadcast_in_dim3A_610 : vector<16x1xi32> to vector<16xi32>
      %gather3A_612 = tpu.dynamic_gather %select_n3A_605[%gather3A_611] in [0] : vector<16xf32>, vector<16xi32> -> vector<16xf32>
      %broadcast_in_dim3A_613 = vector.shape_cast %xor3A_609 : vector<16xi32> to vector<16x1xi32>
      %gather3A_614 = vector.shape_cast %broadcast_in_dim3A_613 : vector<16x1xi32> to vector<16xi32>
      %gather3A_615 = tpu.dynamic_gather %select_n3A_606[%gather3A_614] in [0] : vector<16xi32>, vector<16xi32> -> vector<16xi32>
      %lt3A_616 = arith.cmpf olt, %gather3A_612, %select_n3A_605 : vector<16xf32>
      %eq3A_617 = arith.cmpf oeq, %gather3A_612, %select_n3A_605 : vector<16xf32>
      %lt3A_618 = arith.cmpi slt, %gather3A_615, %select_n3A_606 : vector<16xi32>
      %and3A_619 = arith.andi %eq3A_617, %lt3A_618 : vector<16xi1>
      %or3A_620 = arith.ori %lt3A_616, %and3A_619 : vector<16xi1>
      %select_n3A_621 = arith.select %or3A_620, %gather3A_612, %select_n3A_605 : vector<16xi1>, vector<16xf32>
      %select_n3A_622 = arith.select %or3A_620, %gather3A_615, %select_n3A_606 : vector<16xi1>, vector<16xi32>
      %xor3A_623 = arith.constant 8 : i32
      %xor3A_624 = vector.broadcast %xor3A_623 : i32 to vector<16xi32>
      %xor3A_625 = arith.xori %iota3A, %xor3A_624 : vector<16xi32>
      %broadcast_in_dim3A_626 = vector.shape_cast %xor3A_625 : vector<16xi32> to vector<16x1xi32>
      %gather3A_627 = vector.shape_cast %broadcast_in_dim3A_626 : vector<16x1xi32> to vector<16xi32>
      %gather3A_628 = tpu.dynamic_gather %select_n3A_621[%gather3A_627] in [0] : vector<16xf32>, vector<16xi32> -> vector<16xf32>
      %broadcast_in_dim3A_629 = vector.shape_cast %xor3A_625 : vector<16xi32> to vector<16x1xi32>
      %gather3A_630 = vector.shape_cast %broadcast_in_dim3A_629 : vector<16x1xi32> to vector<16xi32>
      %gather3A_631 = tpu.dynamic_gather %select_n3A_622[%gather3A_630] in [0] : vector<16xi32>, vector<16xi32> -> vector<16xi32>
      %lt3A_632 = arith.cmpf olt, %gather3A_628, %select_n3A_621 : vector<16xf32>
      %eq3A_633 = arith.cmpf oeq, %gather3A_628, %select_n3A_621 : vector<16xf32>
      %lt3A_634 = arith.cmpi slt, %gather3A_631, %select_n3A_622 : vector<16xi32>
      %and3A_635 = arith.andi %eq3A_633, %lt3A_634 : vector<16xi1>
      %or3A_636 = arith.ori %lt3A_632, %and3A_635 : vector<16xi1>
      %select_n3A_637 = arith.select %or3A_636, %gather3A_628, %select_n3A_621 : vector<16xi1>, vector<16xf32>
      %select_n3A_638 = arith.select %or3A_636, %gather3A_631, %select_n3A_622 : vector<16xi1>, vector<16xi32>
      %eq3A_639 = arith.constant 3 : i32
      %eq3A_640 = vector.broadcast %eq3A_639 : i32 to vector<16xi32>
      %eq3A_641 = arith.cmpi eq, %iota3A, %eq3A_640 : vector<16xi32>
      %select_n3A_642 = arith.select %eq3A_641, %select_n3A_637, %select_n3A_481 : vector<16xi1>, vector<16xf32>
      %select_n3A_643 = arith.select %eq3A_641, %select_n3A_638, %select_n3A_482 : vector<16xi1>, vector<16xi32>
      %broadcast_in_dim3A_644 = arith.constant 3.400000e+38 : f32
      %broadcast_in_dim3A_645 = vector.broadcast %broadcast_in_dim3A_644 : f32 to vector<16xf32>
      %broadcast_in_dim3A_646 = arith.constant 0 : i32
      %broadcast_in_dim3A_647 = vector.broadcast %broadcast_in_dim3A_646 : i32 to vector<16xi32>
      %get3A_648 = arith.constant 4 : i32
      %get3A_649 = arith.index_cast %get3A_648 : i32 to index
      %get3A_650 = arith.constant 0 : index
      %get3A_651 = tpu.vector_load %arg5[%get3A_649, %get3A_650] {strides = array<i32>} : memref<16x128xf32, #tpu.memory_space<vmem>>, vector<1x16xf32>,
      %get3A_652 = vector.shape_cast %get3A_651 : vector<1x16xf32> to vector<16xf32>
      %lt3A_653 = arith.cmpf olt, %get3A_652, %broadcast_in_dim3A_645 : vector<16xf32>
      %select_n3A_654 = arith.select %lt3A_653, %get3A_652, %broadcast_in_dim3A_645 : vector<16xi1>, vector<16xf32>
      %add3A_655 = arith.constant 0 : i32
      %add3A_656 = vector.broadcast %add3A_655 : i32 to vector<16xi32>
      %add3A_657 = arith.addi %iota3A, %add3A_656 : vector<16xi32>
      %select_n3A_658 = arith.select %lt3A_653, %add3A_657, %broadcast_in_dim3A_647 : vector<16xi1>, vector<16xi32>
      %get3A_659 = arith.constant 4 : i32
      %get3A_660 = arith.index_cast %get3A_659 : i32 to index
      %get3A_661 = arith.constant 16 : index
      %get3A_662 = tpu.vector_load %arg5[%get3A_660, %get3A_661] {strides = array<i32>} : memref<16x128xf32, #tpu.memory_space<vmem>>, vector<1x16xf32>,
      %get3A_663 = vector.shape_cast %get3A_662 : vector<1x16xf32> to vector<16xf32>
      %lt3A_664 = arith.cmpf olt, %get3A_663, %select_n3A_654 : vector<16xf32>
      %select_n3A_665 = arith.select %lt3A_664, %get3A_663, %select_n3A_654 : vector<16xi1>, vector<16xf32>
      %add3A_666 = arith.constant 16 : i32
      %add3A_667 = vector.broadcast %add3A_666 : i32 to vector<16xi32>
      %add3A_668 = arith.addi %iota3A, %add3A_667 : vector<16xi32>
      %select_n3A_669 = arith.select %lt3A_664, %add3A_668, %select_n3A_658 : vector<16xi1>, vector<16xi32>
      %get3A_670 = arith.constant 4 : i32
      %get3A_671 = arith.index_cast %get3A_670 : i32 to index
      %get3A_672 = arith.constant 32 : index
      %get3A_673 = tpu.vector_load %arg5[%get3A_671, %get3A_672] {strides = array<i32>} : memref<16x128xf32, #tpu.memory_space<vmem>>, vector<1x16xf32>,
      %get3A_674 = vector.shape_cast %get3A_673 : vector<1x16xf32> to vector<16xf32>
      %lt3A_675 = arith.cmpf olt, %get3A_674, %select_n3A_665 : vector<16xf32>
      %select_n3A_676 = arith.select %lt3A_675, %get3A_674, %select_n3A_665 : vector<16xi1>, vector<16xf32>
      %add3A_677 = arith.constant 32 : i32
      %add3A_678 = vector.broadcast %add3A_677 : i32 to vector<16xi32>
      %add3A_679 = arith.addi %iota3A, %add3A_678 : vector<16xi32>
      %select_n3A_680 = arith.select %lt3A_675, %add3A_679, %select_n3A_669 : vector<16xi1>, vector<16xi32>
      %get3A_681 = arith.constant 4 : i32
      %get3A_682 = arith.index_cast %get3A_681 : i32 to index
      %get3A_683 = arith.constant 48 : index
      %get3A_684 = tpu.vector_load %arg5[%get3A_682, %get3A_683] {strides = array<i32>} : memref<16x128xf32, #tpu.memory_space<vmem>>, vector<1x16xf32>,
      %get3A_685 = vector.shape_cast %get3A_684 : vector<1x16xf32> to vector<16xf32>
      %lt3A_686 = arith.cmpf olt, %get3A_685, %select_n3A_676 : vector<16xf32>
      %select_n3A_687 = arith.select %lt3A_686, %get3A_685, %select_n3A_676 : vector<16xi1>, vector<16xf32>
      %add3A_688 = arith.constant 48 : i32
      %add3A_689 = vector.broadcast %add3A_688 : i32 to vector<16xi32>
      %add3A_690 = arith.addi %iota3A, %add3A_689 : vector<16xi32>
      %select_n3A_691 = arith.select %lt3A_686, %add3A_690, %select_n3A_680 : vector<16xi1>, vector<16xi32>
      %get3A_692 = arith.constant 4 : i32
      %get3A_693 = arith.index_cast %get3A_692 : i32 to index
      %get3A_694 = arith.constant 64 : index
      %get3A_695 = tpu.vector_load %arg5[%get3A_693, %get3A_694] {strides = array<i32>} : memref<16x128xf32, #tpu.memory_space<vmem>>, vector<1x16xf32>,
      %get3A_696 = vector.shape_cast %get3A_695 : vector<1x16xf32> to vector<16xf32>
      %lt3A_697 = arith.cmpf olt, %get3A_696, %select_n3A_687 : vector<16xf32>
      %select_n3A_698 = arith.select %lt3A_697, %get3A_696, %select_n3A_687 : vector<16xi1>, vector<16xf32>
      %add3A_699 = arith.constant 64 : i32
      %add3A_700 = vector.broadcast %add3A_699 : i32 to vector<16xi32>
      %add3A_701 = arith.addi %iota3A, %add3A_700 : vector<16xi32>
      %select_n3A_702 = arith.select %lt3A_697, %add3A_701, %select_n3A_691 : vector<16xi1>, vector<16xi32>
      %get3A_703 = arith.constant 4 : i32
      %get3A_704 = arith.index_cast %get3A_703 : i32 to index
      %get3A_705 = arith.constant 80 : index
      %get3A_706 = tpu.vector_load %arg5[%get3A_704, %get3A_705] {strides = array<i32>} : memref<16x128xf32, #tpu.memory_space<vmem>>, vector<1x16xf32>,
      %get3A_707 = vector.shape_cast %get3A_706 : vector<1x16xf32> to vector<16xf32>
      %lt3A_708 = arith.cmpf olt, %get3A_707, %select_n3A_698 : vector<16xf32>
      %select_n3A_709 = arith.select %lt3A_708, %get3A_707, %select_n3A_698 : vector<16xi1>, vector<16xf32>
      %add3A_710 = arith.constant 80 : i32
      %add3A_711 = vector.broadcast %add3A_710 : i32 to vector<16xi32>
      %add3A_712 = arith.addi %iota3A, %add3A_711 : vector<16xi32>
      %select_n3A_713 = arith.select %lt3A_708, %add3A_712, %select_n3A_702 : vector<16xi1>, vector<16xi32>
      %get3A_714 = arith.constant 4 : i32
      %get3A_715 = arith.index_cast %get3A_714 : i32 to index
      %get3A_716 = arith.constant 96 : index
      %get3A_717 = tpu.vector_load %arg5[%get3A_715, %get3A_716] {strides = array<i32>} : memref<16x128xf32, #tpu.memory_space<vmem>>, vector<1x16xf32>,
      %get3A_718 = vector.shape_cast %get3A_717 : vector<1x16xf32> to vector<16xf32>
      %lt3A_719 = arith.cmpf olt, %get3A_718, %select_n3A_709 : vector<16xf32>
      %select_n3A_720 = arith.select %lt3A_719, %get3A_718, %select_n3A_709 : vector<16xi1>, vector<16xf32>
      %add3A_721 = arith.constant 96 : i32
      %add3A_722 = vector.broadcast %add3A_721 : i32 to vector<16xi32>
      %add3A_723 = arith.addi %iota3A, %add3A_722 : vector<16xi32>
      %select_n3A_724 = arith.select %lt3A_719, %add3A_723, %select_n3A_713 : vector<16xi1>, vector<16xi32>
      %get3A_725 = arith.constant 4 : i32
      %get3A_726 = arith.index_cast %get3A_725 : i32 to index
      %get3A_727 = arith.constant 112 : index
      %get3A_728 = tpu.vector_load %arg5[%get3A_726, %get3A_727] {strides = array<i32>} : memref<16x128xf32, #tpu.memory_space<vmem>>, vector<1x16xf32>,
      %get3A_729 = vector.shape_cast %get3A_728 : vector<1x16xf32> to vector<16xf32>
      %lt3A_730 = arith.cmpf olt, %get3A_729, %select_n3A_720 : vector<16xf32>
      %select_n3A_731 = arith.select %lt3A_730, %get3A_729, %select_n3A_720 : vector<16xi1>, vector<16xf32>
      %add3A_732 = arith.constant 112 : i32
      %add3A_733 = vector.broadcast %add3A_732 : i32 to vector<16xi32>
      %add3A_734 = arith.addi %iota3A, %add3A_733 : vector<16xi32>
      %select_n3A_735 = arith.select %lt3A_730, %add3A_734, %select_n3A_724 : vector<16xi1>, vector<16xi32>
      %xor3A_736 = arith.constant 1 : i32
      %xor3A_737 = vector.broadcast %xor3A_736 : i32 to vector<16xi32>
      %xor3A_738 = arith.xori %iota3A, %xor3A_737 : vector<16xi32>
      %broadcast_in_dim3A_739 = vector.shape_cast %xor3A_738 : vector<16xi32> to vector<16x1xi32>
      %gather3A_740 = vector.shape_cast %broadcast_in_dim3A_739 : vector<16x1xi32> to vector<16xi32>
      %gather3A_741 = tpu.dynamic_gather %select_n3A_731[%gather3A_740] in [0] : vector<16xf32>, vector<16xi32> -> vector<16xf32>
      %broadcast_in_dim3A_742 = vector.shape_cast %xor3A_738 : vector<16xi32> to vector<16x1xi32>
      %gather3A_743 = vector.shape_cast %broadcast_in_dim3A_742 : vector<16x1xi32> to vector<16xi32>
      %gather3A_744 = tpu.dynamic_gather %select_n3A_735[%gather3A_743] in [0] : vector<16xi32>, vector<16xi32> -> vector<16xi32>
      %lt3A_745 = arith.cmpf olt, %gather3A_741, %select_n3A_731 : vector<16xf32>
      %eq3A_746 = arith.cmpf oeq, %gather3A_741, %select_n3A_731 : vector<16xf32>
      %lt3A_747 = arith.cmpi slt, %gather3A_744, %select_n3A_735 : vector<16xi32>
      %and3A_748 = arith.andi %eq3A_746, %lt3A_747 : vector<16xi1>
      %or3A_749 = arith.ori %lt3A_745, %and3A_748 : vector<16xi1>
      %select_n3A_750 = arith.select %or3A_749, %gather3A_741, %select_n3A_731 : vector<16xi1>, vector<16xf32>
      %select_n3A_751 = arith.select %or3A_749, %gather3A_744, %select_n3A_735 : vector<16xi1>, vector<16xi32>
      %xor3A_752 = arith.constant 2 : i32
      %xor3A_753 = vector.broadcast %xor3A_752 : i32 to vector<16xi32>
      %xor3A_754 = arith.xori %iota3A, %xor3A_753 : vector<16xi32>
      %broadcast_in_dim3A_755 = vector.shape_cast %xor3A_754 : vector<16xi32> to vector<16x1xi32>
      %gather3A_756 = vector.shape_cast %broadcast_in_dim3A_755 : vector<16x1xi32> to vector<16xi32>
      %gather3A_757 = tpu.dynamic_gather %select_n3A_750[%gather3A_756] in [0] : vector<16xf32>, vector<16xi32> -> vector<16xf32>
      %broadcast_in_dim3A_758 = vector.shape_cast %xor3A_754 : vector<16xi32> to vector<16x1xi32>
      %gather3A_759 = vector.shape_cast %broadcast_in_dim3A_758 : vector<16x1xi32> to vector<16xi32>
      %gather3A_760 = tpu.dynamic_gather %select_n3A_751[%gather3A_759] in [0] : vector<16xi32>, vector<16xi32> -> vector<16xi32>
      %lt3A_761 = arith.cmpf olt, %gather3A_757, %select_n3A_750 : vector<16xf32>
      %eq3A_762 = arith.cmpf oeq, %gather3A_757, %select_n3A_750 : vector<16xf32>
      %lt3A_763 = arith.cmpi slt, %gather3A_760, %select_n3A_751 : vector<16xi32>
      %and3A_764 = arith.andi %eq3A_762, %lt3A_763 : vector<16xi1>
      %or3A_765 = arith.ori %lt3A_761, %and3A_764 : vector<16xi1>
      %select_n3A_766 = arith.select %or3A_765, %gather3A_757, %select_n3A_750 : vector<16xi1>, vector<16xf32>
      %select_n3A_767 = arith.select %or3A_765, %gather3A_760, %select_n3A_751 : vector<16xi1>, vector<16xi32>
      %xor3A_768 = arith.constant 4 : i32
      %xor3A_769 = vector.broadcast %xor3A_768 : i32 to vector<16xi32>
      %xor3A_770 = arith.xori %iota3A, %xor3A_769 : vector<16xi32>
      %broadcast_in_dim3A_771 = vector.shape_cast %xor3A_770 : vector<16xi32> to vector<16x1xi32>
      %gather3A_772 = vector.shape_cast %broadcast_in_dim3A_771 : vector<16x1xi32> to vector<16xi32>
      %gather3A_773 = tpu.dynamic_gather %select_n3A_766[%gather3A_772] in [0] : vector<16xf32>, vector<16xi32> -> vector<16xf32>
      %broadcast_in_dim3A_774 = vector.shape_cast %xor3A_770 : vector<16xi32> to vector<16x1xi32>
      %gather3A_775 = vector.shape_cast %broadcast_in_dim3A_774 : vector<16x1xi32> to vector<16xi32>
      %gather3A_776 = tpu.dynamic_gather %select_n3A_767[%gather3A_775] in [0] : vector<16xi32>, vector<16xi32> -> vector<16xi32>
      %lt3A_777 = arith.cmpf olt, %gather3A_773, %select_n3A_766 : vector<16xf32>
      %eq3A_778 = arith.cmpf oeq, %gather3A_773, %select_n3A_766 : vector<16xf32>
      %lt3A_779 = arith.cmpi slt, %gather3A_776, %select_n3A_767 : vector<16xi32>
      %and3A_780 = arith.andi %eq3A_778, %lt3A_779 : vector<16xi1>
      %or3A_781 = arith.ori %lt3A_777, %and3A_780 : vector<16xi1>
      %select_n3A_782 = arith.select %or3A_781, %gather3A_773, %select_n3A_766 : vector<16xi1>, vector<16xf32>
      %select_n3A_783 = arith.select %or3A_781, %gather3A_776, %select_n3A_767 : vector<16xi1>, vector<16xi32>
      %xor3A_784 = arith.constant 8 : i32
      %xor3A_785 = vector.broadcast %xor3A_784 : i32 to vector<16xi32>
      %xor3A_786 = arith.xori %iota3A, %xor3A_785 : vector<16xi32>
      %broadcast_in_dim3A_787 = vector.shape_cast %xor3A_786 : vector<16xi32> to vector<16x1xi32>
      %gather3A_788 = vector.shape_cast %broadcast_in_dim3A_787 : vector<16x1xi32> to vector<16xi32>
      %gather3A_789 = tpu.dynamic_gather %select_n3A_782[%gather3A_788] in [0] : vector<16xf32>, vector<16xi32> -> vector<16xf32>
      %broadcast_in_dim3A_790 = vector.shape_cast %xor3A_786 : vector<16xi32> to vector<16x1xi32>
      %gather3A_791 = vector.shape_cast %broadcast_in_dim3A_790 : vector<16x1xi32> to vector<16xi32>
      %gather3A_792 = tpu.dynamic_gather %select_n3A_783[%gather3A_791] in [0] : vector<16xi32>, vector<16xi32> -> vector<16xi32>
      %lt3A_793 = arith.cmpf olt, %gather3A_789, %select_n3A_782 : vector<16xf32>
      %eq3A_794 = arith.cmpf oeq, %gather3A_789, %select_n3A_782 : vector<16xf32>
      %lt3A_795 = arith.cmpi slt, %gather3A_792, %select_n3A_783 : vector<16xi32>
      %and3A_796 = arith.andi %eq3A_794, %lt3A_795 : vector<16xi1>
      %or3A_797 = arith.ori %lt3A_793, %and3A_796 : vector<16xi1>
      %select_n3A_798 = arith.select %or3A_797, %gather3A_789, %select_n3A_782 : vector<16xi1>, vector<16xf32>
      %select_n3A_799 = arith.select %or3A_797, %gather3A_792, %select_n3A_783 : vector<16xi1>, vector<16xi32>
      %eq3A_800 = arith.constant 4 : i32
      %eq3A_801 = vector.broadcast %eq3A_800 : i32 to vector<16xi32>
      %eq3A_802 = arith.cmpi eq, %iota3A, %eq3A_801 : vector<16xi32>
      %select_n3A_803 = arith.select %eq3A_802, %select_n3A_798, %select_n3A_642 : vector<16xi1>, vector<16xf32>
      %select_n3A_804 = arith.select %eq3A_802, %select_n3A_799, %select_n3A_643 : vector<16xi1>, vector<16xi32>
      %broadcast_in_dim3A_805 = arith.constant 3.400000e+38 : f32
      %broadcast_in_dim3A_806 = vector.broadcast %broadcast_in_dim3A_805 : f32 to vector<16xf32>
      %broadcast_in_dim3A_807 = arith.constant 0 : i32
      %broadcast_in_dim3A_808 = vector.broadcast %broadcast_in_dim3A_807 : i32 to vector<16xi32>
      %get3A_809 = arith.constant 5 : i32
      %get3A_810 = arith.index_cast %get3A_809 : i32 to index
      %get3A_811 = arith.constant 0 : index
      %get3A_812 = tpu.vector_load %arg5[%get3A_810, %get3A_811] {strides = array<i32>} : memref<16x128xf32, #tpu.memory_space<vmem>>, vector<1x16xf32>,
      %get3A_813 = vector.shape_cast %get3A_812 : vector<1x16xf32> to vector<16xf32>
      %lt3A_814 = arith.cmpf olt, %get3A_813, %broadcast_in_dim3A_806 : vector<16xf32>
      %select_n3A_815 = arith.select %lt3A_814, %get3A_813, %broadcast_in_dim3A_806 : vector<16xi1>, vector<16xf32>
      %add3A_816 = arith.constant 0 : i32
      %add3A_817 = vector.broadcast %add3A_816 : i32 to vector<16xi32>
      %add3A_818 = arith.addi %iota3A, %add3A_817 : vector<16xi32>
      %select_n3A_819 = arith.select %lt3A_814, %add3A_818, %broadcast_in_dim3A_808 : vector<16xi1>, vector<16xi32>
      %get3A_820 = arith.constant 5 : i32
      %get3A_821 = arith.index_cast %get3A_820 : i32 to index
      %get3A_822 = arith.constant 16 : index
      %get3A_823 = tpu.vector_load %arg5[%get3A_821, %get3A_822] {strides = array<i32>} : memref<16x128xf32, #tpu.memory_space<vmem>>, vector<1x16xf32>,
      %get3A_824 = vector.shape_cast %get3A_823 : vector<1x16xf32> to vector<16xf32>
      %lt3A_825 = arith.cmpf olt, %get3A_824, %select_n3A_815 : vector<16xf32>
      %select_n3A_826 = arith.select %lt3A_825, %get3A_824, %select_n3A_815 : vector<16xi1>, vector<16xf32>
      %add3A_827 = arith.constant 16 : i32
      %add3A_828 = vector.broadcast %add3A_827 : i32 to vector<16xi32>
      %add3A_829 = arith.addi %iota3A, %add3A_828 : vector<16xi32>
      %select_n3A_830 = arith.select %lt3A_825, %add3A_829, %select_n3A_819 : vector<16xi1>, vector<16xi32>
      %get3A_831 = arith.constant 5 : i32
      %get3A_832 = arith.index_cast %get3A_831 : i32 to index
      %get3A_833 = arith.constant 32 : index
      %get3A_834 = tpu.vector_load %arg5[%get3A_832, %get3A_833] {strides = array<i32>} : memref<16x128xf32, #tpu.memory_space<vmem>>, vector<1x16xf32>,
      %get3A_835 = vector.shape_cast %get3A_834 : vector<1x16xf32> to vector<16xf32>
      %lt3A_836 = arith.cmpf olt, %get3A_835, %select_n3A_826 : vector<16xf32>
      %select_n3A_837 = arith.select %lt3A_836, %get3A_835, %select_n3A_826 : vector<16xi1>, vector<16xf32>
      %add3A_838 = arith.constant 32 : i32
      %add3A_839 = vector.broadcast %add3A_838 : i32 to vector<16xi32>
      %add3A_840 = arith.addi %iota3A, %add3A_839 : vector<16xi32>
      %select_n3A_841 = arith.select %lt3A_836, %add3A_840, %select_n3A_830 : vector<16xi1>, vector<16xi32>
      %get3A_842 = arith.constant 5 : i32
      %get3A_843 = arith.index_cast %get3A_842 : i32 to index
      %get3A_844 = arith.constant 48 : index
      %get3A_845 = tpu.vector_load %arg5[%get3A_843, %get3A_844] {strides = array<i32>} : memref<16x128xf32, #tpu.memory_space<vmem>>, vector<1x16xf32>,
      %get3A_846 = vector.shape_cast %get3A_845 : vector<1x16xf32> to vector<16xf32>
      %lt3A_847 = arith.cmpf olt, %get3A_846, %select_n3A_837 : vector<16xf32>
      %select_n3A_848 = arith.select %lt3A_847, %get3A_846, %select_n3A_837 : vector<16xi1>, vector<16xf32>
      %add3A_849 = arith.constant 48 : i32
      %add3A_850 = vector.broadcast %add3A_849 : i32 to vector<16xi32>
      %add3A_851 = arith.addi %iota3A, %add3A_850 : vector<16xi32>
      %select_n3A_852 = arith.select %lt3A_847, %add3A_851, %select_n3A_841 : vector<16xi1>, vector<16xi32>
      %get3A_853 = arith.constant 5 : i32
      %get3A_854 = arith.index_cast %get3A_853 : i32 to index
      %get3A_855 = arith.constant 64 : index
      %get3A_856 = tpu.vector_load %arg5[%get3A_854, %get3A_855] {strides = array<i32>} : memref<16x128xf32, #tpu.memory_space<vmem>>, vector<1x16xf32>,
      %get3A_857 = vector.shape_cast %get3A_856 : vector<1x16xf32> to vector<16xf32>
      %lt3A_858 = arith.cmpf olt, %get3A_857, %select_n3A_848 : vector<16xf32>
      %select_n3A_859 = arith.select %lt3A_858, %get3A_857, %select_n3A_848 : vector<16xi1>, vector<16xf32>
      %add3A_860 = arith.constant 64 : i32
      %add3A_861 = vector.broadcast %add3A_860 : i32 to vector<16xi32>
      %add3A_862 = arith.addi %iota3A, %add3A_861 : vector<16xi32>
      %select_n3A_863 = arith.select %lt3A_858, %add3A_862, %select_n3A_852 : vector<16xi1>, vector<16xi32>
      %get3A_864 = arith.constant 5 : i32
      %get3A_865 = arith.index_cast %get3A_864 : i32 to index
      %get3A_866 = arith.constant 80 : index
      %get3A_867 = tpu.vector_load %arg5[%get3A_865, %get3A_866] {strides = array<i32>} : memref<16x128xf32, #tpu.memory_space<vmem>>, vector<1x16xf32>,
      %get3A_868 = vector.shape_cast %get3A_867 : vector<1x16xf32> to vector<16xf32>
      %lt3A_869 = arith.cmpf olt, %get3A_868, %select_n3A_859 : vector<16xf32>
      %select_n3A_870 = arith.select %lt3A_869, %get3A_868, %select_n3A_859 : vector<16xi1>, vector<16xf32>
      %add3A_871 = arith.constant 80 : i32
      %add3A_872 = vector.broadcast %add3A_871 : i32 to vector<16xi32>
      %add3A_873 = arith.addi %iota3A, %add3A_872 : vector<16xi32>
      %select_n3A_874 = arith.select %lt3A_869, %add3A_873, %select_n3A_863 : vector<16xi1>, vector<16xi32>
      %get3A_875 = arith.constant 5 : i32
      %get3A_876 = arith.index_cast %get3A_875 : i32 to index
      %get3A_877 = arith.constant 96 : index
      %get3A_878 = tpu.vector_load %arg5[%get3A_876, %get3A_877] {strides = array<i32>} : memref<16x128xf32, #tpu.memory_space<vmem>>, vector<1x16xf32>,
      %get3A_879 = vector.shape_cast %get3A_878 : vector<1x16xf32> to vector<16xf32>
      %lt3A_880 = arith.cmpf olt, %get3A_879, %select_n3A_870 : vector<16xf32>
      %select_n3A_881 = arith.select %lt3A_880, %get3A_879, %select_n3A_870 : vector<16xi1>, vector<16xf32>
      %add3A_882 = arith.constant 96 : i32
      %add3A_883 = vector.broadcast %add3A_882 : i32 to vector<16xi32>
      %add3A_884 = arith.addi %iota3A, %add3A_883 : vector<16xi32>
      %select_n3A_885 = arith.select %lt3A_880, %add3A_884, %select_n3A_874 : vector<16xi1>, vector<16xi32>
      %get3A_886 = arith.constant 5 : i32
      %get3A_887 = arith.index_cast %get3A_886 : i32 to index
      %get3A_888 = arith.constant 112 : index
      %get3A_889 = tpu.vector_load %arg5[%get3A_887, %get3A_888] {strides = array<i32>} : memref<16x128xf32, #tpu.memory_space<vmem>>, vector<1x16xf32>,
      %get3A_890 = vector.shape_cast %get3A_889 : vector<1x16xf32> to vector<16xf32>
      %lt3A_891 = arith.cmpf olt, %get3A_890, %select_n3A_881 : vector<16xf32>
      %select_n3A_892 = arith.select %lt3A_891, %get3A_890, %select_n3A_881 : vector<16xi1>, vector<16xf32>
      %add3A_893 = arith.constant 112 : i32
      %add3A_894 = vector.broadcast %add3A_893 : i32 to vector<16xi32>
      %add3A_895 = arith.addi %iota3A, %add3A_894 : vector<16xi32>
      %select_n3A_896 = arith.select %lt3A_891, %add3A_895, %select_n3A_885 : vector<16xi1>, vector<16xi32>
      %xor3A_897 = arith.constant 1 : i32
      %xor3A_898 = vector.broadcast %xor3A_897 : i32 to vector<16xi32>
      %xor3A_899 = arith.xori %iota3A, %xor3A_898 : vector<16xi32>
      %broadcast_in_dim3A_900 = vector.shape_cast %xor3A_899 : vector<16xi32> to vector<16x1xi32>
      %gather3A_901 = vector.shape_cast %broadcast_in_dim3A_900 : vector<16x1xi32> to vector<16xi32>
      %gather3A_902 = tpu.dynamic_gather %select_n3A_892[%gather3A_901] in [0] : vector<16xf32>, vector<16xi32> -> vector<16xf32>
      %broadcast_in_dim3A_903 = vector.shape_cast %xor3A_899 : vector<16xi32> to vector<16x1xi32>
      %gather3A_904 = vector.shape_cast %broadcast_in_dim3A_903 : vector<16x1xi32> to vector<16xi32>
      %gather3A_905 = tpu.dynamic_gather %select_n3A_896[%gather3A_904] in [0] : vector<16xi32>, vector<16xi32> -> vector<16xi32>
      %lt3A_906 = arith.cmpf olt, %gather3A_902, %select_n3A_892 : vector<16xf32>
      %eq3A_907 = arith.cmpf oeq, %gather3A_902, %select_n3A_892 : vector<16xf32>
      %lt3A_908 = arith.cmpi slt, %gather3A_905, %select_n3A_896 : vector<16xi32>
      %and3A_909 = arith.andi %eq3A_907, %lt3A_908 : vector<16xi1>
      %or3A_910 = arith.ori %lt3A_906, %and3A_909 : vector<16xi1>
      %select_n3A_911 = arith.select %or3A_910, %gather3A_902, %select_n3A_892 : vector<16xi1>, vector<16xf32>
      %select_n3A_912 = arith.select %or3A_910, %gather3A_905, %select_n3A_896 : vector<16xi1>, vector<16xi32>
      %xor3A_913 = arith.constant 2 : i32
      %xor3A_914 = vector.broadcast %xor3A_913 : i32 to vector<16xi32>
      %xor3A_915 = arith.xori %iota3A, %xor3A_914 : vector<16xi32>
      %broadcast_in_dim3A_916 = vector.shape_cast %xor3A_915 : vector<16xi32> to vector<16x1xi32>
      %gather3A_917 = vector.shape_cast %broadcast_in_dim3A_916 : vector<16x1xi32> to vector<16xi32>
      %gather3A_918 = tpu.dynamic_gather %select_n3A_911[%gather3A_917] in [0] : vector<16xf32>, vector<16xi32> -> vector<16xf32>
      %broadcast_in_dim3A_919 = vector.shape_cast %xor3A_915 : vector<16xi32> to vector<16x1xi32>
      %gather3A_920 = vector.shape_cast %broadcast_in_dim3A_919 : vector<16x1xi32> to vector<16xi32>
      %gather3A_921 = tpu.dynamic_gather %select_n3A_912[%gather3A_920] in [0] : vector<16xi32>, vector<16xi32> -> vector<16xi32>
      %lt3A_922 = arith.cmpf olt, %gather3A_918, %select_n3A_911 : vector<16xf32>
      %eq3A_923 = arith.cmpf oeq, %gather3A_918, %select_n3A_911 : vector<16xf32>
      %lt3A_924 = arith.cmpi slt, %gather3A_921, %select_n3A_912 : vector<16xi32>
      %and3A_925 = arith.andi %eq3A_923, %lt3A_924 : vector<16xi1>
      %or3A_926 = arith.ori %lt3A_922, %and3A_925 : vector<16xi1>
      %select_n3A_927 = arith.select %or3A_926, %gather3A_918, %select_n3A_911 : vector<16xi1>, vector<16xf32>
      %select_n3A_928 = arith.select %or3A_926, %gather3A_921, %select_n3A_912 : vector<16xi1>, vector<16xi32>
      %xor3A_929 = arith.constant 4 : i32
      %xor3A_930 = vector.broadcast %xor3A_929 : i32 to vector<16xi32>
      %xor3A_931 = arith.xori %iota3A, %xor3A_930 : vector<16xi32>
      %broadcast_in_dim3A_932 = vector.shape_cast %xor3A_931 : vector<16xi32> to vector<16x1xi32>
      %gather3A_933 = vector.shape_cast %broadcast_in_dim3A_932 : vector<16x1xi32> to vector<16xi32>
      %gather3A_934 = tpu.dynamic_gather %select_n3A_927[%gather3A_933] in [0] : vector<16xf32>, vector<16xi32> -> vector<16xf32>
      %broadcast_in_dim3A_935 = vector.shape_cast %xor3A_931 : vector<16xi32> to vector<16x1xi32>
      %gather3A_936 = vector.shape_cast %broadcast_in_dim3A_935 : vector<16x1xi32> to vector<16xi32>
      %gather3A_937 = tpu.dynamic_gather %select_n3A_928[%gather3A_936] in [0] : vector<16xi32>, vector<16xi32> -> vector<16xi32>
      %lt3A_938 = arith.cmpf olt, %gather3A_934, %select_n3A_927 : vector<16xf32>
      %eq3A_939 = arith.cmpf oeq, %gather3A_934, %select_n3A_927 : vector<16xf32>
      %lt3A_940 = arith.cmpi slt, %gather3A_937, %select_n3A_928 : vector<16xi32>
      %and3A_941 = arith.andi %eq3A_939, %lt3A_940 : vector<16xi1>
      %or3A_942 = arith.ori %lt3A_938, %and3A_941 : vector<16xi1>
      %select_n3A_943 = arith.select %or3A_942, %gather3A_934, %select_n3A_927 : vector<16xi1>, vector<16xf32>
      %select_n3A_944 = arith.select %or3A_942, %gather3A_937, %select_n3A_928 : vector<16xi1>, vector<16xi32>
      %xor3A_945 = arith.constant 8 : i32
      %xor3A_946 = vector.broadcast %xor3A_945 : i32 to vector<16xi32>
      %xor3A_947 = arith.xori %iota3A, %xor3A_946 : vector<16xi32>
      %broadcast_in_dim3A_948 = vector.shape_cast %xor3A_947 : vector<16xi32> to vector<16x1xi32>
      %gather3A_949 = vector.shape_cast %broadcast_in_dim3A_948 : vector<16x1xi32> to vector<16xi32>
      %gather3A_950 = tpu.dynamic_gather %select_n3A_943[%gather3A_949] in [0] : vector<16xf32>, vector<16xi32> -> vector<16xf32>
      %broadcast_in_dim3A_951 = vector.shape_cast %xor3A_947 : vector<16xi32> to vector<16x1xi32>
      %gather3A_952 = vector.shape_cast %broadcast_in_dim3A_951 : vector<16x1xi32> to vector<16xi32>
      %gather3A_953 = tpu.dynamic_gather %select_n3A_944[%gather3A_952] in [0] : vector<16xi32>, vector<16xi32> -> vector<16xi32>
      %lt3A_954 = arith.cmpf olt, %gather3A_950, %select_n3A_943 : vector<16xf32>
      %eq3A_955 = arith.cmpf oeq, %gather3A_950, %select_n3A_943 : vector<16xf32>
      %lt3A_956 = arith.cmpi slt, %gather3A_953, %select_n3A_944 : vector<16xi32>
      %and3A_957 = arith.andi %eq3A_955, %lt3A_956 : vector<16xi1>
      %or3A_958 = arith.ori %lt3A_954, %and3A_957 : vector<16xi1>
      %select_n3A_959 = arith.select %or3A_958, %gather3A_950, %select_n3A_943 : vector<16xi1>, vector<16xf32>
      %select_n3A_960 = arith.select %or3A_958, %gather3A_953, %select_n3A_944 : vector<16xi1>, vector<16xi32>
      %eq3A_961 = arith.constant 5 : i32
      %eq3A_962 = vector.broadcast %eq3A_961 : i32 to vector<16xi32>
      %eq3A_963 = arith.cmpi eq, %iota3A, %eq3A_962 : vector<16xi32>
      %select_n3A_964 = arith.select %eq3A_963, %select_n3A_959, %select_n3A_803 : vector<16xi1>, vector<16xf32>
      %select_n3A_965 = arith.select %eq3A_963, %select_n3A_960, %select_n3A_804 : vector<16xi1>, vector<16xi32>
      %broadcast_in_dim3A_966 = arith.constant 3.400000e+38 : f32
      %broadcast_in_dim3A_967 = vector.broadcast %broadcast_in_dim3A_966 : f32 to vector<16xf32>
      %broadcast_in_dim3A_968 = arith.constant 0 : i32
      %broadcast_in_dim3A_969 = vector.broadcast %broadcast_in_dim3A_968 : i32 to vector<16xi32>
      %get3A_970 = arith.constant 6 : i32
      %get3A_971 = arith.index_cast %get3A_970 : i32 to index
      %get3A_972 = arith.constant 0 : index
      %get3A_973 = tpu.vector_load %arg5[%get3A_971, %get3A_972] {strides = array<i32>} : memref<16x128xf32, #tpu.memory_space<vmem>>, vector<1x16xf32>,
      %get3A_974 = vector.shape_cast %get3A_973 : vector<1x16xf32> to vector<16xf32>
      %lt3A_975 = arith.cmpf olt, %get3A_974, %broadcast_in_dim3A_967 : vector<16xf32>
      %select_n3A_976 = arith.select %lt3A_975, %get3A_974, %broadcast_in_dim3A_967 : vector<16xi1>, vector<16xf32>
      %add3A_977 = arith.constant 0 : i32
      %add3A_978 = vector.broadcast %add3A_977 : i32 to vector<16xi32>
      %add3A_979 = arith.addi %iota3A, %add3A_978 : vector<16xi32>
      %select_n3A_980 = arith.select %lt3A_975, %add3A_979, %broadcast_in_dim3A_969 : vector<16xi1>, vector<16xi32>
      %get3A_981 = arith.constant 6 : i32
      %get3A_982 = arith.index_cast %get3A_981 : i32 to index
      %get3A_983 = arith.constant 16 : index
      %get3A_984 = tpu.vector_load %arg5[%get3A_982, %get3A_983] {strides = array<i32>} : memref<16x128xf32, #tpu.memory_space<vmem>>, vector<1x16xf32>,
      %get3A_985 = vector.shape_cast %get3A_984 : vector<1x16xf32> to vector<16xf32>
      %lt3A_986 = arith.cmpf olt, %get3A_985, %select_n3A_976 : vector<16xf32>
      %select_n3A_987 = arith.select %lt3A_986, %get3A_985, %select_n3A_976 : vector<16xi1>, vector<16xf32>
      %add3A_988 = arith.constant 16 : i32
      %add3A_989 = vector.broadcast %add3A_988 : i32 to vector<16xi32>
      %add3A_990 = arith.addi %iota3A, %add3A_989 : vector<16xi32>
      %select_n3A_991 = arith.select %lt3A_986, %add3A_990, %select_n3A_980 : vector<16xi1>, vector<16xi32>
      %get3A_992 = arith.constant 6 : i32
      %get3A_993 = arith.index_cast %get3A_992 : i32 to index
      %get3A_994 = arith.constant 32 : index
      %get3A_995 = tpu.vector_load %arg5[%get3A_993, %get3A_994] {strides = array<i32>} : memref<16x128xf32, #tpu.memory_space<vmem>>, vector<1x16xf32>,
      %get3A_996 = vector.shape_cast %get3A_995 : vector<1x16xf32> to vector<16xf32>
      %lt3A_997 = arith.cmpf olt, %get3A_996, %select_n3A_987 : vector<16xf32>
      %select_n3A_998 = arith.select %lt3A_997, %get3A_996, %select_n3A_987 : vector<16xi1>, vector<16xf32>
      %add3A_999 = arith.constant 32 : i32
      %add3A_1000 = vector.broadcast %add3A_999 : i32 to vector<16xi32>
      %add3A_1001 = arith.addi %iota3A, %add3A_1000 : vector<16xi32>
      %select_n3A_1002 = arith.select %lt3A_997, %add3A_1001, %select_n3A_991 : vector<16xi1>, vector<16xi32>
      %get3A_1003 = arith.constant 6 : i32
      %get3A_1004 = arith.index_cast %get3A_1003 : i32 to index
      %get3A_1005 = arith.constant 48 : index
      %get3A_1006 = tpu.vector_load %arg5[%get3A_1004, %get3A_1005] {strides = array<i32>} : memref<16x128xf32, #tpu.memory_space<vmem>>, vector<1x16xf32>,
      %get3A_1007 = vector.shape_cast %get3A_1006 : vector<1x16xf32> to vector<16xf32>
      %lt3A_1008 = arith.cmpf olt, %get3A_1007, %select_n3A_998 : vector<16xf32>
      %select_n3A_1009 = arith.select %lt3A_1008, %get3A_1007, %select_n3A_998 : vector<16xi1>, vector<16xf32>
      %add3A_1010 = arith.constant 48 : i32
      %add3A_1011 = vector.broadcast %add3A_1010 : i32 to vector<16xi32>
      %add3A_1012 = arith.addi %iota3A, %add3A_1011 : vector<16xi32>
      %select_n3A_1013 = arith.select %lt3A_1008, %add3A_1012, %select_n3A_1002 : vector<16xi1>, vector<16xi32>
      %get3A_1014 = arith.constant 6 : i32
      %get3A_1015 = arith.index_cast %get3A_1014 : i32 to index
      %get3A_1016 = arith.constant 64 : index
      %get3A_1017 = tpu.vector_load %arg5[%get3A_1015, %get3A_1016] {strides = array<i32>} : memref<16x128xf32, #tpu.memory_space<vmem>>, vector<1x16xf32>,
      %get3A_1018 = vector.shape_cast %get3A_1017 : vector<1x16xf32> to vector<16xf32>
      %lt3A_1019 = arith.cmpf olt, %get3A_1018, %select_n3A_1009 : vector<16xf32>
      %select_n3A_1020 = arith.select %lt3A_1019, %get3A_1018, %select_n3A_1009 : vector<16xi1>, vector<16xf32>
      %add3A_1021 = arith.constant 64 : i32
      %add3A_1022 = vector.broadcast %add3A_1021 : i32 to vector<16xi32>
      %add3A_1023 = arith.addi %iota3A, %add3A_1022 : vector<16xi32>
      %select_n3A_1024 = arith.select %lt3A_1019, %add3A_1023, %select_n3A_1013 : vector<16xi1>, vector<16xi32>
      %get3A_1025 = arith.constant 6 : i32
      %get3A_1026 = arith.index_cast %get3A_1025 : i32 to index
      %get3A_1027 = arith.constant 80 : index
      %get3A_1028 = tpu.vector_load %arg5[%get3A_1026, %get3A_1027] {strides = array<i32>} : memref<16x128xf32, #tpu.memory_space<vmem>>, vector<1x16xf32>,
      %get3A_1029 = vector.shape_cast %get3A_1028 : vector<1x16xf32> to vector<16xf32>
      %lt3A_1030 = arith.cmpf olt, %get3A_1029, %select_n3A_1020 : vector<16xf32>
      %select_n3A_1031 = arith.select %lt3A_1030, %get3A_1029, %select_n3A_1020 : vector<16xi1>, vector<16xf32>
      %add3A_1032 = arith.constant 80 : i32
      %add3A_1033 = vector.broadcast %add3A_1032 : i32 to vector<16xi32>
      %add3A_1034 = arith.addi %iota3A, %add3A_1033 : vector<16xi32>
      %select_n3A_1035 = arith.select %lt3A_1030, %add3A_1034, %select_n3A_1024 : vector<16xi1>, vector<16xi32>
      %get3A_1036 = arith.constant 6 : i32
      %get3A_1037 = arith.index_cast %get3A_1036 : i32 to index
      %get3A_1038 = arith.constant 96 : index
      %get3A_1039 = tpu.vector_load %arg5[%get3A_1037, %get3A_1038] {strides = array<i32>} : memref<16x128xf32, #tpu.memory_space<vmem>>, vector<1x16xf32>,
      %get3A_1040 = vector.shape_cast %get3A_1039 : vector<1x16xf32> to vector<16xf32>
      %lt3A_1041 = arith.cmpf olt, %get3A_1040, %select_n3A_1031 : vector<16xf32>
      %select_n3A_1042 = arith.select %lt3A_1041, %get3A_1040, %select_n3A_1031 : vector<16xi1>, vector<16xf32>
      %add3A_1043 = arith.constant 96 : i32
      %add3A_1044 = vector.broadcast %add3A_1043 : i32 to vector<16xi32>
      %add3A_1045 = arith.addi %iota3A, %add3A_1044 : vector<16xi32>
      %select_n3A_1046 = arith.select %lt3A_1041, %add3A_1045, %select_n3A_1035 : vector<16xi1>, vector<16xi32>
      %get3A_1047 = arith.constant 6 : i32
      %get3A_1048 = arith.index_cast %get3A_1047 : i32 to index
      %get3A_1049 = arith.constant 112 : index
      %get3A_1050 = tpu.vector_load %arg5[%get3A_1048, %get3A_1049] {strides = array<i32>} : memref<16x128xf32, #tpu.memory_space<vmem>>, vector<1x16xf32>,
      %get3A_1051 = vector.shape_cast %get3A_1050 : vector<1x16xf32> to vector<16xf32>
      %lt3A_1052 = arith.cmpf olt, %get3A_1051, %select_n3A_1042 : vector<16xf32>
      %select_n3A_1053 = arith.select %lt3A_1052, %get3A_1051, %select_n3A_1042 : vector<16xi1>, vector<16xf32>
      %add3A_1054 = arith.constant 112 : i32
      %add3A_1055 = vector.broadcast %add3A_1054 : i32 to vector<16xi32>
      %add3A_1056 = arith.addi %iota3A, %add3A_1055 : vector<16xi32>
      %select_n3A_1057 = arith.select %lt3A_1052, %add3A_1056, %select_n3A_1046 : vector<16xi1>, vector<16xi32>
      %xor3A_1058 = arith.constant 1 : i32
      %xor3A_1059 = vector.broadcast %xor3A_1058 : i32 to vector<16xi32>
      %xor3A_1060 = arith.xori %iota3A, %xor3A_1059 : vector<16xi32>
      %broadcast_in_dim3A_1061 = vector.shape_cast %xor3A_1060 : vector<16xi32> to vector<16x1xi32>
      %gather3A_1062 = vector.shape_cast %broadcast_in_dim3A_1061 : vector<16x1xi32> to vector<16xi32>
      %gather3A_1063 = tpu.dynamic_gather %select_n3A_1053[%gather3A_1062] in [0] : vector<16xf32>, vector<16xi32> -> vector<16xf32>
      %broadcast_in_dim3A_1064 = vector.shape_cast %xor3A_1060 : vector<16xi32> to vector<16x1xi32>
      %gather3A_1065 = vector.shape_cast %broadcast_in_dim3A_1064 : vector<16x1xi32> to vector<16xi32>
      %gather3A_1066 = tpu.dynamic_gather %select_n3A_1057[%gather3A_1065] in [0] : vector<16xi32>, vector<16xi32> -> vector<16xi32>
      %lt3A_1067 = arith.cmpf olt, %gather3A_1063, %select_n3A_1053 : vector<16xf32>
      %eq3A_1068 = arith.cmpf oeq, %gather3A_1063, %select_n3A_1053 : vector<16xf32>
      %lt3A_1069 = arith.cmpi slt, %gather3A_1066, %select_n3A_1057 : vector<16xi32>
      %and3A_1070 = arith.andi %eq3A_1068, %lt3A_1069 : vector<16xi1>
      %or3A_1071 = arith.ori %lt3A_1067, %and3A_1070 : vector<16xi1>
      %select_n3A_1072 = arith.select %or3A_1071, %gather3A_1063, %select_n3A_1053 : vector<16xi1>, vector<16xf32>
      %select_n3A_1073 = arith.select %or3A_1071, %gather3A_1066, %select_n3A_1057 : vector<16xi1>, vector<16xi32>
      %xor3A_1074 = arith.constant 2 : i32
      %xor3A_1075 = vector.broadcast %xor3A_1074 : i32 to vector<16xi32>
      %xor3A_1076 = arith.xori %iota3A, %xor3A_1075 : vector<16xi32>
      %broadcast_in_dim3A_1077 = vector.shape_cast %xor3A_1076 : vector<16xi32> to vector<16x1xi32>
      %gather3A_1078 = vector.shape_cast %broadcast_in_dim3A_1077 : vector<16x1xi32> to vector<16xi32>
      %gather3A_1079 = tpu.dynamic_gather %select_n3A_1072[%gather3A_1078] in [0] : vector<16xf32>, vector<16xi32> -> vector<16xf32>
      %broadcast_in_dim3A_1080 = vector.shape_cast %xor3A_1076 : vector<16xi32> to vector<16x1xi32>
      %gather3A_1081 = vector.shape_cast %broadcast_in_dim3A_1080 : vector<16x1xi32> to vector<16xi32>
      %gather3A_1082 = tpu.dynamic_gather %select_n3A_1073[%gather3A_1081] in [0] : vector<16xi32>, vector<16xi32> -> vector<16xi32>
      %lt3A_1083 = arith.cmpf olt, %gather3A_1079, %select_n3A_1072 : vector<16xf32>
      %eq3A_1084 = arith.cmpf oeq, %gather3A_1079, %select_n3A_1072 : vector<16xf32>
      %lt3A_1085 = arith.cmpi slt, %gather3A_1082, %select_n3A_1073 : vector<16xi32>
      %and3A_1086 = arith.andi %eq3A_1084, %lt3A_1085 : vector<16xi1>
      %or3A_1087 = arith.ori %lt3A_1083, %and3A_1086 : vector<16xi1>
      %select_n3A_1088 = arith.select %or3A_1087, %gather3A_1079, %select_n3A_1072 : vector<16xi1>, vector<16xf32>
      %select_n3A_1089 = arith.select %or3A_1087, %gather3A_1082, %select_n3A_1073 : vector<16xi1>, vector<16xi32>
      %xor3A_1090 = arith.constant 4 : i32
      %xor3A_1091 = vector.broadcast %xor3A_1090 : i32 to vector<16xi32>
      %xor3A_1092 = arith.xori %iota3A, %xor3A_1091 : vector<16xi32>
      %broadcast_in_dim3A_1093 = vector.shape_cast %xor3A_1092 : vector<16xi32> to vector<16x1xi32>
      %gather3A_1094 = vector.shape_cast %broadcast_in_dim3A_1093 : vector<16x1xi32> to vector<16xi32>
      %gather3A_1095 = tpu.dynamic_gather %select_n3A_1088[%gather3A_1094] in [0] : vector<16xf32>, vector<16xi32> -> vector<16xf32>
      %broadcast_in_dim3A_1096 = vector.shape_cast %xor3A_1092 : vector<16xi32> to vector<16x1xi32>
      %gather3A_1097 = vector.shape_cast %broadcast_in_dim3A_1096 : vector<16x1xi32> to vector<16xi32>
      %gather3A_1098 = tpu.dynamic_gather %select_n3A_1089[%gather3A_1097] in [0] : vector<16xi32>, vector<16xi32> -> vector<16xi32>
      %lt3A_1099 = arith.cmpf olt, %gather3A_1095, %select_n3A_1088 : vector<16xf32>
      %eq3A_1100 = arith.cmpf oeq, %gather3A_1095, %select_n3A_1088 : vector<16xf32>
      %lt3A_1101 = arith.cmpi slt, %gather3A_1098, %select_n3A_1089 : vector<16xi32>
      %and3A_1102 = arith.andi %eq3A_1100, %lt3A_1101 : vector<16xi1>
      %or3A_1103 = arith.ori %lt3A_1099, %and3A_1102 : vector<16xi1>
      %select_n3A_1104 = arith.select %or3A_1103, %gather3A_1095, %select_n3A_1088 : vector<16xi1>, vector<16xf32>
      %select_n3A_1105 = arith.select %or3A_1103, %gather3A_1098, %select_n3A_1089 : vector<16xi1>, vector<16xi32>
      %xor3A_1106 = arith.constant 8 : i32
      %xor3A_1107 = vector.broadcast %xor3A_1106 : i32 to vector<16xi32>
      %xor3A_1108 = arith.xori %iota3A, %xor3A_1107 : vector<16xi32>
      %broadcast_in_dim3A_1109 = vector.shape_cast %xor3A_1108 : vector<16xi32> to vector<16x1xi32>
      %gather3A_1110 = vector.shape_cast %broadcast_in_dim3A_1109 : vector<16x1xi32> to vector<16xi32>
      %gather3A_1111 = tpu.dynamic_gather %select_n3A_1104[%gather3A_1110] in [0] : vector<16xf32>, vector<16xi32> -> vector<16xf32>
      %broadcast_in_dim3A_1112 = vector.shape_cast %xor3A_1108 : vector<16xi32> to vector<16x1xi32>
      %gather3A_1113 = vector.shape_cast %broadcast_in_dim3A_1112 : vector<16x1xi32> to vector<16xi32>
      %gather3A_1114 = tpu.dynamic_gather %select_n3A_1105[%gather3A_1113] in [0] : vector<16xi32>, vector<16xi32> -> vector<16xi32>
      %lt3A_1115 = arith.cmpf olt, %gather3A_1111, %select_n3A_1104 : vector<16xf32>
      %eq3A_1116 = arith.cmpf oeq, %gather3A_1111, %select_n3A_1104 : vector<16xf32>
      %lt3A_1117 = arith.cmpi slt, %gather3A_1114, %select_n3A_1105 : vector<16xi32>
      %and3A_1118 = arith.andi %eq3A_1116, %lt3A_1117 : vector<16xi1>
      %or3A_1119 = arith.ori %lt3A_1115, %and3A_1118 : vector<16xi1>
      %select_n3A_1120 = arith.select %or3A_1119, %gather3A_1111, %select_n3A_1104 : vector<16xi1>, vector<16xf32>
      %select_n3A_1121 = arith.select %or3A_1119, %gather3A_1114, %select_n3A_1105 : vector<16xi1>, vector<16xi32>
      %eq3A_1122 = arith.constant 6 : i32
      %eq3A_1123 = vector.broadcast %eq3A_1122 : i32 to vector<16xi32>
      %eq3A_1124 = arith.cmpi eq, %iota3A, %eq3A_1123 : vector<16xi32>
      %select_n3A_1125 = arith.select %eq3A_1124, %select_n3A_1120, %select_n3A_964 : vector<16xi1>, vector<16xf32>
      %select_n3A_1126 = arith.select %eq3A_1124, %select_n3A_1121, %select_n3A_965 : vector<16xi1>, vector<16xi32>
      %broadcast_in_dim3A_1127 = arith.constant 3.400000e+38 : f32
      %broadcast_in_dim3A_1128 = vector.broadcast %broadcast_in_dim3A_1127 : f32 to vector<16xf32>
      %broadcast_in_dim3A_1129 = arith.constant 0 : i32
      %broadcast_in_dim3A_1130 = vector.broadcast %broadcast_in_dim3A_1129 : i32 to vector<16xi32>
      %get3A_1131 = arith.constant 7 : i32
      %get3A_1132 = arith.index_cast %get3A_1131 : i32 to index
      %get3A_1133 = arith.constant 0 : index
      %get3A_1134 = tpu.vector_load %arg5[%get3A_1132, %get3A_1133] {strides = array<i32>} : memref<16x128xf32, #tpu.memory_space<vmem>>, vector<1x16xf32>,
      %get3A_1135 = vector.shape_cast %get3A_1134 : vector<1x16xf32> to vector<16xf32>
      %lt3A_1136 = arith.cmpf olt, %get3A_1135, %broadcast_in_dim3A_1128 : vector<16xf32>
      %select_n3A_1137 = arith.select %lt3A_1136, %get3A_1135, %broadcast_in_dim3A_1128 : vector<16xi1>, vector<16xf32>
      %add3A_1138 = arith.constant 0 : i32
      %add3A_1139 = vector.broadcast %add3A_1138 : i32 to vector<16xi32>
      %add3A_1140 = arith.addi %iota3A, %add3A_1139 : vector<16xi32>
      %select_n3A_1141 = arith.select %lt3A_1136, %add3A_1140, %broadcast_in_dim3A_1130 : vector<16xi1>, vector<16xi32>
      %get3A_1142 = arith.constant 7 : i32
      %get3A_1143 = arith.index_cast %get3A_1142 : i32 to index
      %get3A_1144 = arith.constant 16 : index
      %get3A_1145 = tpu.vector_load %arg5[%get3A_1143, %get3A_1144] {strides = array<i32>} : memref<16x128xf32, #tpu.memory_space<vmem>>, vector<1x16xf32>,
      %get3A_1146 = vector.shape_cast %get3A_1145 : vector<1x16xf32> to vector<16xf32>
      %lt3A_1147 = arith.cmpf olt, %get3A_1146, %select_n3A_1137 : vector<16xf32>
      %select_n3A_1148 = arith.select %lt3A_1147, %get3A_1146, %select_n3A_1137 : vector<16xi1>, vector<16xf32>
      %add3A_1149 = arith.constant 16 : i32
      %add3A_1150 = vector.broadcast %add3A_1149 : i32 to vector<16xi32>
      %add3A_1151 = arith.addi %iota3A, %add3A_1150 : vector<16xi32>
      %select_n3A_1152 = arith.select %lt3A_1147, %add3A_1151, %select_n3A_1141 : vector<16xi1>, vector<16xi32>
      %get3A_1153 = arith.constant 7 : i32
      %get3A_1154 = arith.index_cast %get3A_1153 : i32 to index
      %get3A_1155 = arith.constant 32 : index
      %get3A_1156 = tpu.vector_load %arg5[%get3A_1154, %get3A_1155] {strides = array<i32>} : memref<16x128xf32, #tpu.memory_space<vmem>>, vector<1x16xf32>,
      %get3A_1157 = vector.shape_cast %get3A_1156 : vector<1x16xf32> to vector<16xf32>
      %lt3A_1158 = arith.cmpf olt, %get3A_1157, %select_n3A_1148 : vector<16xf32>
      %select_n3A_1159 = arith.select %lt3A_1158, %get3A_1157, %select_n3A_1148 : vector<16xi1>, vector<16xf32>
      %add3A_1160 = arith.constant 32 : i32
      %add3A_1161 = vector.broadcast %add3A_1160 : i32 to vector<16xi32>
      %add3A_1162 = arith.addi %iota3A, %add3A_1161 : vector<16xi32>
      %select_n3A_1163 = arith.select %lt3A_1158, %add3A_1162, %select_n3A_1152 : vector<16xi1>, vector<16xi32>
      %get3A_1164 = arith.constant 7 : i32
      %get3A_1165 = arith.index_cast %get3A_1164 : i32 to index
      %get3A_1166 = arith.constant 48 : index
      %get3A_1167 = tpu.vector_load %arg5[%get3A_1165, %get3A_1166] {strides = array<i32>} : memref<16x128xf32, #tpu.memory_space<vmem>>, vector<1x16xf32>,
      %get3A_1168 = vector.shape_cast %get3A_1167 : vector<1x16xf32> to vector<16xf32>
      %lt3A_1169 = arith.cmpf olt, %get3A_1168, %select_n3A_1159 : vector<16xf32>
      %select_n3A_1170 = arith.select %lt3A_1169, %get3A_1168, %select_n3A_1159 : vector<16xi1>, vector<16xf32>
      %add3A_1171 = arith.constant 48 : i32
      %add3A_1172 = vector.broadcast %add3A_1171 : i32 to vector<16xi32>
      %add3A_1173 = arith.addi %iota3A, %add3A_1172 : vector<16xi32>
      %select_n3A_1174 = arith.select %lt3A_1169, %add3A_1173, %select_n3A_1163 : vector<16xi1>, vector<16xi32>
      %get3A_1175 = arith.constant 7 : i32
      %get3A_1176 = arith.index_cast %get3A_1175 : i32 to index
      %get3A_1177 = arith.constant 64 : index
      %get3A_1178 = tpu.vector_load %arg5[%get3A_1176, %get3A_1177] {strides = array<i32>} : memref<16x128xf32, #tpu.memory_space<vmem>>, vector<1x16xf32>,
      %get3A_1179 = vector.shape_cast %get3A_1178 : vector<1x16xf32> to vector<16xf32>
      %lt3A_1180 = arith.cmpf olt, %get3A_1179, %select_n3A_1170 : vector<16xf32>
      %select_n3A_1181 = arith.select %lt3A_1180, %get3A_1179, %select_n3A_1170 : vector<16xi1>, vector<16xf32>
      %add3A_1182 = arith.constant 64 : i32
      %add3A_1183 = vector.broadcast %add3A_1182 : i32 to vector<16xi32>
      %add3A_1184 = arith.addi %iota3A, %add3A_1183 : vector<16xi32>
      %select_n3A_1185 = arith.select %lt3A_1180, %add3A_1184, %select_n3A_1174 : vector<16xi1>, vector<16xi32>
      %get3A_1186 = arith.constant 7 : i32
      %get3A_1187 = arith.index_cast %get3A_1186 : i32 to index
      %get3A_1188 = arith.constant 80 : index
      %get3A_1189 = tpu.vector_load %arg5[%get3A_1187, %get3A_1188] {strides = array<i32>} : memref<16x128xf32, #tpu.memory_space<vmem>>, vector<1x16xf32>,
      %get3A_1190 = vector.shape_cast %get3A_1189 : vector<1x16xf32> to vector<16xf32>
      %lt3A_1191 = arith.cmpf olt, %get3A_1190, %select_n3A_1181 : vector<16xf32>
      %select_n3A_1192 = arith.select %lt3A_1191, %get3A_1190, %select_n3A_1181 : vector<16xi1>, vector<16xf32>
      %add3A_1193 = arith.constant 80 : i32
      %add3A_1194 = vector.broadcast %add3A_1193 : i32 to vector<16xi32>
      %add3A_1195 = arith.addi %iota3A, %add3A_1194 : vector<16xi32>
      %select_n3A_1196 = arith.select %lt3A_1191, %add3A_1195, %select_n3A_1185 : vector<16xi1>, vector<16xi32>
      %get3A_1197 = arith.constant 7 : i32
      %get3A_1198 = arith.index_cast %get3A_1197 : i32 to index
      %get3A_1199 = arith.constant 96 : index
      %get3A_1200 = tpu.vector_load %arg5[%get3A_1198, %get3A_1199] {strides = array<i32>} : memref<16x128xf32, #tpu.memory_space<vmem>>, vector<1x16xf32>,
      %get3A_1201 = vector.shape_cast %get3A_1200 : vector<1x16xf32> to vector<16xf32>
      %lt3A_1202 = arith.cmpf olt, %get3A_1201, %select_n3A_1192 : vector<16xf32>
      %select_n3A_1203 = arith.select %lt3A_1202, %get3A_1201, %select_n3A_1192 : vector<16xi1>, vector<16xf32>
      %add3A_1204 = arith.constant 96 : i32
      %add3A_1205 = vector.broadcast %add3A_1204 : i32 to vector<16xi32>
      %add3A_1206 = arith.addi %iota3A, %add3A_1205 : vector<16xi32>
      %select_n3A_1207 = arith.select %lt3A_1202, %add3A_1206, %select_n3A_1196 : vector<16xi1>, vector<16xi32>
      %get3A_1208 = arith.constant 7 : i32
      %get3A_1209 = arith.index_cast %get3A_1208 : i32 to index
      %get3A_1210 = arith.constant 112 : index
      %get3A_1211 = tpu.vector_load %arg5[%get3A_1209, %get3A_1210] {strides = array<i32>} : memref<16x128xf32, #tpu.memory_space<vmem>>, vector<1x16xf32>,
      %get3A_1212 = vector.shape_cast %get3A_1211 : vector<1x16xf32> to vector<16xf32>
      %lt3A_1213 = arith.cmpf olt, %get3A_1212, %select_n3A_1203 : vector<16xf32>
      %select_n3A_1214 = arith.select %lt3A_1213, %get3A_1212, %select_n3A_1203 : vector<16xi1>, vector<16xf32>
      %add3A_1215 = arith.constant 112 : i32
      %add3A_1216 = vector.broadcast %add3A_1215 : i32 to vector<16xi32>
      %add3A_1217 = arith.addi %iota3A, %add3A_1216 : vector<16xi32>
      %select_n3A_1218 = arith.select %lt3A_1213, %add3A_1217, %select_n3A_1207 : vector<16xi1>, vector<16xi32>
      %xor3A_1219 = arith.constant 1 : i32
      %xor3A_1220 = vector.broadcast %xor3A_1219 : i32 to vector<16xi32>
      %xor3A_1221 = arith.xori %iota3A, %xor3A_1220 : vector<16xi32>
      %broadcast_in_dim3A_1222 = vector.shape_cast %xor3A_1221 : vector<16xi32> to vector<16x1xi32>
      %gather3A_1223 = vector.shape_cast %broadcast_in_dim3A_1222 : vector<16x1xi32> to vector<16xi32>
      %gather3A_1224 = tpu.dynamic_gather %select_n3A_1214[%gather3A_1223] in [0] : vector<16xf32>, vector<16xi32> -> vector<16xf32>
      %broadcast_in_dim3A_1225 = vector.shape_cast %xor3A_1221 : vector<16xi32> to vector<16x1xi32>
      %gather3A_1226 = vector.shape_cast %broadcast_in_dim3A_1225 : vector<16x1xi32> to vector<16xi32>
      %gather3A_1227 = tpu.dynamic_gather %select_n3A_1218[%gather3A_1226] in [0] : vector<16xi32>, vector<16xi32> -> vector<16xi32>
      %lt3A_1228 = arith.cmpf olt, %gather3A_1224, %select_n3A_1214 : vector<16xf32>
      %eq3A_1229 = arith.cmpf oeq, %gather3A_1224, %select_n3A_1214 : vector<16xf32>
      %lt3A_1230 = arith.cmpi slt, %gather3A_1227, %select_n3A_1218 : vector<16xi32>
      %and3A_1231 = arith.andi %eq3A_1229, %lt3A_1230 : vector<16xi1>
      %or3A_1232 = arith.ori %lt3A_1228, %and3A_1231 : vector<16xi1>
      %select_n3A_1233 = arith.select %or3A_1232, %gather3A_1224, %select_n3A_1214 : vector<16xi1>, vector<16xf32>
      %select_n3A_1234 = arith.select %or3A_1232, %gather3A_1227, %select_n3A_1218 : vector<16xi1>, vector<16xi32>
      %xor3A_1235 = arith.constant 2 : i32
      %xor3A_1236 = vector.broadcast %xor3A_1235 : i32 to vector<16xi32>
      %xor3A_1237 = arith.xori %iota3A, %xor3A_1236 : vector<16xi32>
      %broadcast_in_dim3A_1238 = vector.shape_cast %xor3A_1237 : vector<16xi32> to vector<16x1xi32>
      %gather3A_1239 = vector.shape_cast %broadcast_in_dim3A_1238 : vector<16x1xi32> to vector<16xi32>
      %gather3A_1240 = tpu.dynamic_gather %select_n3A_1233[%gather3A_1239] in [0] : vector<16xf32>, vector<16xi32> -> vector<16xf32>
      %broadcast_in_dim3A_1241 = vector.shape_cast %xor3A_1237 : vector<16xi32> to vector<16x1xi32>
      %gather3A_1242 = vector.shape_cast %broadcast_in_dim3A_1241 : vector<16x1xi32> to vector<16xi32>
      %gather3A_1243 = tpu.dynamic_gather %select_n3A_1234[%gather3A_1242] in [0] : vector<16xi32>, vector<16xi32> -> vector<16xi32>
      %lt3A_1244 = arith.cmpf olt, %gather3A_1240, %select_n3A_1233 : vector<16xf32>
      %eq3A_1245 = arith.cmpf oeq, %gather3A_1240, %select_n3A_1233 : vector<16xf32>
      %lt3A_1246 = arith.cmpi slt, %gather3A_1243, %select_n3A_1234 : vector<16xi32>
      %and3A_1247 = arith.andi %eq3A_1245, %lt3A_1246 : vector<16xi1>
      %or3A_1248 = arith.ori %lt3A_1244, %and3A_1247 : vector<16xi1>
      %select_n3A_1249 = arith.select %or3A_1248, %gather3A_1240, %select_n3A_1233 : vector<16xi1>, vector<16xf32>
      %select_n3A_1250 = arith.select %or3A_1248, %gather3A_1243, %select_n3A_1234 : vector<16xi1>, vector<16xi32>
      %xor3A_1251 = arith.constant 4 : i32
      %xor3A_1252 = vector.broadcast %xor3A_1251 : i32 to vector<16xi32>
      %xor3A_1253 = arith.xori %iota3A, %xor3A_1252 : vector<16xi32>
      %broadcast_in_dim3A_1254 = vector.shape_cast %xor3A_1253 : vector<16xi32> to vector<16x1xi32>
      %gather3A_1255 = vector.shape_cast %broadcast_in_dim3A_1254 : vector<16x1xi32> to vector<16xi32>
      %gather3A_1256 = tpu.dynamic_gather %select_n3A_1249[%gather3A_1255] in [0] : vector<16xf32>, vector<16xi32> -> vector<16xf32>
      %broadcast_in_dim3A_1257 = vector.shape_cast %xor3A_1253 : vector<16xi32> to vector<16x1xi32>
      %gather3A_1258 = vector.shape_cast %broadcast_in_dim3A_1257 : vector<16x1xi32> to vector<16xi32>
      %gather3A_1259 = tpu.dynamic_gather %select_n3A_1250[%gather3A_1258] in [0] : vector<16xi32>, vector<16xi32> -> vector<16xi32>
      %lt3A_1260 = arith.cmpf olt, %gather3A_1256, %select_n3A_1249 : vector<16xf32>
      %eq3A_1261 = arith.cmpf oeq, %gather3A_1256, %select_n3A_1249 : vector<16xf32>
      %lt3A_1262 = arith.cmpi slt, %gather3A_1259, %select_n3A_1250 : vector<16xi32>
      %and3A_1263 = arith.andi %eq3A_1261, %lt3A_1262 : vector<16xi1>
      %or3A_1264 = arith.ori %lt3A_1260, %and3A_1263 : vector<16xi1>
      %select_n3A_1265 = arith.select %or3A_1264, %gather3A_1256, %select_n3A_1249 : vector<16xi1>, vector<16xf32>
      %select_n3A_1266 = arith.select %or3A_1264, %gather3A_1259, %select_n3A_1250 : vector<16xi1>, vector<16xi32>
      %xor3A_1267 = arith.constant 8 : i32
      %xor3A_1268 = vector.broadcast %xor3A_1267 : i32 to vector<16xi32>
      %xor3A_1269 = arith.xori %iota3A, %xor3A_1268 : vector<16xi32>
      %broadcast_in_dim3A_1270 = vector.shape_cast %xor3A_1269 : vector<16xi32> to vector<16x1xi32>
      %gather3A_1271 = vector.shape_cast %broadcast_in_dim3A_1270 : vector<16x1xi32> to vector<16xi32>
      %gather3A_1272 = tpu.dynamic_gather %select_n3A_1265[%gather3A_1271] in [0] : vector<16xf32>, vector<16xi32> -> vector<16xf32>
      %broadcast_in_dim3A_1273 = vector.shape_cast %xor3A_1269 : vector<16xi32> to vector<16x1xi32>
      %gather3A_1274 = vector.shape_cast %broadcast_in_dim3A_1273 : vector<16x1xi32> to vector<16xi32>
      %gather3A_1275 = tpu.dynamic_gather %select_n3A_1266[%gather3A_1274] in [0] : vector<16xi32>, vector<16xi32> -> vector<16xi32>
      %lt3A_1276 = arith.cmpf olt, %gather3A_1272, %select_n3A_1265 : vector<16xf32>
      %eq3A_1277 = arith.cmpf oeq, %gather3A_1272, %select_n3A_1265 : vector<16xf32>
      %lt3A_1278 = arith.cmpi slt, %gather3A_1275, %select_n3A_1266 : vector<16xi32>
      %and3A_1279 = arith.andi %eq3A_1277, %lt3A_1278 : vector<16xi1>
      %or3A_1280 = arith.ori %lt3A_1276, %and3A_1279 : vector<16xi1>
      %select_n3A_1281 = arith.select %or3A_1280, %gather3A_1272, %select_n3A_1265 : vector<16xi1>, vector<16xf32>
      %select_n3A_1282 = arith.select %or3A_1280, %gather3A_1275, %select_n3A_1266 : vector<16xi1>, vector<16xi32>
      %eq3A_1283 = arith.constant 7 : i32
      %eq3A_1284 = vector.broadcast %eq3A_1283 : i32 to vector<16xi32>
      %eq3A_1285 = arith.cmpi eq, %iota3A, %eq3A_1284 : vector<16xi32>
      %select_n3A_1286 = arith.select %eq3A_1285, %select_n3A_1281, %select_n3A_1125 : vector<16xi1>, vector<16xf32>
      %select_n3A_1287 = arith.select %eq3A_1285, %select_n3A_1282, %select_n3A_1126 : vector<16xi1>, vector<16xi32>
      %broadcast_in_dim3A_1288 = arith.constant 3.400000e+38 : f32
      %broadcast_in_dim3A_1289 = vector.broadcast %broadcast_in_dim3A_1288 : f32 to vector<16xf32>
      %broadcast_in_dim3A_1290 = arith.constant 0 : i32
      %broadcast_in_dim3A_1291 = vector.broadcast %broadcast_in_dim3A_1290 : i32 to vector<16xi32>
      %get3A_1292 = arith.constant 8 : i32
      %get3A_1293 = arith.index_cast %get3A_1292 : i32 to index
      %get3A_1294 = arith.constant 0 : index
      %get3A_1295 = tpu.vector_load %arg5[%get3A_1293, %get3A_1294] {strides = array<i32>} : memref<16x128xf32, #tpu.memory_space<vmem>>, vector<1x16xf32>,
      %get3A_1296 = vector.shape_cast %get3A_1295 : vector<1x16xf32> to vector<16xf32>
      %lt3A_1297 = arith.cmpf olt, %get3A_1296, %broadcast_in_dim3A_1289 : vector<16xf32>
      %select_n3A_1298 = arith.select %lt3A_1297, %get3A_1296, %broadcast_in_dim3A_1289 : vector<16xi1>, vector<16xf32>
      %add3A_1299 = arith.constant 0 : i32
      %add3A_1300 = vector.broadcast %add3A_1299 : i32 to vector<16xi32>
      %add3A_1301 = arith.addi %iota3A, %add3A_1300 : vector<16xi32>
      %select_n3A_1302 = arith.select %lt3A_1297, %add3A_1301, %broadcast_in_dim3A_1291 : vector<16xi1>, vector<16xi32>
      %get3A_1303 = arith.constant 8 : i32
      %get3A_1304 = arith.index_cast %get3A_1303 : i32 to index
      %get3A_1305 = arith.constant 16 : index
      %get3A_1306 = tpu.vector_load %arg5[%get3A_1304, %get3A_1305] {strides = array<i32>} : memref<16x128xf32, #tpu.memory_space<vmem>>, vector<1x16xf32>,
      %get3A_1307 = vector.shape_cast %get3A_1306 : vector<1x16xf32> to vector<16xf32>
      %lt3A_1308 = arith.cmpf olt, %get3A_1307, %select_n3A_1298 : vector<16xf32>
      %select_n3A_1309 = arith.select %lt3A_1308, %get3A_1307, %select_n3A_1298 : vector<16xi1>, vector<16xf32>
      %add3A_1310 = arith.constant 16 : i32
      %add3A_1311 = vector.broadcast %add3A_1310 : i32 to vector<16xi32>
      %add3A_1312 = arith.addi %iota3A, %add3A_1311 : vector<16xi32>
      %select_n3A_1313 = arith.select %lt3A_1308, %add3A_1312, %select_n3A_1302 : vector<16xi1>, vector<16xi32>
      %get3A_1314 = arith.constant 8 : i32
      %get3A_1315 = arith.index_cast %get3A_1314 : i32 to index
      %get3A_1316 = arith.constant 32 : index
      %get3A_1317 = tpu.vector_load %arg5[%get3A_1315, %get3A_1316] {strides = array<i32>} : memref<16x128xf32, #tpu.memory_space<vmem>>, vector<1x16xf32>,
      %get3A_1318 = vector.shape_cast %get3A_1317 : vector<1x16xf32> to vector<16xf32>
      %lt3A_1319 = arith.cmpf olt, %get3A_1318, %select_n3A_1309 : vector<16xf32>
      %select_n3A_1320 = arith.select %lt3A_1319, %get3A_1318, %select_n3A_1309 : vector<16xi1>, vector<16xf32>
      %add3A_1321 = arith.constant 32 : i32
      %add3A_1322 = vector.broadcast %add3A_1321 : i32 to vector<16xi32>
      %add3A_1323 = arith.addi %iota3A, %add3A_1322 : vector<16xi32>
      %select_n3A_1324 = arith.select %lt3A_1319, %add3A_1323, %select_n3A_1313 : vector<16xi1>, vector<16xi32>
      %get3A_1325 = arith.constant 8 : i32
      %get3A_1326 = arith.index_cast %get3A_1325 : i32 to index
      %get3A_1327 = arith.constant 48 : index
      %get3A_1328 = tpu.vector_load %arg5[%get3A_1326, %get3A_1327] {strides = array<i32>} : memref<16x128xf32, #tpu.memory_space<vmem>>, vector<1x16xf32>,
      %get3A_1329 = vector.shape_cast %get3A_1328 : vector<1x16xf32> to vector<16xf32>
      %lt3A_1330 = arith.cmpf olt, %get3A_1329, %select_n3A_1320 : vector<16xf32>
      %select_n3A_1331 = arith.select %lt3A_1330, %get3A_1329, %select_n3A_1320 : vector<16xi1>, vector<16xf32>
      %add3A_1332 = arith.constant 48 : i32
      %add3A_1333 = vector.broadcast %add3A_1332 : i32 to vector<16xi32>
      %add3A_1334 = arith.addi %iota3A, %add3A_1333 : vector<16xi32>
      %select_n3A_1335 = arith.select %lt3A_1330, %add3A_1334, %select_n3A_1324 : vector<16xi1>, vector<16xi32>
      %get3A_1336 = arith.constant 8 : i32
      %get3A_1337 = arith.index_cast %get3A_1336 : i32 to index
      %get3A_1338 = arith.constant 64 : index
      %get3A_1339 = tpu.vector_load %arg5[%get3A_1337, %get3A_1338] {strides = array<i32>} : memref<16x128xf32, #tpu.memory_space<vmem>>, vector<1x16xf32>,
      %get3A_1340 = vector.shape_cast %get3A_1339 : vector<1x16xf32> to vector<16xf32>
      %lt3A_1341 = arith.cmpf olt, %get3A_1340, %select_n3A_1331 : vector<16xf32>
      %select_n3A_1342 = arith.select %lt3A_1341, %get3A_1340, %select_n3A_1331 : vector<16xi1>, vector<16xf32>
      %add3A_1343 = arith.constant 64 : i32
      %add3A_1344 = vector.broadcast %add3A_1343 : i32 to vector<16xi32>
      %add3A_1345 = arith.addi %iota3A, %add3A_1344 : vector<16xi32>
      %select_n3A_1346 = arith.select %lt3A_1341, %add3A_1345, %select_n3A_1335 : vector<16xi1>, vector<16xi32>
      %get3A_1347 = arith.constant 8 : i32
      %get3A_1348 = arith.index_cast %get3A_1347 : i32 to index
      %get3A_1349 = arith.constant 80 : index
      %get3A_1350 = tpu.vector_load %arg5[%get3A_1348, %get3A_1349] {strides = array<i32>} : memref<16x128xf32, #tpu.memory_space<vmem>>, vector<1x16xf32>,
      %get3A_1351 = vector.shape_cast %get3A_1350 : vector<1x16xf32> to vector<16xf32>
      %lt3A_1352 = arith.cmpf olt, %get3A_1351, %select_n3A_1342 : vector<16xf32>
      %select_n3A_1353 = arith.select %lt3A_1352, %get3A_1351, %select_n3A_1342 : vector<16xi1>, vector<16xf32>
      %add3A_1354 = arith.constant 80 : i32
      %add3A_1355 = vector.broadcast %add3A_1354 : i32 to vector<16xi32>
      %add3A_1356 = arith.addi %iota3A, %add3A_1355 : vector<16xi32>
      %select_n3A_1357 = arith.select %lt3A_1352, %add3A_1356, %select_n3A_1346 : vector<16xi1>, vector<16xi32>
      %get3A_1358 = arith.constant 8 : i32
      %get3A_1359 = arith.index_cast %get3A_1358 : i32 to index
      %get3A_1360 = arith.constant 96 : index
      %get3A_1361 = tpu.vector_load %arg5[%get3A_1359, %get3A_1360] {strides = array<i32>} : memref<16x128xf32, #tpu.memory_space<vmem>>, vector<1x16xf32>,
      %get3A_1362 = vector.shape_cast %get3A_1361 : vector<1x16xf32> to vector<16xf32>
      %lt3A_1363 = arith.cmpf olt, %get3A_1362, %select_n3A_1353 : vector<16xf32>
      %select_n3A_1364 = arith.select %lt3A_1363, %get3A_1362, %select_n3A_1353 : vector<16xi1>, vector<16xf32>
      %add3A_1365 = arith.constant 96 : i32
      %add3A_1366 = vector.broadcast %add3A_1365 : i32 to vector<16xi32>
      %add3A_1367 = arith.addi %iota3A, %add3A_1366 : vector<16xi32>
      %select_n3A_1368 = arith.select %lt3A_1363, %add3A_1367, %select_n3A_1357 : vector<16xi1>, vector<16xi32>
      %get3A_1369 = arith.constant 8 : i32
      %get3A_1370 = arith.index_cast %get3A_1369 : i32 to index
      %get3A_1371 = arith.constant 112 : index
      %get3A_1372 = tpu.vector_load %arg5[%get3A_1370, %get3A_1371] {strides = array<i32>} : memref<16x128xf32, #tpu.memory_space<vmem>>, vector<1x16xf32>,
      %get3A_1373 = vector.shape_cast %get3A_1372 : vector<1x16xf32> to vector<16xf32>
      %lt3A_1374 = arith.cmpf olt, %get3A_1373, %select_n3A_1364 : vector<16xf32>
      %select_n3A_1375 = arith.select %lt3A_1374, %get3A_1373, %select_n3A_1364 : vector<16xi1>, vector<16xf32>
      %add3A_1376 = arith.constant 112 : i32
      %add3A_1377 = vector.broadcast %add3A_1376 : i32 to vector<16xi32>
      %add3A_1378 = arith.addi %iota3A, %add3A_1377 : vector<16xi32>
      %select_n3A_1379 = arith.select %lt3A_1374, %add3A_1378, %select_n3A_1368 : vector<16xi1>, vector<16xi32>
      %xor3A_1380 = arith.constant 1 : i32
      %xor3A_1381 = vector.broadcast %xor3A_1380 : i32 to vector<16xi32>
      %xor3A_1382 = arith.xori %iota3A, %xor3A_1381 : vector<16xi32>
      %broadcast_in_dim3A_1383 = vector.shape_cast %xor3A_1382 : vector<16xi32> to vector<16x1xi32>
      %gather3A_1384 = vector.shape_cast %broadcast_in_dim3A_1383 : vector<16x1xi32> to vector<16xi32>
      %gather3A_1385 = tpu.dynamic_gather %select_n3A_1375[%gather3A_1384] in [0] : vector<16xf32>, vector<16xi32> -> vector<16xf32>
      %broadcast_in_dim3A_1386 = vector.shape_cast %xor3A_1382 : vector<16xi32> to vector<16x1xi32>
      %gather3A_1387 = vector.shape_cast %broadcast_in_dim3A_1386 : vector<16x1xi32> to vector<16xi32>
      %gather3A_1388 = tpu.dynamic_gather %select_n3A_1379[%gather3A_1387] in [0] : vector<16xi32>, vector<16xi32> -> vector<16xi32>
      %lt3A_1389 = arith.cmpf olt, %gather3A_1385, %select_n3A_1375 : vector<16xf32>
      %eq3A_1390 = arith.cmpf oeq, %gather3A_1385, %select_n3A_1375 : vector<16xf32>
      %lt3A_1391 = arith.cmpi slt, %gather3A_1388, %select_n3A_1379 : vector<16xi32>
      %and3A_1392 = arith.andi %eq3A_1390, %lt3A_1391 : vector<16xi1>
      %or3A_1393 = arith.ori %lt3A_1389, %and3A_1392 : vector<16xi1>
      %select_n3A_1394 = arith.select %or3A_1393, %gather3A_1385, %select_n3A_1375 : vector<16xi1>, vector<16xf32>
      %select_n3A_1395 = arith.select %or3A_1393, %gather3A_1388, %select_n3A_1379 : vector<16xi1>, vector<16xi32>
      %xor3A_1396 = arith.constant 2 : i32
      %xor3A_1397 = vector.broadcast %xor3A_1396 : i32 to vector<16xi32>
      %xor3A_1398 = arith.xori %iota3A, %xor3A_1397 : vector<16xi32>
      %broadcast_in_dim3A_1399 = vector.shape_cast %xor3A_1398 : vector<16xi32> to vector<16x1xi32>
      %gather3A_1400 = vector.shape_cast %broadcast_in_dim3A_1399 : vector<16x1xi32> to vector<16xi32>
      %gather3A_1401 = tpu.dynamic_gather %select_n3A_1394[%gather3A_1400] in [0] : vector<16xf32>, vector<16xi32> -> vector<16xf32>
      %broadcast_in_dim3A_1402 = vector.shape_cast %xor3A_1398 : vector<16xi32> to vector<16x1xi32>
      %gather3A_1403 = vector.shape_cast %broadcast_in_dim3A_1402 : vector<16x1xi32> to vector<16xi32>
      %gather3A_1404 = tpu.dynamic_gather %select_n3A_1395[%gather3A_1403] in [0] : vector<16xi32>, vector<16xi32> -> vector<16xi32>
      %lt3A_1405 = arith.cmpf olt, %gather3A_1401, %select_n3A_1394 : vector<16xf32>
      %eq3A_1406 = arith.cmpf oeq, %gather3A_1401, %select_n3A_1394 : vector<16xf32>
      %lt3A_1407 = arith.cmpi slt, %gather3A_1404, %select_n3A_1395 : vector<16xi32>
      %and3A_1408 = arith.andi %eq3A_1406, %lt3A_1407 : vector<16xi1>
      %or3A_1409 = arith.ori %lt3A_1405, %and3A_1408 : vector<16xi1>
      %select_n3A_1410 = arith.select %or3A_1409, %gather3A_1401, %select_n3A_1394 : vector<16xi1>, vector<16xf32>
      %select_n3A_1411 = arith.select %or3A_1409, %gather3A_1404, %select_n3A_1395 : vector<16xi1>, vector<16xi32>
      %xor3A_1412 = arith.constant 4 : i32
      %xor3A_1413 = vector.broadcast %xor3A_1412 : i32 to vector<16xi32>
      %xor3A_1414 = arith.xori %iota3A, %xor3A_1413 : vector<16xi32>
      %broadcast_in_dim3A_1415 = vector.shape_cast %xor3A_1414 : vector<16xi32> to vector<16x1xi32>
      %gather3A_1416 = vector.shape_cast %broadcast_in_dim3A_1415 : vector<16x1xi32> to vector<16xi32>
      %gather3A_1417 = tpu.dynamic_gather %select_n3A_1410[%gather3A_1416] in [0] : vector<16xf32>, vector<16xi32> -> vector<16xf32>
      %broadcast_in_dim3A_1418 = vector.shape_cast %xor3A_1414 : vector<16xi32> to vector<16x1xi32>
      %gather3A_1419 = vector.shape_cast %broadcast_in_dim3A_1418 : vector<16x1xi32> to vector<16xi32>
      %gather3A_1420 = tpu.dynamic_gather %select_n3A_1411[%gather3A_1419] in [0] : vector<16xi32>, vector<16xi32> -> vector<16xi32>
      %lt3A_1421 = arith.cmpf olt, %gather3A_1417, %select_n3A_1410 : vector<16xf32>
      %eq3A_1422 = arith.cmpf oeq, %gather3A_1417, %select_n3A_1410 : vector<16xf32>
      %lt3A_1423 = arith.cmpi slt, %gather3A_1420, %select_n3A_1411 : vector<16xi32>
      %and3A_1424 = arith.andi %eq3A_1422, %lt3A_1423 : vector<16xi1>
      %or3A_1425 = arith.ori %lt3A_1421, %and3A_1424 : vector<16xi1>
      %select_n3A_1426 = arith.select %or3A_1425, %gather3A_1417, %select_n3A_1410 : vector<16xi1>, vector<16xf32>
      %select_n3A_1427 = arith.select %or3A_1425, %gather3A_1420, %select_n3A_1411 : vector<16xi1>, vector<16xi32>
      %xor3A_1428 = arith.constant 8 : i32
      %xor3A_1429 = vector.broadcast %xor3A_1428 : i32 to vector<16xi32>
      %xor3A_1430 = arith.xori %iota3A, %xor3A_1429 : vector<16xi32>
      %broadcast_in_dim3A_1431 = vector.shape_cast %xor3A_1430 : vector<16xi32> to vector<16x1xi32>
      %gather3A_1432 = vector.shape_cast %broadcast_in_dim3A_1431 : vector<16x1xi32> to vector<16xi32>
      %gather3A_1433 = tpu.dynamic_gather %select_n3A_1426[%gather3A_1432] in [0] : vector<16xf32>, vector<16xi32> -> vector<16xf32>
      %broadcast_in_dim3A_1434 = vector.shape_cast %xor3A_1430 : vector<16xi32> to vector<16x1xi32>
      %gather3A_1435 = vector.shape_cast %broadcast_in_dim3A_1434 : vector<16x1xi32> to vector<16xi32>
      %gather3A_1436 = tpu.dynamic_gather %select_n3A_1427[%gather3A_1435] in [0] : vector<16xi32>, vector<16xi32> -> vector<16xi32>
      %lt3A_1437 = arith.cmpf olt, %gather3A_1433, %select_n3A_1426 : vector<16xf32>
      %eq3A_1438 = arith.cmpf oeq, %gather3A_1433, %select_n3A_1426 : vector<16xf32>
      %lt3A_1439 = arith.cmpi slt, %gather3A_1436, %select_n3A_1427 : vector<16xi32>
      %and3A_1440 = arith.andi %eq3A_1438, %lt3A_1439 : vector<16xi1>
      %or3A_1441 = arith.ori %lt3A_1437, %and3A_1440 : vector<16xi1>
      %select_n3A_1442 = arith.select %or3A_1441, %gather3A_1433, %select_n3A_1426 : vector<16xi1>, vector<16xf32>
      %select_n3A_1443 = arith.select %or3A_1441, %gather3A_1436, %select_n3A_1427 : vector<16xi1>, vector<16xi32>
      %eq3A_1444 = arith.constant 8 : i32
      %eq3A_1445 = vector.broadcast %eq3A_1444 : i32 to vector<16xi32>
      %eq3A_1446 = arith.cmpi eq, %iota3A, %eq3A_1445 : vector<16xi32>
      %select_n3A_1447 = arith.select %eq3A_1446, %select_n3A_1442, %select_n3A_1286 : vector<16xi1>, vector<16xf32>
      %select_n3A_1448 = arith.select %eq3A_1446, %select_n3A_1443, %select_n3A_1287 : vector<16xi1>, vector<16xi32>
      %broadcast_in_dim3A_1449 = arith.constant 3.400000e+38 : f32
      %broadcast_in_dim3A_1450 = vector.broadcast %broadcast_in_dim3A_1449 : f32 to vector<16xf32>
      %broadcast_in_dim3A_1451 = arith.constant 0 : i32
      %broadcast_in_dim3A_1452 = vector.broadcast %broadcast_in_dim3A_1451 : i32 to vector<16xi32>
      %get3A_1453 = arith.constant 9 : i32
      %get3A_1454 = arith.index_cast %get3A_1453 : i32 to index
      %get3A_1455 = arith.constant 0 : index
      %get3A_1456 = tpu.vector_load %arg5[%get3A_1454, %get3A_1455] {strides = array<i32>} : memref<16x128xf32, #tpu.memory_space<vmem>>, vector<1x16xf32>,
      %get3A_1457 = vector.shape_cast %get3A_1456 : vector<1x16xf32> to vector<16xf32>
      %lt3A_1458 = arith.cmpf olt, %get3A_1457, %broadcast_in_dim3A_1450 : vector<16xf32>
      %select_n3A_1459 = arith.select %lt3A_1458, %get3A_1457, %broadcast_in_dim3A_1450 : vector<16xi1>, vector<16xf32>
      %add3A_1460 = arith.constant 0 : i32
      %add3A_1461 = vector.broadcast %add3A_1460 : i32 to vector<16xi32>
      %add3A_1462 = arith.addi %iota3A, %add3A_1461 : vector<16xi32>
      %select_n3A_1463 = arith.select %lt3A_1458, %add3A_1462, %broadcast_in_dim3A_1452 : vector<16xi1>, vector<16xi32>
      %get3A_1464 = arith.constant 9 : i32
      %get3A_1465 = arith.index_cast %get3A_1464 : i32 to index
      %get3A_1466 = arith.constant 16 : index
      %get3A_1467 = tpu.vector_load %arg5[%get3A_1465, %get3A_1466] {strides = array<i32>} : memref<16x128xf32, #tpu.memory_space<vmem>>, vector<1x16xf32>,
      %get3A_1468 = vector.shape_cast %get3A_1467 : vector<1x16xf32> to vector<16xf32>
      %lt3A_1469 = arith.cmpf olt, %get3A_1468, %select_n3A_1459 : vector<16xf32>
      %select_n3A_1470 = arith.select %lt3A_1469, %get3A_1468, %select_n3A_1459 : vector<16xi1>, vector<16xf32>
      %add3A_1471 = arith.constant 16 : i32
      %add3A_1472 = vector.broadcast %add3A_1471 : i32 to vector<16xi32>
      %add3A_1473 = arith.addi %iota3A, %add3A_1472 : vector<16xi32>
      %select_n3A_1474 = arith.select %lt3A_1469, %add3A_1473, %select_n3A_1463 : vector<16xi1>, vector<16xi32>
      %get3A_1475 = arith.constant 9 : i32
      %get3A_1476 = arith.index_cast %get3A_1475 : i32 to index
      %get3A_1477 = arith.constant 32 : index
      %get3A_1478 = tpu.vector_load %arg5[%get3A_1476, %get3A_1477] {strides = array<i32>} : memref<16x128xf32, #tpu.memory_space<vmem>>, vector<1x16xf32>,
      %get3A_1479 = vector.shape_cast %get3A_1478 : vector<1x16xf32> to vector<16xf32>
      %lt3A_1480 = arith.cmpf olt, %get3A_1479, %select_n3A_1470 : vector<16xf32>
      %select_n3A_1481 = arith.select %lt3A_1480, %get3A_1479, %select_n3A_1470 : vector<16xi1>, vector<16xf32>
      %add3A_1482 = arith.constant 32 : i32
      %add3A_1483 = vector.broadcast %add3A_1482 : i32 to vector<16xi32>
      %add3A_1484 = arith.addi %iota3A, %add3A_1483 : vector<16xi32>
      %select_n3A_1485 = arith.select %lt3A_1480, %add3A_1484, %select_n3A_1474 : vector<16xi1>, vector<16xi32>
      %get3A_1486 = arith.constant 9 : i32
      %get3A_1487 = arith.index_cast %get3A_1486 : i32 to index
      %get3A_1488 = arith.constant 48 : index
      %get3A_1489 = tpu.vector_load %arg5[%get3A_1487, %get3A_1488] {strides = array<i32>} : memref<16x128xf32, #tpu.memory_space<vmem>>, vector<1x16xf32>,
      %get3A_1490 = vector.shape_cast %get3A_1489 : vector<1x16xf32> to vector<16xf32>
      %lt3A_1491 = arith.cmpf olt, %get3A_1490, %select_n3A_1481 : vector<16xf32>
      %select_n3A_1492 = arith.select %lt3A_1491, %get3A_1490, %select_n3A_1481 : vector<16xi1>, vector<16xf32>
      %add3A_1493 = arith.constant 48 : i32
      %add3A_1494 = vector.broadcast %add3A_1493 : i32 to vector<16xi32>
      %add3A_1495 = arith.addi %iota3A, %add3A_1494 : vector<16xi32>
      %select_n3A_1496 = arith.select %lt3A_1491, %add3A_1495, %select_n3A_1485 : vector<16xi1>, vector<16xi32>
      %get3A_1497 = arith.constant 9 : i32
      %get3A_1498 = arith.index_cast %get3A_1497 : i32 to index
      %get3A_1499 = arith.constant 64 : index
      %get3A_1500 = tpu.vector_load %arg5[%get3A_1498, %get3A_1499] {strides = array<i32>} : memref<16x128xf32, #tpu.memory_space<vmem>>, vector<1x16xf32>,
      %get3A_1501 = vector.shape_cast %get3A_1500 : vector<1x16xf32> to vector<16xf32>
      %lt3A_1502 = arith.cmpf olt, %get3A_1501, %select_n3A_1492 : vector<16xf32>
      %select_n3A_1503 = arith.select %lt3A_1502, %get3A_1501, %select_n3A_1492 : vector<16xi1>, vector<16xf32>
      %add3A_1504 = arith.constant 64 : i32
      %add3A_1505 = vector.broadcast %add3A_1504 : i32 to vector<16xi32>
      %add3A_1506 = arith.addi %iota3A, %add3A_1505 : vector<16xi32>
      %select_n3A_1507 = arith.select %lt3A_1502, %add3A_1506, %select_n3A_1496 : vector<16xi1>, vector<16xi32>
      %get3A_1508 = arith.constant 9 : i32
      %get3A_1509 = arith.index_cast %get3A_1508 : i32 to index
      %get3A_1510 = arith.constant 80 : index
      %get3A_1511 = tpu.vector_load %arg5[%get3A_1509, %get3A_1510] {strides = array<i32>} : memref<16x128xf32, #tpu.memory_space<vmem>>, vector<1x16xf32>,
      %get3A_1512 = vector.shape_cast %get3A_1511 : vector<1x16xf32> to vector<16xf32>
      %lt3A_1513 = arith.cmpf olt, %get3A_1512, %select_n3A_1503 : vector<16xf32>
      %select_n3A_1514 = arith.select %lt3A_1513, %get3A_1512, %select_n3A_1503 : vector<16xi1>, vector<16xf32>
      %add3A_1515 = arith.constant 80 : i32
      %add3A_1516 = vector.broadcast %add3A_1515 : i32 to vector<16xi32>
      %add3A_1517 = arith.addi %iota3A, %add3A_1516 : vector<16xi32>
      %select_n3A_1518 = arith.select %lt3A_1513, %add3A_1517, %select_n3A_1507 : vector<16xi1>, vector<16xi32>
      %get3A_1519 = arith.constant 9 : i32
      %get3A_1520 = arith.index_cast %get3A_1519 : i32 to index
      %get3A_1521 = arith.constant 96 : index
      %get3A_1522 = tpu.vector_load %arg5[%get3A_1520, %get3A_1521] {strides = array<i32>} : memref<16x128xf32, #tpu.memory_space<vmem>>, vector<1x16xf32>,
      %get3A_1523 = vector.shape_cast %get3A_1522 : vector<1x16xf32> to vector<16xf32>
      %lt3A_1524 = arith.cmpf olt, %get3A_1523, %select_n3A_1514 : vector<16xf32>
      %select_n3A_1525 = arith.select %lt3A_1524, %get3A_1523, %select_n3A_1514 : vector<16xi1>, vector<16xf32>
      %add3A_1526 = arith.constant 96 : i32
      %add3A_1527 = vector.broadcast %add3A_1526 : i32 to vector<16xi32>
      %add3A_1528 = arith.addi %iota3A, %add3A_1527 : vector<16xi32>
      %select_n3A_1529 = arith.select %lt3A_1524, %add3A_1528, %select_n3A_1518 : vector<16xi1>, vector<16xi32>
      %get3A_1530 = arith.constant 9 : i32
      %get3A_1531 = arith.index_cast %get3A_1530 : i32 to index
      %get3A_1532 = arith.constant 112 : index
      %get3A_1533 = tpu.vector_load %arg5[%get3A_1531, %get3A_1532] {strides = array<i32>} : memref<16x128xf32, #tpu.memory_space<vmem>>, vector<1x16xf32>,
      %get3A_1534 = vector.shape_cast %get3A_1533 : vector<1x16xf32> to vector<16xf32>
      %lt3A_1535 = arith.cmpf olt, %get3A_1534, %select_n3A_1525 : vector<16xf32>
      %select_n3A_1536 = arith.select %lt3A_1535, %get3A_1534, %select_n3A_1525 : vector<16xi1>, vector<16xf32>
      %add3A_1537 = arith.constant 112 : i32
      %add3A_1538 = vector.broadcast %add3A_1537 : i32 to vector<16xi32>
      %add3A_1539 = arith.addi %iota3A, %add3A_1538 : vector<16xi32>
      %select_n3A_1540 = arith.select %lt3A_1535, %add3A_1539, %select_n3A_1529 : vector<16xi1>, vector<16xi32>
      %xor3A_1541 = arith.constant 1 : i32
      %xor3A_1542 = vector.broadcast %xor3A_1541 : i32 to vector<16xi32>
      %xor3A_1543 = arith.xori %iota3A, %xor3A_1542 : vector<16xi32>
      %broadcast_in_dim3A_1544 = vector.shape_cast %xor3A_1543 : vector<16xi32> to vector<16x1xi32>
      %gather3A_1545 = vector.shape_cast %broadcast_in_dim3A_1544 : vector<16x1xi32> to vector<16xi32>
      %gather3A_1546 = tpu.dynamic_gather %select_n3A_1536[%gather3A_1545] in [0] : vector<16xf32>, vector<16xi32> -> vector<16xf32>
      %broadcast_in_dim3A_1547 = vector.shape_cast %xor3A_1543 : vector<16xi32> to vector<16x1xi32>
      %gather3A_1548 = vector.shape_cast %broadcast_in_dim3A_1547 : vector<16x1xi32> to vector<16xi32>
      %gather3A_1549 = tpu.dynamic_gather %select_n3A_1540[%gather3A_1548] in [0] : vector<16xi32>, vector<16xi32> -> vector<16xi32>
      %lt3A_1550 = arith.cmpf olt, %gather3A_1546, %select_n3A_1536 : vector<16xf32>
      %eq3A_1551 = arith.cmpf oeq, %gather3A_1546, %select_n3A_1536 : vector<16xf32>
      %lt3A_1552 = arith.cmpi slt, %gather3A_1549, %select_n3A_1540 : vector<16xi32>
      %and3A_1553 = arith.andi %eq3A_1551, %lt3A_1552 : vector<16xi1>
      %or3A_1554 = arith.ori %lt3A_1550, %and3A_1553 : vector<16xi1>
      %select_n3A_1555 = arith.select %or3A_1554, %gather3A_1546, %select_n3A_1536 : vector<16xi1>, vector<16xf32>
      %select_n3A_1556 = arith.select %or3A_1554, %gather3A_1549, %select_n3A_1540 : vector<16xi1>, vector<16xi32>
      %xor3A_1557 = arith.constant 2 : i32
      %xor3A_1558 = vector.broadcast %xor3A_1557 : i32 to vector<16xi32>
      %xor3A_1559 = arith.xori %iota3A, %xor3A_1558 : vector<16xi32>
      %broadcast_in_dim3A_1560 = vector.shape_cast %xor3A_1559 : vector<16xi32> to vector<16x1xi32>
      %gather3A_1561 = vector.shape_cast %broadcast_in_dim3A_1560 : vector<16x1xi32> to vector<16xi32>
      %gather3A_1562 = tpu.dynamic_gather %select_n3A_1555[%gather3A_1561] in [0] : vector<16xf32>, vector<16xi32> -> vector<16xf32>
      %broadcast_in_dim3A_1563 = vector.shape_cast %xor3A_1559 : vector<16xi32> to vector<16x1xi32>
      %gather3A_1564 = vector.shape_cast %broadcast_in_dim3A_1563 : vector<16x1xi32> to vector<16xi32>
      %gather3A_1565 = tpu.dynamic_gather %select_n3A_1556[%gather3A_1564] in [0] : vector<16xi32>, vector<16xi32> -> vector<16xi32>
      %lt3A_1566 = arith.cmpf olt, %gather3A_1562, %select_n3A_1555 : vector<16xf32>
      %eq3A_1567 = arith.cmpf oeq, %gather3A_1562, %select_n3A_1555 : vector<16xf32>
      %lt3A_1568 = arith.cmpi slt, %gather3A_1565, %select_n3A_1556 : vector<16xi32>
      %and3A_1569 = arith.andi %eq3A_1567, %lt3A_1568 : vector<16xi1>
      %or3A_1570 = arith.ori %lt3A_1566, %and3A_1569 : vector<16xi1>
      %select_n3A_1571 = arith.select %or3A_1570, %gather3A_1562, %select_n3A_1555 : vector<16xi1>, vector<16xf32>
      %select_n3A_1572 = arith.select %or3A_1570, %gather3A_1565, %select_n3A_1556 : vector<16xi1>, vector<16xi32>
      %xor3A_1573 = arith.constant 4 : i32
      %xor3A_1574 = vector.broadcast %xor3A_1573 : i32 to vector<16xi32>
      %xor3A_1575 = arith.xori %iota3A, %xor3A_1574 : vector<16xi32>
      %broadcast_in_dim3A_1576 = vector.shape_cast %xor3A_1575 : vector<16xi32> to vector<16x1xi32>
      %gather3A_1577 = vector.shape_cast %broadcast_in_dim3A_1576 : vector<16x1xi32> to vector<16xi32>
      %gather3A_1578 = tpu.dynamic_gather %select_n3A_1571[%gather3A_1577] in [0] : vector<16xf32>, vector<16xi32> -> vector<16xf32>
      %broadcast_in_dim3A_1579 = vector.shape_cast %xor3A_1575 : vector<16xi32> to vector<16x1xi32>
      %gather3A_1580 = vector.shape_cast %broadcast_in_dim3A_1579 : vector<16x1xi32> to vector<16xi32>
      %gather3A_1581 = tpu.dynamic_gather %select_n3A_1572[%gather3A_1580] in [0] : vector<16xi32>, vector<16xi32> -> vector<16xi32>
      %lt3A_1582 = arith.cmpf olt, %gather3A_1578, %select_n3A_1571 : vector<16xf32>
      %eq3A_1583 = arith.cmpf oeq, %gather3A_1578, %select_n3A_1571 : vector<16xf32>
      %lt3A_1584 = arith.cmpi slt, %gather3A_1581, %select_n3A_1572 : vector<16xi32>
      %and3A_1585 = arith.andi %eq3A_1583, %lt3A_1584 : vector<16xi1>
      %or3A_1586 = arith.ori %lt3A_1582, %and3A_1585 : vector<16xi1>
      %select_n3A_1587 = arith.select %or3A_1586, %gather3A_1578, %select_n3A_1571 : vector<16xi1>, vector<16xf32>
      %select_n3A_1588 = arith.select %or3A_1586, %gather3A_1581, %select_n3A_1572 : vector<16xi1>, vector<16xi32>
      %xor3A_1589 = arith.constant 8 : i32
      %xor3A_1590 = vector.broadcast %xor3A_1589 : i32 to vector<16xi32>
      %xor3A_1591 = arith.xori %iota3A, %xor3A_1590 : vector<16xi32>
      %broadcast_in_dim3A_1592 = vector.shape_cast %xor3A_1591 : vector<16xi32> to vector<16x1xi32>
      %gather3A_1593 = vector.shape_cast %broadcast_in_dim3A_1592 : vector<16x1xi32> to vector<16xi32>
      %gather3A_1594 = tpu.dynamic_gather %select_n3A_1587[%gather3A_1593] in [0] : vector<16xf32>, vector<16xi32> -> vector<16xf32>
      %broadcast_in_dim3A_1595 = vector.shape_cast %xor3A_1591 : vector<16xi32> to vector<16x1xi32>
      %gather3A_1596 = vector.shape_cast %broadcast_in_dim3A_1595 : vector<16x1xi32> to vector<16xi32>
      %gather3A_1597 = tpu.dynamic_gather %select_n3A_1588[%gather3A_1596] in [0] : vector<16xi32>, vector<16xi32> -> vector<16xi32>
      %lt3A_1598 = arith.cmpf olt, %gather3A_1594, %select_n3A_1587 : vector<16xf32>
      %eq3A_1599 = arith.cmpf oeq, %gather3A_1594, %select_n3A_1587 : vector<16xf32>
      %lt3A_1600 = arith.cmpi slt, %gather3A_1597, %select_n3A_1588 : vector<16xi32>
      %and3A_1601 = arith.andi %eq3A_1599, %lt3A_1600 : vector<16xi1>
      %or3A_1602 = arith.ori %lt3A_1598, %and3A_1601 : vector<16xi1>
      %select_n3A_1603 = arith.select %or3A_1602, %gather3A_1594, %select_n3A_1587 : vector<16xi1>, vector<16xf32>
      %select_n3A_1604 = arith.select %or3A_1602, %gather3A_1597, %select_n3A_1588 : vector<16xi1>, vector<16xi32>
      %eq3A_1605 = arith.constant 9 : i32
      %eq3A_1606 = vector.broadcast %eq3A_1605 : i32 to vector<16xi32>
      %eq3A_1607 = arith.cmpi eq, %iota3A, %eq3A_1606 : vector<16xi32>
      %select_n3A_1608 = arith.select %eq3A_1607, %select_n3A_1603, %select_n3A_1447 : vector<16xi1>, vector<16xf32>
      %select_n3A_1609 = arith.select %eq3A_1607, %select_n3A_1604, %select_n3A_1448 : vector<16xi1>, vector<16xi32>
      %broadcast_in_dim3A_1610 = arith.constant 3.400000e+38 : f32
      %broadcast_in_dim3A_1611 = vector.broadcast %broadcast_in_dim3A_1610 : f32 to vector<16xf32>
      %broadcast_in_dim3A_1612 = arith.constant 0 : i32
      %broadcast_in_dim3A_1613 = vector.broadcast %broadcast_in_dim3A_1612 : i32 to vector<16xi32>
      %get3A_1614 = arith.constant 10 : i32
      %get3A_1615 = arith.index_cast %get3A_1614 : i32 to index
      %get3A_1616 = arith.constant 0 : index
      %get3A_1617 = tpu.vector_load %arg5[%get3A_1615, %get3A_1616] {strides = array<i32>} : memref<16x128xf32, #tpu.memory_space<vmem>>, vector<1x16xf32>,
      %get3A_1618 = vector.shape_cast %get3A_1617 : vector<1x16xf32> to vector<16xf32>
      %lt3A_1619 = arith.cmpf olt, %get3A_1618, %broadcast_in_dim3A_1611 : vector<16xf32>
      %select_n3A_1620 = arith.select %lt3A_1619, %get3A_1618, %broadcast_in_dim3A_1611 : vector<16xi1>, vector<16xf32>
      %add3A_1621 = arith.constant 0 : i32
      %add3A_1622 = vector.broadcast %add3A_1621 : i32 to vector<16xi32>
      %add3A_1623 = arith.addi %iota3A, %add3A_1622 : vector<16xi32>
      %select_n3A_1624 = arith.select %lt3A_1619, %add3A_1623, %broadcast_in_dim3A_1613 : vector<16xi1>, vector<16xi32>
      %get3A_1625 = arith.constant 10 : i32
      %get3A_1626 = arith.index_cast %get3A_1625 : i32 to index
      %get3A_1627 = arith.constant 16 : index
      %get3A_1628 = tpu.vector_load %arg5[%get3A_1626, %get3A_1627] {strides = array<i32>} : memref<16x128xf32, #tpu.memory_space<vmem>>, vector<1x16xf32>,
      %get3A_1629 = vector.shape_cast %get3A_1628 : vector<1x16xf32> to vector<16xf32>
      %lt3A_1630 = arith.cmpf olt, %get3A_1629, %select_n3A_1620 : vector<16xf32>
      %select_n3A_1631 = arith.select %lt3A_1630, %get3A_1629, %select_n3A_1620 : vector<16xi1>, vector<16xf32>
      %add3A_1632 = arith.constant 16 : i32
      %add3A_1633 = vector.broadcast %add3A_1632 : i32 to vector<16xi32>
      %add3A_1634 = arith.addi %iota3A, %add3A_1633 : vector<16xi32>
      %select_n3A_1635 = arith.select %lt3A_1630, %add3A_1634, %select_n3A_1624 : vector<16xi1>, vector<16xi32>
      %get3A_1636 = arith.constant 10 : i32
      %get3A_1637 = arith.index_cast %get3A_1636 : i32 to index
      %get3A_1638 = arith.constant 32 : index
      %get3A_1639 = tpu.vector_load %arg5[%get3A_1637, %get3A_1638] {strides = array<i32>} : memref<16x128xf32, #tpu.memory_space<vmem>>, vector<1x16xf32>,
      %get3A_1640 = vector.shape_cast %get3A_1639 : vector<1x16xf32> to vector<16xf32>
      %lt3A_1641 = arith.cmpf olt, %get3A_1640, %select_n3A_1631 : vector<16xf32>
      %select_n3A_1642 = arith.select %lt3A_1641, %get3A_1640, %select_n3A_1631 : vector<16xi1>, vector<16xf32>
      %add3A_1643 = arith.constant 32 : i32
      %add3A_1644 = vector.broadcast %add3A_1643 : i32 to vector<16xi32>
      %add3A_1645 = arith.addi %iota3A, %add3A_1644 : vector<16xi32>
      %select_n3A_1646 = arith.select %lt3A_1641, %add3A_1645, %select_n3A_1635 : vector<16xi1>, vector<16xi32>
      %get3A_1647 = arith.constant 10 : i32
      %get3A_1648 = arith.index_cast %get3A_1647 : i32 to index
      %get3A_1649 = arith.constant 48 : index
      %get3A_1650 = tpu.vector_load %arg5[%get3A_1648, %get3A_1649] {strides = array<i32>} : memref<16x128xf32, #tpu.memory_space<vmem>>, vector<1x16xf32>,
      %get3A_1651 = vector.shape_cast %get3A_1650 : vector<1x16xf32> to vector<16xf32>
      %lt3A_1652 = arith.cmpf olt, %get3A_1651, %select_n3A_1642 : vector<16xf32>
      %select_n3A_1653 = arith.select %lt3A_1652, %get3A_1651, %select_n3A_1642 : vector<16xi1>, vector<16xf32>
      %add3A_1654 = arith.constant 48 : i32
      %add3A_1655 = vector.broadcast %add3A_1654 : i32 to vector<16xi32>
      %add3A_1656 = arith.addi %iota3A, %add3A_1655 : vector<16xi32>
      %select_n3A_1657 = arith.select %lt3A_1652, %add3A_1656, %select_n3A_1646 : vector<16xi1>, vector<16xi32>
      %get3A_1658 = arith.constant 10 : i32
      %get3A_1659 = arith.index_cast %get3A_1658 : i32 to index
      %get3A_1660 = arith.constant 64 : index
      %get3A_1661 = tpu.vector_load %arg5[%get3A_1659, %get3A_1660] {strides = array<i32>} : memref<16x128xf32, #tpu.memory_space<vmem>>, vector<1x16xf32>,
      %get3A_1662 = vector.shape_cast %get3A_1661 : vector<1x16xf32> to vector<16xf32>
      %lt3A_1663 = arith.cmpf olt, %get3A_1662, %select_n3A_1653 : vector<16xf32>
      %select_n3A_1664 = arith.select %lt3A_1663, %get3A_1662, %select_n3A_1653 : vector<16xi1>, vector<16xf32>
      %add3A_1665 = arith.constant 64 : i32
      %add3A_1666 = vector.broadcast %add3A_1665 : i32 to vector<16xi32>
      %add3A_1667 = arith.addi %iota3A, %add3A_1666 : vector<16xi32>
      %select_n3A_1668 = arith.select %lt3A_1663, %add3A_1667, %select_n3A_1657 : vector<16xi1>, vector<16xi32>
      %get3A_1669 = arith.constant 10 : i32
      %get3A_1670 = arith.index_cast %get3A_1669 : i32 to index
      %get3A_1671 = arith.constant 80 : index
      %get3A_1672 = tpu.vector_load %arg5[%get3A_1670, %get3A_1671] {strides = array<i32>} : memref<16x128xf32, #tpu.memory_space<vmem>>, vector<1x16xf32>,
      %get3A_1673 = vector.shape_cast %get3A_1672 : vector<1x16xf32> to vector<16xf32>
      %lt3A_1674 = arith.cmpf olt, %get3A_1673, %select_n3A_1664 : vector<16xf32>
      %select_n3A_1675 = arith.select %lt3A_1674, %get3A_1673, %select_n3A_1664 : vector<16xi1>, vector<16xf32>
      %add3A_1676 = arith.constant 80 : i32
      %add3A_1677 = vector.broadcast %add3A_1676 : i32 to vector<16xi32>
      %add3A_1678 = arith.addi %iota3A, %add3A_1677 : vector<16xi32>
      %select_n3A_1679 = arith.select %lt3A_1674, %add3A_1678, %select_n3A_1668 : vector<16xi1>, vector<16xi32>
      %get3A_1680 = arith.constant 10 : i32
      %get3A_1681 = arith.index_cast %get3A_1680 : i32 to index
      %get3A_1682 = arith.constant 96 : index
      %get3A_1683 = tpu.vector_load %arg5[%get3A_1681, %get3A_1682] {strides = array<i32>} : memref<16x128xf32, #tpu.memory_space<vmem>>, vector<1x16xf32>,
      %get3A_1684 = vector.shape_cast %get3A_1683 : vector<1x16xf32> to vector<16xf32>
      %lt3A_1685 = arith.cmpf olt, %get3A_1684, %select_n3A_1675 : vector<16xf32>
      %select_n3A_1686 = arith.select %lt3A_1685, %get3A_1684, %select_n3A_1675 : vector<16xi1>, vector<16xf32>
      %add3A_1687 = arith.constant 96 : i32
      %add3A_1688 = vector.broadcast %add3A_1687 : i32 to vector<16xi32>
      %add3A_1689 = arith.addi %iota3A, %add3A_1688 : vector<16xi32>
      %select_n3A_1690 = arith.select %lt3A_1685, %add3A_1689, %select_n3A_1679 : vector<16xi1>, vector<16xi32>
      %get3A_1691 = arith.constant 10 : i32
      %get3A_1692 = arith.index_cast %get3A_1691 : i32 to index
      %get3A_1693 = arith.constant 112 : index
      %get3A_1694 = tpu.vector_load %arg5[%get3A_1692, %get3A_1693] {strides = array<i32>} : memref<16x128xf32, #tpu.memory_space<vmem>>, vector<1x16xf32>,
      %get3A_1695 = vector.shape_cast %get3A_1694 : vector<1x16xf32> to vector<16xf32>
      %lt3A_1696 = arith.cmpf olt, %get3A_1695, %select_n3A_1686 : vector<16xf32>
      %select_n3A_1697 = arith.select %lt3A_1696, %get3A_1695, %select_n3A_1686 : vector<16xi1>, vector<16xf32>
      %add3A_1698 = arith.constant 112 : i32
      %add3A_1699 = vector.broadcast %add3A_1698 : i32 to vector<16xi32>
      %add3A_1700 = arith.addi %iota3A, %add3A_1699 : vector<16xi32>
      %select_n3A_1701 = arith.select %lt3A_1696, %add3A_1700, %select_n3A_1690 : vector<16xi1>, vector<16xi32>
      %xor3A_1702 = arith.constant 1 : i32
      %xor3A_1703 = vector.broadcast %xor3A_1702 : i32 to vector<16xi32>
      %xor3A_1704 = arith.xori %iota3A, %xor3A_1703 : vector<16xi32>
      %broadcast_in_dim3A_1705 = vector.shape_cast %xor3A_1704 : vector<16xi32> to vector<16x1xi32>
      %gather3A_1706 = vector.shape_cast %broadcast_in_dim3A_1705 : vector<16x1xi32> to vector<16xi32>
      %gather3A_1707 = tpu.dynamic_gather %select_n3A_1697[%gather3A_1706] in [0] : vector<16xf32>, vector<16xi32> -> vector<16xf32>
      %broadcast_in_dim3A_1708 = vector.shape_cast %xor3A_1704 : vector<16xi32> to vector<16x1xi32>
      %gather3A_1709 = vector.shape_cast %broadcast_in_dim3A_1708 : vector<16x1xi32> to vector<16xi32>
      %gather3A_1710 = tpu.dynamic_gather %select_n3A_1701[%gather3A_1709] in [0] : vector<16xi32>, vector<16xi32> -> vector<16xi32>
      %lt3A_1711 = arith.cmpf olt, %gather3A_1707, %select_n3A_1697 : vector<16xf32>
      %eq3A_1712 = arith.cmpf oeq, %gather3A_1707, %select_n3A_1697 : vector<16xf32>
      %lt3A_1713 = arith.cmpi slt, %gather3A_1710, %select_n3A_1701 : vector<16xi32>
      %and3A_1714 = arith.andi %eq3A_1712, %lt3A_1713 : vector<16xi1>
      %or3A_1715 = arith.ori %lt3A_1711, %and3A_1714 : vector<16xi1>
      %select_n3A_1716 = arith.select %or3A_1715, %gather3A_1707, %select_n3A_1697 : vector<16xi1>, vector<16xf32>
      %select_n3A_1717 = arith.select %or3A_1715, %gather3A_1710, %select_n3A_1701 : vector<16xi1>, vector<16xi32>
      %xor3A_1718 = arith.constant 2 : i32
      %xor3A_1719 = vector.broadcast %xor3A_1718 : i32 to vector<16xi32>
      %xor3A_1720 = arith.xori %iota3A, %xor3A_1719 : vector<16xi32>
      %broadcast_in_dim3A_1721 = vector.shape_cast %xor3A_1720 : vector<16xi32> to vector<16x1xi32>
      %gather3A_1722 = vector.shape_cast %broadcast_in_dim3A_1721 : vector<16x1xi32> to vector<16xi32>
      %gather3A_1723 = tpu.dynamic_gather %select_n3A_1716[%gather3A_1722] in [0] : vector<16xf32>, vector<16xi32> -> vector<16xf32>
      %broadcast_in_dim3A_1724 = vector.shape_cast %xor3A_1720 : vector<16xi32> to vector<16x1xi32>
      %gather3A_1725 = vector.shape_cast %broadcast_in_dim3A_1724 : vector<16x1xi32> to vector<16xi32>
      %gather3A_1726 = tpu.dynamic_gather %select_n3A_1717[%gather3A_1725] in [0] : vector<16xi32>, vector<16xi32> -> vector<16xi32>
      %lt3A_1727 = arith.cmpf olt, %gather3A_1723, %select_n3A_1716 : vector<16xf32>
      %eq3A_1728 = arith.cmpf oeq, %gather3A_1723, %select_n3A_1716 : vector<16xf32>
      %lt3A_1729 = arith.cmpi slt, %gather3A_1726, %select_n3A_1717 : vector<16xi32>
      %and3A_1730 = arith.andi %eq3A_1728, %lt3A_1729 : vector<16xi1>
      %or3A_1731 = arith.ori %lt3A_1727, %and3A_1730 : vector<16xi1>
      %select_n3A_1732 = arith.select %or3A_1731, %gather3A_1723, %select_n3A_1716 : vector<16xi1>, vector<16xf32>
      %select_n3A_1733 = arith.select %or3A_1731, %gather3A_1726, %select_n3A_1717 : vector<16xi1>, vector<16xi32>
      %xor3A_1734 = arith.constant 4 : i32
      %xor3A_1735 = vector.broadcast %xor3A_1734 : i32 to vector<16xi32>
      %xor3A_1736 = arith.xori %iota3A, %xor3A_1735 : vector<16xi32>
      %broadcast_in_dim3A_1737 = vector.shape_cast %xor3A_1736 : vector<16xi32> to vector<16x1xi32>
      %gather3A_1738 = vector.shape_cast %broadcast_in_dim3A_1737 : vector<16x1xi32> to vector<16xi32>
      %gather3A_1739 = tpu.dynamic_gather %select_n3A_1732[%gather3A_1738] in [0] : vector<16xf32>, vector<16xi32> -> vector<16xf32>
      %broadcast_in_dim3A_1740 = vector.shape_cast %xor3A_1736 : vector<16xi32> to vector<16x1xi32>
      %gather3A_1741 = vector.shape_cast %broadcast_in_dim3A_1740 : vector<16x1xi32> to vector<16xi32>
      %gather3A_1742 = tpu.dynamic_gather %select_n3A_1733[%gather3A_1741] in [0] : vector<16xi32>, vector<16xi32> -> vector<16xi32>
      %lt3A_1743 = arith.cmpf olt, %gather3A_1739, %select_n3A_1732 : vector<16xf32>
      %eq3A_1744 = arith.cmpf oeq, %gather3A_1739, %select_n3A_1732 : vector<16xf32>
      %lt3A_1745 = arith.cmpi slt, %gather3A_1742, %select_n3A_1733 : vector<16xi32>
      %and3A_1746 = arith.andi %eq3A_1744, %lt3A_1745 : vector<16xi1>
      %or3A_1747 = arith.ori %lt3A_1743, %and3A_1746 : vector<16xi1>
      %select_n3A_1748 = arith.select %or3A_1747, %gather3A_1739, %select_n3A_1732 : vector<16xi1>, vector<16xf32>
      %select_n3A_1749 = arith.select %or3A_1747, %gather3A_1742, %select_n3A_1733 : vector<16xi1>, vector<16xi32>
      %xor3A_1750 = arith.constant 8 : i32
      %xor3A_1751 = vector.broadcast %xor3A_1750 : i32 to vector<16xi32>
      %xor3A_1752 = arith.xori %iota3A, %xor3A_1751 : vector<16xi32>
      %broadcast_in_dim3A_1753 = vector.shape_cast %xor3A_1752 : vector<16xi32> to vector<16x1xi32>
      %gather3A_1754 = vector.shape_cast %broadcast_in_dim3A_1753 : vector<16x1xi32> to vector<16xi32>
      %gather3A_1755 = tpu.dynamic_gather %select_n3A_1748[%gather3A_1754] in [0] : vector<16xf32>, vector<16xi32> -> vector<16xf32>
      %broadcast_in_dim3A_1756 = vector.shape_cast %xor3A_1752 : vector<16xi32> to vector<16x1xi32>
      %gather3A_1757 = vector.shape_cast %broadcast_in_dim3A_1756 : vector<16x1xi32> to vector<16xi32>
      %gather3A_1758 = tpu.dynamic_gather %select_n3A_1749[%gather3A_1757] in [0] : vector<16xi32>, vector<16xi32> -> vector<16xi32>
      %lt3A_1759 = arith.cmpf olt, %gather3A_1755, %select_n3A_1748 : vector<16xf32>
      %eq3A_1760 = arith.cmpf oeq, %gather3A_1755, %select_n3A_1748 : vector<16xf32>
      %lt3A_1761 = arith.cmpi slt, %gather3A_1758, %select_n3A_1749 : vector<16xi32>
      %and3A_1762 = arith.andi %eq3A_1760, %lt3A_1761 : vector<16xi1>
      %or3A_1763 = arith.ori %lt3A_1759, %and3A_1762 : vector<16xi1>
      %select_n3A_1764 = arith.select %or3A_1763, %gather3A_1755, %select_n3A_1748 : vector<16xi1>, vector<16xf32>
      %select_n3A_1765 = arith.select %or3A_1763, %gather3A_1758, %select_n3A_1749 : vector<16xi1>, vector<16xi32>
      %eq3A_1766 = arith.constant 10 : i32
      %eq3A_1767 = vector.broadcast %eq3A_1766 : i32 to vector<16xi32>
      %eq3A_1768 = arith.cmpi eq, %iota3A, %eq3A_1767 : vector<16xi32>
      %select_n3A_1769 = arith.select %eq3A_1768, %select_n3A_1764, %select_n3A_1608 : vector<16xi1>, vector<16xf32>
      %select_n3A_1770 = arith.select %eq3A_1768, %select_n3A_1765, %select_n3A_1609 : vector<16xi1>, vector<16xi32>
      %broadcast_in_dim3A_1771 = arith.constant 3.400000e+38 : f32
      %broadcast_in_dim3A_1772 = vector.broadcast %broadcast_in_dim3A_1771 : f32 to vector<16xf32>
      %broadcast_in_dim3A_1773 = arith.constant 0 : i32
      %broadcast_in_dim3A_1774 = vector.broadcast %broadcast_in_dim3A_1773 : i32 to vector<16xi32>
      %get3A_1775 = arith.constant 11 : i32
      %get3A_1776 = arith.index_cast %get3A_1775 : i32 to index
      %get3A_1777 = arith.constant 0 : index
      %get3A_1778 = tpu.vector_load %arg5[%get3A_1776, %get3A_1777] {strides = array<i32>} : memref<16x128xf32, #tpu.memory_space<vmem>>, vector<1x16xf32>,
      %get3A_1779 = vector.shape_cast %get3A_1778 : vector<1x16xf32> to vector<16xf32>
      %lt3A_1780 = arith.cmpf olt, %get3A_1779, %broadcast_in_dim3A_1772 : vector<16xf32>
      %select_n3A_1781 = arith.select %lt3A_1780, %get3A_1779, %broadcast_in_dim3A_1772 : vector<16xi1>, vector<16xf32>
      %add3A_1782 = arith.constant 0 : i32
      %add3A_1783 = vector.broadcast %add3A_1782 : i32 to vector<16xi32>
      %add3A_1784 = arith.addi %iota3A, %add3A_1783 : vector<16xi32>
      %select_n3A_1785 = arith.select %lt3A_1780, %add3A_1784, %broadcast_in_dim3A_1774 : vector<16xi1>, vector<16xi32>
      %get3A_1786 = arith.constant 11 : i32
      %get3A_1787 = arith.index_cast %get3A_1786 : i32 to index
      %get3A_1788 = arith.constant 16 : index
      %get3A_1789 = tpu.vector_load %arg5[%get3A_1787, %get3A_1788] {strides = array<i32>} : memref<16x128xf32, #tpu.memory_space<vmem>>, vector<1x16xf32>,
      %get3A_1790 = vector.shape_cast %get3A_1789 : vector<1x16xf32> to vector<16xf32>
      %lt3A_1791 = arith.cmpf olt, %get3A_1790, %select_n3A_1781 : vector<16xf32>
      %select_n3A_1792 = arith.select %lt3A_1791, %get3A_1790, %select_n3A_1781 : vector<16xi1>, vector<16xf32>
      %add3A_1793 = arith.constant 16 : i32
      %add3A_1794 = vector.broadcast %add3A_1793 : i32 to vector<16xi32>
      %add3A_1795 = arith.addi %iota3A, %add3A_1794 : vector<16xi32>
      %select_n3A_1796 = arith.select %lt3A_1791, %add3A_1795, %select_n3A_1785 : vector<16xi1>, vector<16xi32>
      %get3A_1797 = arith.constant 11 : i32
      %get3A_1798 = arith.index_cast %get3A_1797 : i32 to index
      %get3A_1799 = arith.constant 32 : index
      %get3A_1800 = tpu.vector_load %arg5[%get3A_1798, %get3A_1799] {strides = array<i32>} : memref<16x128xf32, #tpu.memory_space<vmem>>, vector<1x16xf32>,
      %get3A_1801 = vector.shape_cast %get3A_1800 : vector<1x16xf32> to vector<16xf32>
      %lt3A_1802 = arith.cmpf olt, %get3A_1801, %select_n3A_1792 : vector<16xf32>
      %select_n3A_1803 = arith.select %lt3A_1802, %get3A_1801, %select_n3A_1792 : vector<16xi1>, vector<16xf32>
      %add3A_1804 = arith.constant 32 : i32
      %add3A_1805 = vector.broadcast %add3A_1804 : i32 to vector<16xi32>
      %add3A_1806 = arith.addi %iota3A, %add3A_1805 : vector<16xi32>
      %select_n3A_1807 = arith.select %lt3A_1802, %add3A_1806, %select_n3A_1796 : vector<16xi1>, vector<16xi32>
      %get3A_1808 = arith.constant 11 : i32
      %get3A_1809 = arith.index_cast %get3A_1808 : i32 to index
      %get3A_1810 = arith.constant 48 : index
      %get3A_1811 = tpu.vector_load %arg5[%get3A_1809, %get3A_1810] {strides = array<i32>} : memref<16x128xf32, #tpu.memory_space<vmem>>, vector<1x16xf32>,
      %get3A_1812 = vector.shape_cast %get3A_1811 : vector<1x16xf32> to vector<16xf32>
      %lt3A_1813 = arith.cmpf olt, %get3A_1812, %select_n3A_1803 : vector<16xf32>
      %select_n3A_1814 = arith.select %lt3A_1813, %get3A_1812, %select_n3A_1803 : vector<16xi1>, vector<16xf32>
      %add3A_1815 = arith.constant 48 : i32
      %add3A_1816 = vector.broadcast %add3A_1815 : i32 to vector<16xi32>
      %add3A_1817 = arith.addi %iota3A, %add3A_1816 : vector<16xi32>
      %select_n3A_1818 = arith.select %lt3A_1813, %add3A_1817, %select_n3A_1807 : vector<16xi1>, vector<16xi32>
      %get3A_1819 = arith.constant 11 : i32
      %get3A_1820 = arith.index_cast %get3A_1819 : i32 to index
      %get3A_1821 = arith.constant 64 : index
      %get3A_1822 = tpu.vector_load %arg5[%get3A_1820, %get3A_1821] {strides = array<i32>} : memref<16x128xf32, #tpu.memory_space<vmem>>, vector<1x16xf32>,
      %get3A_1823 = vector.shape_cast %get3A_1822 : vector<1x16xf32> to vector<16xf32>
      %lt3A_1824 = arith.cmpf olt, %get3A_1823, %select_n3A_1814 : vector<16xf32>
      %select_n3A_1825 = arith.select %lt3A_1824, %get3A_1823, %select_n3A_1814 : vector<16xi1>, vector<16xf32>
      %add3A_1826 = arith.constant 64 : i32
      %add3A_1827 = vector.broadcast %add3A_1826 : i32 to vector<16xi32>
      %add3A_1828 = arith.addi %iota3A, %add3A_1827 : vector<16xi32>
      %select_n3A_1829 = arith.select %lt3A_1824, %add3A_1828, %select_n3A_1818 : vector<16xi1>, vector<16xi32>
      %get3A_1830 = arith.constant 11 : i32
      %get3A_1831 = arith.index_cast %get3A_1830 : i32 to index
      %get3A_1832 = arith.constant 80 : index
      %get3A_1833 = tpu.vector_load %arg5[%get3A_1831, %get3A_1832] {strides = array<i32>} : memref<16x128xf32, #tpu.memory_space<vmem>>, vector<1x16xf32>,
      %get3A_1834 = vector.shape_cast %get3A_1833 : vector<1x16xf32> to vector<16xf32>
      %lt3A_1835 = arith.cmpf olt, %get3A_1834, %select_n3A_1825 : vector<16xf32>
      %select_n3A_1836 = arith.select %lt3A_1835, %get3A_1834, %select_n3A_1825 : vector<16xi1>, vector<16xf32>
      %add3A_1837 = arith.constant 80 : i32
      %add3A_1838 = vector.broadcast %add3A_1837 : i32 to vector<16xi32>
      %add3A_1839 = arith.addi %iota3A, %add3A_1838 : vector<16xi32>
      %select_n3A_1840 = arith.select %lt3A_1835, %add3A_1839, %select_n3A_1829 : vector<16xi1>, vector<16xi32>
      %get3A_1841 = arith.constant 11 : i32
      %get3A_1842 = arith.index_cast %get3A_1841 : i32 to index
      %get3A_1843 = arith.constant 96 : index
      %get3A_1844 = tpu.vector_load %arg5[%get3A_1842, %get3A_1843] {strides = array<i32>} : memref<16x128xf32, #tpu.memory_space<vmem>>, vector<1x16xf32>,
      %get3A_1845 = vector.shape_cast %get3A_1844 : vector<1x16xf32> to vector<16xf32>
      %lt3A_1846 = arith.cmpf olt, %get3A_1845, %select_n3A_1836 : vector<16xf32>
      %select_n3A_1847 = arith.select %lt3A_1846, %get3A_1845, %select_n3A_1836 : vector<16xi1>, vector<16xf32>
      %add3A_1848 = arith.constant 96 : i32
      %add3A_1849 = vector.broadcast %add3A_1848 : i32 to vector<16xi32>
      %add3A_1850 = arith.addi %iota3A, %add3A_1849 : vector<16xi32>
      %select_n3A_1851 = arith.select %lt3A_1846, %add3A_1850, %select_n3A_1840 : vector<16xi1>, vector<16xi32>
      %get3A_1852 = arith.constant 11 : i32
      %get3A_1853 = arith.index_cast %get3A_1852 : i32 to index
      %get3A_1854 = arith.constant 112 : index
      %get3A_1855 = tpu.vector_load %arg5[%get3A_1853, %get3A_1854] {strides = array<i32>} : memref<16x128xf32, #tpu.memory_space<vmem>>, vector<1x16xf32>,
      %get3A_1856 = vector.shape_cast %get3A_1855 : vector<1x16xf32> to vector<16xf32>
      %lt3A_1857 = arith.cmpf olt, %get3A_1856, %select_n3A_1847 : vector<16xf32>
      %select_n3A_1858 = arith.select %lt3A_1857, %get3A_1856, %select_n3A_1847 : vector<16xi1>, vector<16xf32>
      %add3A_1859 = arith.constant 112 : i32
      %add3A_1860 = vector.broadcast %add3A_1859 : i32 to vector<16xi32>
      %add3A_1861 = arith.addi %iota3A, %add3A_1860 : vector<16xi32>
      %select_n3A_1862 = arith.select %lt3A_1857, %add3A_1861, %select_n3A_1851 : vector<16xi1>, vector<16xi32>
      %xor3A_1863 = arith.constant 1 : i32
      %xor3A_1864 = vector.broadcast %xor3A_1863 : i32 to vector<16xi32>
      %xor3A_1865 = arith.xori %iota3A, %xor3A_1864 : vector<16xi32>
      %broadcast_in_dim3A_1866 = vector.shape_cast %xor3A_1865 : vector<16xi32> to vector<16x1xi32>
      %gather3A_1867 = vector.shape_cast %broadcast_in_dim3A_1866 : vector<16x1xi32> to vector<16xi32>
      %gather3A_1868 = tpu.dynamic_gather %select_n3A_1858[%gather3A_1867] in [0] : vector<16xf32>, vector<16xi32> -> vector<16xf32>
      %broadcast_in_dim3A_1869 = vector.shape_cast %xor3A_1865 : vector<16xi32> to vector<16x1xi32>
      %gather3A_1870 = vector.shape_cast %broadcast_in_dim3A_1869 : vector<16x1xi32> to vector<16xi32>
      %gather3A_1871 = tpu.dynamic_gather %select_n3A_1862[%gather3A_1870] in [0] : vector<16xi32>, vector<16xi32> -> vector<16xi32>
      %lt3A_1872 = arith.cmpf olt, %gather3A_1868, %select_n3A_1858 : vector<16xf32>
      %eq3A_1873 = arith.cmpf oeq, %gather3A_1868, %select_n3A_1858 : vector<16xf32>
      %lt3A_1874 = arith.cmpi slt, %gather3A_1871, %select_n3A_1862 : vector<16xi32>
      %and3A_1875 = arith.andi %eq3A_1873, %lt3A_1874 : vector<16xi1>
      %or3A_1876 = arith.ori %lt3A_1872, %and3A_1875 : vector<16xi1>
      %select_n3A_1877 = arith.select %or3A_1876, %gather3A_1868, %select_n3A_1858 : vector<16xi1>, vector<16xf32>
      %select_n3A_1878 = arith.select %or3A_1876, %gather3A_1871, %select_n3A_1862 : vector<16xi1>, vector<16xi32>
      %xor3A_1879 = arith.constant 2 : i32
      %xor3A_1880 = vector.broadcast %xor3A_1879 : i32 to vector<16xi32>
      %xor3A_1881 = arith.xori %iota3A, %xor3A_1880 : vector<16xi32>
      %broadcast_in_dim3A_1882 = vector.shape_cast %xor3A_1881 : vector<16xi32> to vector<16x1xi32>
      %gather3A_1883 = vector.shape_cast %broadcast_in_dim3A_1882 : vector<16x1xi32> to vector<16xi32>
      %gather3A_1884 = tpu.dynamic_gather %select_n3A_1877[%gather3A_1883] in [0] : vector<16xf32>, vector<16xi32> -> vector<16xf32>
      %broadcast_in_dim3A_1885 = vector.shape_cast %xor3A_1881 : vector<16xi32> to vector<16x1xi32>
      %gather3A_1886 = vector.shape_cast %broadcast_in_dim3A_1885 : vector<16x1xi32> to vector<16xi32>
      %gather3A_1887 = tpu.dynamic_gather %select_n3A_1878[%gather3A_1886] in [0] : vector<16xi32>, vector<16xi32> -> vector<16xi32>
      %lt3A_1888 = arith.cmpf olt, %gather3A_1884, %select_n3A_1877 : vector<16xf32>
      %eq3A_1889 = arith.cmpf oeq, %gather3A_1884, %select_n3A_1877 : vector<16xf32>
      %lt3A_1890 = arith.cmpi slt, %gather3A_1887, %select_n3A_1878 : vector<16xi32>
      %and3A_1891 = arith.andi %eq3A_1889, %lt3A_1890 : vector<16xi1>
      %or3A_1892 = arith.ori %lt3A_1888, %and3A_1891 : vector<16xi1>
      %select_n3A_1893 = arith.select %or3A_1892, %gather3A_1884, %select_n3A_1877 : vector<16xi1>, vector<16xf32>
      %select_n3A_1894 = arith.select %or3A_1892, %gather3A_1887, %select_n3A_1878 : vector<16xi1>, vector<16xi32>
      %xor3A_1895 = arith.constant 4 : i32
      %xor3A_1896 = vector.broadcast %xor3A_1895 : i32 to vector<16xi32>
      %xor3A_1897 = arith.xori %iota3A, %xor3A_1896 : vector<16xi32>
      %broadcast_in_dim3A_1898 = vector.shape_cast %xor3A_1897 : vector<16xi32> to vector<16x1xi32>
      %gather3A_1899 = vector.shape_cast %broadcast_in_dim3A_1898 : vector<16x1xi32> to vector<16xi32>
      %gather3A_1900 = tpu.dynamic_gather %select_n3A_1893[%gather3A_1899] in [0] : vector<16xf32>, vector<16xi32> -> vector<16xf32>
      %broadcast_in_dim3A_1901 = vector.shape_cast %xor3A_1897 : vector<16xi32> to vector<16x1xi32>
      %gather3A_1902 = vector.shape_cast %broadcast_in_dim3A_1901 : vector<16x1xi32> to vector<16xi32>
      %gather3A_1903 = tpu.dynamic_gather %select_n3A_1894[%gather3A_1902] in [0] : vector<16xi32>, vector<16xi32> -> vector<16xi32>
      %lt3A_1904 = arith.cmpf olt, %gather3A_1900, %select_n3A_1893 : vector<16xf32>
      %eq3A_1905 = arith.cmpf oeq, %gather3A_1900, %select_n3A_1893 : vector<16xf32>
      %lt3A_1906 = arith.cmpi slt, %gather3A_1903, %select_n3A_1894 : vector<16xi32>
      %and3A_1907 = arith.andi %eq3A_1905, %lt3A_1906 : vector<16xi1>
      %or3A_1908 = arith.ori %lt3A_1904, %and3A_1907 : vector<16xi1>
      %select_n3A_1909 = arith.select %or3A_1908, %gather3A_1900, %select_n3A_1893 : vector<16xi1>, vector<16xf32>
      %select_n3A_1910 = arith.select %or3A_1908, %gather3A_1903, %select_n3A_1894 : vector<16xi1>, vector<16xi32>
      %xor3A_1911 = arith.constant 8 : i32
      %xor3A_1912 = vector.broadcast %xor3A_1911 : i32 to vector<16xi32>
      %xor3A_1913 = arith.xori %iota3A, %xor3A_1912 : vector<16xi32>
      %broadcast_in_dim3A_1914 = vector.shape_cast %xor3A_1913 : vector<16xi32> to vector<16x1xi32>
      %gather3A_1915 = vector.shape_cast %broadcast_in_dim3A_1914 : vector<16x1xi32> to vector<16xi32>
      %gather3A_1916 = tpu.dynamic_gather %select_n3A_1909[%gather3A_1915] in [0] : vector<16xf32>, vector<16xi32> -> vector<16xf32>
      %broadcast_in_dim3A_1917 = vector.shape_cast %xor3A_1913 : vector<16xi32> to vector<16x1xi32>
      %gather3A_1918 = vector.shape_cast %broadcast_in_dim3A_1917 : vector<16x1xi32> to vector<16xi32>
      %gather3A_1919 = tpu.dynamic_gather %select_n3A_1910[%gather3A_1918] in [0] : vector<16xi32>, vector<16xi32> -> vector<16xi32>
      %lt3A_1920 = arith.cmpf olt, %gather3A_1916, %select_n3A_1909 : vector<16xf32>
      %eq3A_1921 = arith.cmpf oeq, %gather3A_1916, %select_n3A_1909 : vector<16xf32>
      %lt3A_1922 = arith.cmpi slt, %gather3A_1919, %select_n3A_1910 : vector<16xi32>
      %and3A_1923 = arith.andi %eq3A_1921, %lt3A_1922 : vector<16xi1>
      %or3A_1924 = arith.ori %lt3A_1920, %and3A_1923 : vector<16xi1>
      %select_n3A_1925 = arith.select %or3A_1924, %gather3A_1916, %select_n3A_1909 : vector<16xi1>, vector<16xf32>
      %select_n3A_1926 = arith.select %or3A_1924, %gather3A_1919, %select_n3A_1910 : vector<16xi1>, vector<16xi32>
      %eq3A_1927 = arith.constant 11 : i32
      %eq3A_1928 = vector.broadcast %eq3A_1927 : i32 to vector<16xi32>
      %eq3A_1929 = arith.cmpi eq, %iota3A, %eq3A_1928 : vector<16xi32>
      %select_n3A_1930 = arith.select %eq3A_1929, %select_n3A_1925, %select_n3A_1769 : vector<16xi1>, vector<16xf32>
      %select_n3A_1931 = arith.select %eq3A_1929, %select_n3A_1926, %select_n3A_1770 : vector<16xi1>, vector<16xi32>
      %broadcast_in_dim3A_1932 = arith.constant 3.400000e+38 : f32
      %broadcast_in_dim3A_1933 = vector.broadcast %broadcast_in_dim3A_1932 : f32 to vector<16xf32>
      %broadcast_in_dim3A_1934 = arith.constant 0 : i32
      %broadcast_in_dim3A_1935 = vector.broadcast %broadcast_in_dim3A_1934 : i32 to vector<16xi32>
      %get3A_1936 = arith.constant 12 : i32
      %get3A_1937 = arith.index_cast %get3A_1936 : i32 to index
      %get3A_1938 = arith.constant 0 : index
      %get3A_1939 = tpu.vector_load %arg5[%get3A_1937, %get3A_1938] {strides = array<i32>} : memref<16x128xf32, #tpu.memory_space<vmem>>, vector<1x16xf32>,
      %get3A_1940 = vector.shape_cast %get3A_1939 : vector<1x16xf32> to vector<16xf32>
      %lt3A_1941 = arith.cmpf olt, %get3A_1940, %broadcast_in_dim3A_1933 : vector<16xf32>
      %select_n3A_1942 = arith.select %lt3A_1941, %get3A_1940, %broadcast_in_dim3A_1933 : vector<16xi1>, vector<16xf32>
      %add3A_1943 = arith.constant 0 : i32
      %add3A_1944 = vector.broadcast %add3A_1943 : i32 to vector<16xi32>
      %add3A_1945 = arith.addi %iota3A, %add3A_1944 : vector<16xi32>
      %select_n3A_1946 = arith.select %lt3A_1941, %add3A_1945, %broadcast_in_dim3A_1935 : vector<16xi1>, vector<16xi32>
      %get3A_1947 = arith.constant 12 : i32
      %get3A_1948 = arith.index_cast %get3A_1947 : i32 to index
      %get3A_1949 = arith.constant 16 : index
      %get3A_1950 = tpu.vector_load %arg5[%get3A_1948, %get3A_1949] {strides = array<i32>} : memref<16x128xf32, #tpu.memory_space<vmem>>, vector<1x16xf32>,
      %get3A_1951 = vector.shape_cast %get3A_1950 : vector<1x16xf32> to vector<16xf32>
      %lt3A_1952 = arith.cmpf olt, %get3A_1951, %select_n3A_1942 : vector<16xf32>
      %select_n3A_1953 = arith.select %lt3A_1952, %get3A_1951, %select_n3A_1942 : vector<16xi1>, vector<16xf32>
      %add3A_1954 = arith.constant 16 : i32
      %add3A_1955 = vector.broadcast %add3A_1954 : i32 to vector<16xi32>
      %add3A_1956 = arith.addi %iota3A, %add3A_1955 : vector<16xi32>
      %select_n3A_1957 = arith.select %lt3A_1952, %add3A_1956, %select_n3A_1946 : vector<16xi1>, vector<16xi32>
      %get3A_1958 = arith.constant 12 : i32
      %get3A_1959 = arith.index_cast %get3A_1958 : i32 to index
      %get3A_1960 = arith.constant 32 : index
      %get3A_1961 = tpu.vector_load %arg5[%get3A_1959, %get3A_1960] {strides = array<i32>} : memref<16x128xf32, #tpu.memory_space<vmem>>, vector<1x16xf32>,
      %get3A_1962 = vector.shape_cast %get3A_1961 : vector<1x16xf32> to vector<16xf32>
      %lt3A_1963 = arith.cmpf olt, %get3A_1962, %select_n3A_1953 : vector<16xf32>
      %select_n3A_1964 = arith.select %lt3A_1963, %get3A_1962, %select_n3A_1953 : vector<16xi1>, vector<16xf32>
      %add3A_1965 = arith.constant 32 : i32
      %add3A_1966 = vector.broadcast %add3A_1965 : i32 to vector<16xi32>
      %add3A_1967 = arith.addi %iota3A, %add3A_1966 : vector<16xi32>
      %select_n3A_1968 = arith.select %lt3A_1963, %add3A_1967, %select_n3A_1957 : vector<16xi1>, vector<16xi32>
      %get3A_1969 = arith.constant 12 : i32
      %get3A_1970 = arith.index_cast %get3A_1969 : i32 to index
      %get3A_1971 = arith.constant 48 : index
      %get3A_1972 = tpu.vector_load %arg5[%get3A_1970, %get3A_1971] {strides = array<i32>} : memref<16x128xf32, #tpu.memory_space<vmem>>, vector<1x16xf32>,
      %get3A_1973 = vector.shape_cast %get3A_1972 : vector<1x16xf32> to vector<16xf32>
      %lt3A_1974 = arith.cmpf olt, %get3A_1973, %select_n3A_1964 : vector<16xf32>
      %select_n3A_1975 = arith.select %lt3A_1974, %get3A_1973, %select_n3A_1964 : vector<16xi1>, vector<16xf32>
      %add3A_1976 = arith.constant 48 : i32
      %add3A_1977 = vector.broadcast %add3A_1976 : i32 to vector<16xi32>
      %add3A_1978 = arith.addi %iota3A, %add3A_1977 : vector<16xi32>
      %select_n3A_1979 = arith.select %lt3A_1974, %add3A_1978, %select_n3A_1968 : vector<16xi1>, vector<16xi32>
      %get3A_1980 = arith.constant 12 : i32
      %get3A_1981 = arith.index_cast %get3A_1980 : i32 to index
      %get3A_1982 = arith.constant 64 : index
      %get3A_1983 = tpu.vector_load %arg5[%get3A_1981, %get3A_1982] {strides = array<i32>} : memref<16x128xf32, #tpu.memory_space<vmem>>, vector<1x16xf32>,
      %get3A_1984 = vector.shape_cast %get3A_1983 : vector<1x16xf32> to vector<16xf32>
      %lt3A_1985 = arith.cmpf olt, %get3A_1984, %select_n3A_1975 : vector<16xf32>
      %select_n3A_1986 = arith.select %lt3A_1985, %get3A_1984, %select_n3A_1975 : vector<16xi1>, vector<16xf32>
      %add3A_1987 = arith.constant 64 : i32
      %add3A_1988 = vector.broadcast %add3A_1987 : i32 to vector<16xi32>
      %add3A_1989 = arith.addi %iota3A, %add3A_1988 : vector<16xi32>
      %select_n3A_1990 = arith.select %lt3A_1985, %add3A_1989, %select_n3A_1979 : vector<16xi1>, vector<16xi32>
      %get3A_1991 = arith.constant 12 : i32
      %get3A_1992 = arith.index_cast %get3A_1991 : i32 to index
      %get3A_1993 = arith.constant 80 : index
      %get3A_1994 = tpu.vector_load %arg5[%get3A_1992, %get3A_1993] {strides = array<i32>} : memref<16x128xf32, #tpu.memory_space<vmem>>, vector<1x16xf32>,
      %get3A_1995 = vector.shape_cast %get3A_1994 : vector<1x16xf32> to vector<16xf32>
      %lt3A_1996 = arith.cmpf olt, %get3A_1995, %select_n3A_1986 : vector<16xf32>
      %select_n3A_1997 = arith.select %lt3A_1996, %get3A_1995, %select_n3A_1986 : vector<16xi1>, vector<16xf32>
      %add3A_1998 = arith.constant 80 : i32
      %add3A_1999 = vector.broadcast %add3A_1998 : i32 to vector<16xi32>
      %add3A_2000 = arith.addi %iota3A, %add3A_1999 : vector<16xi32>
      %select_n3A_2001 = arith.select %lt3A_1996, %add3A_2000, %select_n3A_1990 : vector<16xi1>, vector<16xi32>
      %get3A_2002 = arith.constant 12 : i32
      %get3A_2003 = arith.index_cast %get3A_2002 : i32 to index
      %get3A_2004 = arith.constant 96 : index
      %get3A_2005 = tpu.vector_load %arg5[%get3A_2003, %get3A_2004] {strides = array<i32>} : memref<16x128xf32, #tpu.memory_space<vmem>>, vector<1x16xf32>,
      %get3A_2006 = vector.shape_cast %get3A_2005 : vector<1x16xf32> to vector<16xf32>
      %lt3A_2007 = arith.cmpf olt, %get3A_2006, %select_n3A_1997 : vector<16xf32>
      %select_n3A_2008 = arith.select %lt3A_2007, %get3A_2006, %select_n3A_1997 : vector<16xi1>, vector<16xf32>
      %add3A_2009 = arith.constant 96 : i32
      %add3A_2010 = vector.broadcast %add3A_2009 : i32 to vector<16xi32>
      %add3A_2011 = arith.addi %iota3A, %add3A_2010 : vector<16xi32>
      %select_n3A_2012 = arith.select %lt3A_2007, %add3A_2011, %select_n3A_2001 : vector<16xi1>, vector<16xi32>
      %get3A_2013 = arith.constant 12 : i32
      %get3A_2014 = arith.index_cast %get3A_2013 : i32 to index
      %get3A_2015 = arith.constant 112 : index
      %get3A_2016 = tpu.vector_load %arg5[%get3A_2014, %get3A_2015] {strides = array<i32>} : memref<16x128xf32, #tpu.memory_space<vmem>>, vector<1x16xf32>,
      %get3A_2017 = vector.shape_cast %get3A_2016 : vector<1x16xf32> to vector<16xf32>
      %lt3A_2018 = arith.cmpf olt, %get3A_2017, %select_n3A_2008 : vector<16xf32>
      %select_n3A_2019 = arith.select %lt3A_2018, %get3A_2017, %select_n3A_2008 : vector<16xi1>, vector<16xf32>
      %add3A_2020 = arith.constant 112 : i32
      %add3A_2021 = vector.broadcast %add3A_2020 : i32 to vector<16xi32>
      %add3A_2022 = arith.addi %iota3A, %add3A_2021 : vector<16xi32>
      %select_n3A_2023 = arith.select %lt3A_2018, %add3A_2022, %select_n3A_2012 : vector<16xi1>, vector<16xi32>
      %xor3A_2024 = arith.constant 1 : i32
      %xor3A_2025 = vector.broadcast %xor3A_2024 : i32 to vector<16xi32>
      %xor3A_2026 = arith.xori %iota3A, %xor3A_2025 : vector<16xi32>
      %broadcast_in_dim3A_2027 = vector.shape_cast %xor3A_2026 : vector<16xi32> to vector<16x1xi32>
      %gather3A_2028 = vector.shape_cast %broadcast_in_dim3A_2027 : vector<16x1xi32> to vector<16xi32>
      %gather3A_2029 = tpu.dynamic_gather %select_n3A_2019[%gather3A_2028] in [0] : vector<16xf32>, vector<16xi32> -> vector<16xf32>
      %broadcast_in_dim3A_2030 = vector.shape_cast %xor3A_2026 : vector<16xi32> to vector<16x1xi32>
      %gather3A_2031 = vector.shape_cast %broadcast_in_dim3A_2030 : vector<16x1xi32> to vector<16xi32>
      %gather3A_2032 = tpu.dynamic_gather %select_n3A_2023[%gather3A_2031] in [0] : vector<16xi32>, vector<16xi32> -> vector<16xi32>
      %lt3A_2033 = arith.cmpf olt, %gather3A_2029, %select_n3A_2019 : vector<16xf32>
      %eq3A_2034 = arith.cmpf oeq, %gather3A_2029, %select_n3A_2019 : vector<16xf32>
      %lt3A_2035 = arith.cmpi slt, %gather3A_2032, %select_n3A_2023 : vector<16xi32>
      %and3A_2036 = arith.andi %eq3A_2034, %lt3A_2035 : vector<16xi1>
      %or3A_2037 = arith.ori %lt3A_2033, %and3A_2036 : vector<16xi1>
      %select_n3A_2038 = arith.select %or3A_2037, %gather3A_2029, %select_n3A_2019 : vector<16xi1>, vector<16xf32>
      %select_n3A_2039 = arith.select %or3A_2037, %gather3A_2032, %select_n3A_2023 : vector<16xi1>, vector<16xi32>
      %xor3A_2040 = arith.constant 2 : i32
      %xor3A_2041 = vector.broadcast %xor3A_2040 : i32 to vector<16xi32>
      %xor3A_2042 = arith.xori %iota3A, %xor3A_2041 : vector<16xi32>
      %broadcast_in_dim3A_2043 = vector.shape_cast %xor3A_2042 : vector<16xi32> to vector<16x1xi32>
      %gather3A_2044 = vector.shape_cast %broadcast_in_dim3A_2043 : vector<16x1xi32> to vector<16xi32>
      %gather3A_2045 = tpu.dynamic_gather %select_n3A_2038[%gather3A_2044] in [0] : vector<16xf32>, vector<16xi32> -> vector<16xf32>
      %broadcast_in_dim3A_2046 = vector.shape_cast %xor3A_2042 : vector<16xi32> to vector<16x1xi32>
      %gather3A_2047 = vector.shape_cast %broadcast_in_dim3A_2046 : vector<16x1xi32> to vector<16xi32>
      %gather3A_2048 = tpu.dynamic_gather %select_n3A_2039[%gather3A_2047] in [0] : vector<16xi32>, vector<16xi32> -> vector<16xi32>
      %lt3A_2049 = arith.cmpf olt, %gather3A_2045, %select_n3A_2038 : vector<16xf32>
      %eq3A_2050 = arith.cmpf oeq, %gather3A_2045, %select_n3A_2038 : vector<16xf32>
      %lt3A_2051 = arith.cmpi slt, %gather3A_2048, %select_n3A_2039 : vector<16xi32>
      %and3A_2052 = arith.andi %eq3A_2050, %lt3A_2051 : vector<16xi1>
      %or3A_2053 = arith.ori %lt3A_2049, %and3A_2052 : vector<16xi1>
      %select_n3A_2054 = arith.select %or3A_2053, %gather3A_2045, %select_n3A_2038 : vector<16xi1>, vector<16xf32>
      %select_n3A_2055 = arith.select %or3A_2053, %gather3A_2048, %select_n3A_2039 : vector<16xi1>, vector<16xi32>
      %xor3A_2056 = arith.constant 4 : i32
      %xor3A_2057 = vector.broadcast %xor3A_2056 : i32 to vector<16xi32>
      %xor3A_2058 = arith.xori %iota3A, %xor3A_2057 : vector<16xi32>
      %broadcast_in_dim3A_2059 = vector.shape_cast %xor3A_2058 : vector<16xi32> to vector<16x1xi32>
      %gather3A_2060 = vector.shape_cast %broadcast_in_dim3A_2059 : vector<16x1xi32> to vector<16xi32>
      %gather3A_2061 = tpu.dynamic_gather %select_n3A_2054[%gather3A_2060] in [0] : vector<16xf32>, vector<16xi32> -> vector<16xf32>
      %broadcast_in_dim3A_2062 = vector.shape_cast %xor3A_2058 : vector<16xi32> to vector<16x1xi32>
      %gather3A_2063 = vector.shape_cast %broadcast_in_dim3A_2062 : vector<16x1xi32> to vector<16xi32>
      %gather3A_2064 = tpu.dynamic_gather %select_n3A_2055[%gather3A_2063] in [0] : vector<16xi32>, vector<16xi32> -> vector<16xi32>
      %lt3A_2065 = arith.cmpf olt, %gather3A_2061, %select_n3A_2054 : vector<16xf32>
      %eq3A_2066 = arith.cmpf oeq, %gather3A_2061, %select_n3A_2054 : vector<16xf32>
      %lt3A_2067 = arith.cmpi slt, %gather3A_2064, %select_n3A_2055 : vector<16xi32>
      %and3A_2068 = arith.andi %eq3A_2066, %lt3A_2067 : vector<16xi1>
      %or3A_2069 = arith.ori %lt3A_2065, %and3A_2068 : vector<16xi1>
      %select_n3A_2070 = arith.select %or3A_2069, %gather3A_2061, %select_n3A_2054 : vector<16xi1>, vector<16xf32>
      %select_n3A_2071 = arith.select %or3A_2069, %gather3A_2064, %select_n3A_2055 : vector<16xi1>, vector<16xi32>
      %xor3A_2072 = arith.constant 8 : i32
      %xor3A_2073 = vector.broadcast %xor3A_2072 : i32 to vector<16xi32>
      %xor3A_2074 = arith.xori %iota3A, %xor3A_2073 : vector<16xi32>
      %broadcast_in_dim3A_2075 = vector.shape_cast %xor3A_2074 : vector<16xi32> to vector<16x1xi32>
      %gather3A_2076 = vector.shape_cast %broadcast_in_dim3A_2075 : vector<16x1xi32> to vector<16xi32>
      %gather3A_2077 = tpu.dynamic_gather %select_n3A_2070[%gather3A_2076] in [0] : vector<16xf32>, vector<16xi32> -> vector<16xf32>
      %broadcast_in_dim3A_2078 = vector.shape_cast %xor3A_2074 : vector<16xi32> to vector<16x1xi32>
      %gather3A_2079 = vector.shape_cast %broadcast_in_dim3A_2078 : vector<16x1xi32> to vector<16xi32>
      %gather3A_2080 = tpu.dynamic_gather %select_n3A_2071[%gather3A_2079] in [0] : vector<16xi32>, vector<16xi32> -> vector<16xi32>
      %lt3A_2081 = arith.cmpf olt, %gather3A_2077, %select_n3A_2070 : vector<16xf32>
      %eq3A_2082 = arith.cmpf oeq, %gather3A_2077, %select_n3A_2070 : vector<16xf32>
      %lt3A_2083 = arith.cmpi slt, %gather3A_2080, %select_n3A_2071 : vector<16xi32>
      %and3A_2084 = arith.andi %eq3A_2082, %lt3A_2083 : vector<16xi1>
      %or3A_2085 = arith.ori %lt3A_2081, %and3A_2084 : vector<16xi1>
      %select_n3A_2086 = arith.select %or3A_2085, %gather3A_2077, %select_n3A_2070 : vector<16xi1>, vector<16xf32>
      %select_n3A_2087 = arith.select %or3A_2085, %gather3A_2080, %select_n3A_2071 : vector<16xi1>, vector<16xi32>
      %eq3A_2088 = arith.constant 12 : i32
      %eq3A_2089 = vector.broadcast %eq3A_2088 : i32 to vector<16xi32>
      %eq3A_2090 = arith.cmpi eq, %iota3A, %eq3A_2089 : vector<16xi32>
      %select_n3A_2091 = arith.select %eq3A_2090, %select_n3A_2086, %select_n3A_1930 : vector<16xi1>, vector<16xf32>
      %select_n3A_2092 = arith.select %eq3A_2090, %select_n3A_2087, %select_n3A_1931 : vector<16xi1>, vector<16xi32>
      %broadcast_in_dim3A_2093 = arith.constant 3.400000e+38 : f32
      %broadcast_in_dim3A_2094 = vector.broadcast %broadcast_in_dim3A_2093 : f32 to vector<16xf32>
      %broadcast_in_dim3A_2095 = arith.constant 0 : i32
      %broadcast_in_dim3A_2096 = vector.broadcast %broadcast_in_dim3A_2095 : i32 to vector<16xi32>
      %get3A_2097 = arith.constant 13 : i32
      %get3A_2098 = arith.index_cast %get3A_2097 : i32 to index
      %get3A_2099 = arith.constant 0 : index
      %get3A_2100 = tpu.vector_load %arg5[%get3A_2098, %get3A_2099] {strides = array<i32>} : memref<16x128xf32, #tpu.memory_space<vmem>>, vector<1x16xf32>,
      %get3A_2101 = vector.shape_cast %get3A_2100 : vector<1x16xf32> to vector<16xf32>
      %lt3A_2102 = arith.cmpf olt, %get3A_2101, %broadcast_in_dim3A_2094 : vector<16xf32>
      %select_n3A_2103 = arith.select %lt3A_2102, %get3A_2101, %broadcast_in_dim3A_2094 : vector<16xi1>, vector<16xf32>
      %add3A_2104 = arith.constant 0 : i32
      %add3A_2105 = vector.broadcast %add3A_2104 : i32 to vector<16xi32>
      %add3A_2106 = arith.addi %iota3A, %add3A_2105 : vector<16xi32>
      %select_n3A_2107 = arith.select %lt3A_2102, %add3A_2106, %broadcast_in_dim3A_2096 : vector<16xi1>, vector<16xi32>
      %get3A_2108 = arith.constant 13 : i32
      %get3A_2109 = arith.index_cast %get3A_2108 : i32 to index
      %get3A_2110 = arith.constant 16 : index
      %get3A_2111 = tpu.vector_load %arg5[%get3A_2109, %get3A_2110] {strides = array<i32>} : memref<16x128xf32, #tpu.memory_space<vmem>>, vector<1x16xf32>,
      %get3A_2112 = vector.shape_cast %get3A_2111 : vector<1x16xf32> to vector<16xf32>
      %lt3A_2113 = arith.cmpf olt, %get3A_2112, %select_n3A_2103 : vector<16xf32>
      %select_n3A_2114 = arith.select %lt3A_2113, %get3A_2112, %select_n3A_2103 : vector<16xi1>, vector<16xf32>
      %add3A_2115 = arith.constant 16 : i32
      %add3A_2116 = vector.broadcast %add3A_2115 : i32 to vector<16xi32>
      %add3A_2117 = arith.addi %iota3A, %add3A_2116 : vector<16xi32>
      %select_n3A_2118 = arith.select %lt3A_2113, %add3A_2117, %select_n3A_2107 : vector<16xi1>, vector<16xi32>
      %get3A_2119 = arith.constant 13 : i32
      %get3A_2120 = arith.index_cast %get3A_2119 : i32 to index
      %get3A_2121 = arith.constant 32 : index
      %get3A_2122 = tpu.vector_load %arg5[%get3A_2120, %get3A_2121] {strides = array<i32>} : memref<16x128xf32, #tpu.memory_space<vmem>>, vector<1x16xf32>,
      %get3A_2123 = vector.shape_cast %get3A_2122 : vector<1x16xf32> to vector<16xf32>
      %lt3A_2124 = arith.cmpf olt, %get3A_2123, %select_n3A_2114 : vector<16xf32>
      %select_n3A_2125 = arith.select %lt3A_2124, %get3A_2123, %select_n3A_2114 : vector<16xi1>, vector<16xf32>
      %add3A_2126 = arith.constant 32 : i32
      %add3A_2127 = vector.broadcast %add3A_2126 : i32 to vector<16xi32>
      %add3A_2128 = arith.addi %iota3A, %add3A_2127 : vector<16xi32>
      %select_n3A_2129 = arith.select %lt3A_2124, %add3A_2128, %select_n3A_2118 : vector<16xi1>, vector<16xi32>
      %get3A_2130 = arith.constant 13 : i32
      %get3A_2131 = arith.index_cast %get3A_2130 : i32 to index
      %get3A_2132 = arith.constant 48 : index
      %get3A_2133 = tpu.vector_load %arg5[%get3A_2131, %get3A_2132] {strides = array<i32>} : memref<16x128xf32, #tpu.memory_space<vmem>>, vector<1x16xf32>,
      %get3A_2134 = vector.shape_cast %get3A_2133 : vector<1x16xf32> to vector<16xf32>
      %lt3A_2135 = arith.cmpf olt, %get3A_2134, %select_n3A_2125 : vector<16xf32>
      %select_n3A_2136 = arith.select %lt3A_2135, %get3A_2134, %select_n3A_2125 : vector<16xi1>, vector<16xf32>
      %add3A_2137 = arith.constant 48 : i32
      %add3A_2138 = vector.broadcast %add3A_2137 : i32 to vector<16xi32>
      %add3A_2139 = arith.addi %iota3A, %add3A_2138 : vector<16xi32>
      %select_n3A_2140 = arith.select %lt3A_2135, %add3A_2139, %select_n3A_2129 : vector<16xi1>, vector<16xi32>
      %get3A_2141 = arith.constant 13 : i32
      %get3A_2142 = arith.index_cast %get3A_2141 : i32 to index
      %get3A_2143 = arith.constant 64 : index
      %get3A_2144 = tpu.vector_load %arg5[%get3A_2142, %get3A_2143] {strides = array<i32>} : memref<16x128xf32, #tpu.memory_space<vmem>>, vector<1x16xf32>,
      %get3A_2145 = vector.shape_cast %get3A_2144 : vector<1x16xf32> to vector<16xf32>
      %lt3A_2146 = arith.cmpf olt, %get3A_2145, %select_n3A_2136 : vector<16xf32>
      %select_n3A_2147 = arith.select %lt3A_2146, %get3A_2145, %select_n3A_2136 : vector<16xi1>, vector<16xf32>
      %add3A_2148 = arith.constant 64 : i32
      %add3A_2149 = vector.broadcast %add3A_2148 : i32 to vector<16xi32>
      %add3A_2150 = arith.addi %iota3A, %add3A_2149 : vector<16xi32>
      %select_n3A_2151 = arith.select %lt3A_2146, %add3A_2150, %select_n3A_2140 : vector<16xi1>, vector<16xi32>
      %get3A_2152 = arith.constant 13 : i32
      %get3A_2153 = arith.index_cast %get3A_2152 : i32 to index
      %get3A_2154 = arith.constant 80 : index
      %get3A_2155 = tpu.vector_load %arg5[%get3A_2153, %get3A_2154] {strides = array<i32>} : memref<16x128xf32, #tpu.memory_space<vmem>>, vector<1x16xf32>,
      %get3A_2156 = vector.shape_cast %get3A_2155 : vector<1x16xf32> to vector<16xf32>
      %lt3A_2157 = arith.cmpf olt, %get3A_2156, %select_n3A_2147 : vector<16xf32>
      %select_n3A_2158 = arith.select %lt3A_2157, %get3A_2156, %select_n3A_2147 : vector<16xi1>, vector<16xf32>
      %add3A_2159 = arith.constant 80 : i32
      %add3A_2160 = vector.broadcast %add3A_2159 : i32 to vector<16xi32>
      %add3A_2161 = arith.addi %iota3A, %add3A_2160 : vector<16xi32>
      %select_n3A_2162 = arith.select %lt3A_2157, %add3A_2161, %select_n3A_2151 : vector<16xi1>, vector<16xi32>
      %get3A_2163 = arith.constant 13 : i32
      %get3A_2164 = arith.index_cast %get3A_2163 : i32 to index
      %get3A_2165 = arith.constant 96 : index
      %get3A_2166 = tpu.vector_load %arg5[%get3A_2164, %get3A_2165] {strides = array<i32>} : memref<16x128xf32, #tpu.memory_space<vmem>>, vector<1x16xf32>,
      %get3A_2167 = vector.shape_cast %get3A_2166 : vector<1x16xf32> to vector<16xf32>
      %lt3A_2168 = arith.cmpf olt, %get3A_2167, %select_n3A_2158 : vector<16xf32>
      %select_n3A_2169 = arith.select %lt3A_2168, %get3A_2167, %select_n3A_2158 : vector<16xi1>, vector<16xf32>
      %add3A_2170 = arith.constant 96 : i32
      %add3A_2171 = vector.broadcast %add3A_2170 : i32 to vector<16xi32>
      %add3A_2172 = arith.addi %iota3A, %add3A_2171 : vector<16xi32>
      %select_n3A_2173 = arith.select %lt3A_2168, %add3A_2172, %select_n3A_2162 : vector<16xi1>, vector<16xi32>
      %get3A_2174 = arith.constant 13 : i32
      %get3A_2175 = arith.index_cast %get3A_2174 : i32 to index
      %get3A_2176 = arith.constant 112 : index
      %get3A_2177 = tpu.vector_load %arg5[%get3A_2175, %get3A_2176] {strides = array<i32>} : memref<16x128xf32, #tpu.memory_space<vmem>>, vector<1x16xf32>,
      %get3A_2178 = vector.shape_cast %get3A_2177 : vector<1x16xf32> to vector<16xf32>
      %lt3A_2179 = arith.cmpf olt, %get3A_2178, %select_n3A_2169 : vector<16xf32>
      %select_n3A_2180 = arith.select %lt3A_2179, %get3A_2178, %select_n3A_2169 : vector<16xi1>, vector<16xf32>
      %add3A_2181 = arith.constant 112 : i32
      %add3A_2182 = vector.broadcast %add3A_2181 : i32 to vector<16xi32>
      %add3A_2183 = arith.addi %iota3A, %add3A_2182 : vector<16xi32>
      %select_n3A_2184 = arith.select %lt3A_2179, %add3A_2183, %select_n3A_2173 : vector<16xi1>, vector<16xi32>
      %xor3A_2185 = arith.constant 1 : i32
      %xor3A_2186 = vector.broadcast %xor3A_2185 : i32 to vector<16xi32>
      %xor3A_2187 = arith.xori %iota3A, %xor3A_2186 : vector<16xi32>
      %broadcast_in_dim3A_2188 = vector.shape_cast %xor3A_2187 : vector<16xi32> to vector<16x1xi32>
      %gather3A_2189 = vector.shape_cast %broadcast_in_dim3A_2188 : vector<16x1xi32> to vector<16xi32>
      %gather3A_2190 = tpu.dynamic_gather %select_n3A_2180[%gather3A_2189] in [0] : vector<16xf32>, vector<16xi32> -> vector<16xf32>
      %broadcast_in_dim3A_2191 = vector.shape_cast %xor3A_2187 : vector<16xi32> to vector<16x1xi32>
      %gather3A_2192 = vector.shape_cast %broadcast_in_dim3A_2191 : vector<16x1xi32> to vector<16xi32>
      %gather3A_2193 = tpu.dynamic_gather %select_n3A_2184[%gather3A_2192] in [0] : vector<16xi32>, vector<16xi32> -> vector<16xi32>
      %lt3A_2194 = arith.cmpf olt, %gather3A_2190, %select_n3A_2180 : vector<16xf32>
      %eq3A_2195 = arith.cmpf oeq, %gather3A_2190, %select_n3A_2180 : vector<16xf32>
      %lt3A_2196 = arith.cmpi slt, %gather3A_2193, %select_n3A_2184 : vector<16xi32>
      %and3A_2197 = arith.andi %eq3A_2195, %lt3A_2196 : vector<16xi1>
      %or3A_2198 = arith.ori %lt3A_2194, %and3A_2197 : vector<16xi1>
      %select_n3A_2199 = arith.select %or3A_2198, %gather3A_2190, %select_n3A_2180 : vector<16xi1>, vector<16xf32>
      %select_n3A_2200 = arith.select %or3A_2198, %gather3A_2193, %select_n3A_2184 : vector<16xi1>, vector<16xi32>
      %xor3A_2201 = arith.constant 2 : i32
      %xor3A_2202 = vector.broadcast %xor3A_2201 : i32 to vector<16xi32>
      %xor3A_2203 = arith.xori %iota3A, %xor3A_2202 : vector<16xi32>
      %broadcast_in_dim3A_2204 = vector.shape_cast %xor3A_2203 : vector<16xi32> to vector<16x1xi32>
      %gather3A_2205 = vector.shape_cast %broadcast_in_dim3A_2204 : vector<16x1xi32> to vector<16xi32>
      %gather3A_2206 = tpu.dynamic_gather %select_n3A_2199[%gather3A_2205] in [0] : vector<16xf32>, vector<16xi32> -> vector<16xf32>
      %broadcast_in_dim3A_2207 = vector.shape_cast %xor3A_2203 : vector<16xi32> to vector<16x1xi32>
      %gather3A_2208 = vector.shape_cast %broadcast_in_dim3A_2207 : vector<16x1xi32> to vector<16xi32>
      %gather3A_2209 = tpu.dynamic_gather %select_n3A_2200[%gather3A_2208] in [0] : vector<16xi32>, vector<16xi32> -> vector<16xi32>
      %lt3A_2210 = arith.cmpf olt, %gather3A_2206, %select_n3A_2199 : vector<16xf32>
      %eq3A_2211 = arith.cmpf oeq, %gather3A_2206, %select_n3A_2199 : vector<16xf32>
      %lt3A_2212 = arith.cmpi slt, %gather3A_2209, %select_n3A_2200 : vector<16xi32>
      %and3A_2213 = arith.andi %eq3A_2211, %lt3A_2212 : vector<16xi1>
      %or3A_2214 = arith.ori %lt3A_2210, %and3A_2213 : vector<16xi1>
      %select_n3A_2215 = arith.select %or3A_2214, %gather3A_2206, %select_n3A_2199 : vector<16xi1>, vector<16xf32>
      %select_n3A_2216 = arith.select %or3A_2214, %gather3A_2209, %select_n3A_2200 : vector<16xi1>, vector<16xi32>
      %xor3A_2217 = arith.constant 4 : i32
      %xor3A_2218 = vector.broadcast %xor3A_2217 : i32 to vector<16xi32>
      %xor3A_2219 = arith.xori %iota3A, %xor3A_2218 : vector<16xi32>
      %broadcast_in_dim3A_2220 = vector.shape_cast %xor3A_2219 : vector<16xi32> to vector<16x1xi32>
      %gather3A_2221 = vector.shape_cast %broadcast_in_dim3A_2220 : vector<16x1xi32> to vector<16xi32>
      %gather3A_2222 = tpu.dynamic_gather %select_n3A_2215[%gather3A_2221] in [0] : vector<16xf32>, vector<16xi32> -> vector<16xf32>
      %broadcast_in_dim3A_2223 = vector.shape_cast %xor3A_2219 : vector<16xi32> to vector<16x1xi32>
      %gather3A_2224 = vector.shape_cast %broadcast_in_dim3A_2223 : vector<16x1xi32> to vector<16xi32>
      %gather3A_2225 = tpu.dynamic_gather %select_n3A_2216[%gather3A_2224] in [0] : vector<16xi32>, vector<16xi32> -> vector<16xi32>
      %lt3A_2226 = arith.cmpf olt, %gather3A_2222, %select_n3A_2215 : vector<16xf32>
      %eq3A_2227 = arith.cmpf oeq, %gather3A_2222, %select_n3A_2215 : vector<16xf32>
      %lt3A_2228 = arith.cmpi slt, %gather3A_2225, %select_n3A_2216 : vector<16xi32>
      %and3A_2229 = arith.andi %eq3A_2227, %lt3A_2228 : vector<16xi1>
      %or3A_2230 = arith.ori %lt3A_2226, %and3A_2229 : vector<16xi1>
      %select_n3A_2231 = arith.select %or3A_2230, %gather3A_2222, %select_n3A_2215 : vector<16xi1>, vector<16xf32>
      %select_n3A_2232 = arith.select %or3A_2230, %gather3A_2225, %select_n3A_2216 : vector<16xi1>, vector<16xi32>
      %xor3A_2233 = arith.constant 8 : i32
      %xor3A_2234 = vector.broadcast %xor3A_2233 : i32 to vector<16xi32>
      %xor3A_2235 = arith.xori %iota3A, %xor3A_2234 : vector<16xi32>
      %broadcast_in_dim3A_2236 = vector.shape_cast %xor3A_2235 : vector<16xi32> to vector<16x1xi32>
      %gather3A_2237 = vector.shape_cast %broadcast_in_dim3A_2236 : vector<16x1xi32> to vector<16xi32>
      %gather3A_2238 = tpu.dynamic_gather %select_n3A_2231[%gather3A_2237] in [0] : vector<16xf32>, vector<16xi32> -> vector<16xf32>
      %broadcast_in_dim3A_2239 = vector.shape_cast %xor3A_2235 : vector<16xi32> to vector<16x1xi32>
      %gather3A_2240 = vector.shape_cast %broadcast_in_dim3A_2239 : vector<16x1xi32> to vector<16xi32>
      %gather3A_2241 = tpu.dynamic_gather %select_n3A_2232[%gather3A_2240] in [0] : vector<16xi32>, vector<16xi32> -> vector<16xi32>
      %lt3A_2242 = arith.cmpf olt, %gather3A_2238, %select_n3A_2231 : vector<16xf32>
      %eq3A_2243 = arith.cmpf oeq, %gather3A_2238, %select_n3A_2231 : vector<16xf32>
      %lt3A_2244 = arith.cmpi slt, %gather3A_2241, %select_n3A_2232 : vector<16xi32>
      %and3A_2245 = arith.andi %eq3A_2243, %lt3A_2244 : vector<16xi1>
      %or3A_2246 = arith.ori %lt3A_2242, %and3A_2245 : vector<16xi1>
      %select_n3A_2247 = arith.select %or3A_2246, %gather3A_2238, %select_n3A_2231 : vector<16xi1>, vector<16xf32>
      %select_n3A_2248 = arith.select %or3A_2246, %gather3A_2241, %select_n3A_2232 : vector<16xi1>, vector<16xi32>
      %eq3A_2249 = arith.constant 13 : i32
      %eq3A_2250 = vector.broadcast %eq3A_2249 : i32 to vector<16xi32>
      %eq3A_2251 = arith.cmpi eq, %iota3A, %eq3A_2250 : vector<16xi32>
      %select_n3A_2252 = arith.select %eq3A_2251, %select_n3A_2247, %select_n3A_2091 : vector<16xi1>, vector<16xf32>
      %select_n3A_2253 = arith.select %eq3A_2251, %select_n3A_2248, %select_n3A_2092 : vector<16xi1>, vector<16xi32>
      %broadcast_in_dim3A_2254 = arith.constant 3.400000e+38 : f32
      %broadcast_in_dim3A_2255 = vector.broadcast %broadcast_in_dim3A_2254 : f32 to vector<16xf32>
      %broadcast_in_dim3A_2256 = arith.constant 0 : i32
      %broadcast_in_dim3A_2257 = vector.broadcast %broadcast_in_dim3A_2256 : i32 to vector<16xi32>
      %get3A_2258 = arith.constant 14 : i32
      %get3A_2259 = arith.index_cast %get3A_2258 : i32 to index
      %get3A_2260 = arith.constant 0 : index
      %get3A_2261 = tpu.vector_load %arg5[%get3A_2259, %get3A_2260] {strides = array<i32>} : memref<16x128xf32, #tpu.memory_space<vmem>>, vector<1x16xf32>,
      %get3A_2262 = vector.shape_cast %get3A_2261 : vector<1x16xf32> to vector<16xf32>
      %lt3A_2263 = arith.cmpf olt, %get3A_2262, %broadcast_in_dim3A_2255 : vector<16xf32>
      %select_n3A_2264 = arith.select %lt3A_2263, %get3A_2262, %broadcast_in_dim3A_2255 : vector<16xi1>, vector<16xf32>
      %add3A_2265 = arith.constant 0 : i32
      %add3A_2266 = vector.broadcast %add3A_2265 : i32 to vector<16xi32>
      %add3A_2267 = arith.addi %iota3A, %add3A_2266 : vector<16xi32>
      %select_n3A_2268 = arith.select %lt3A_2263, %add3A_2267, %broadcast_in_dim3A_2257 : vector<16xi1>, vector<16xi32>
      %get3A_2269 = arith.constant 14 : i32
      %get3A_2270 = arith.index_cast %get3A_2269 : i32 to index
      %get3A_2271 = arith.constant 16 : index
      %get3A_2272 = tpu.vector_load %arg5[%get3A_2270, %get3A_2271] {strides = array<i32>} : memref<16x128xf32, #tpu.memory_space<vmem>>, vector<1x16xf32>,
      %get3A_2273 = vector.shape_cast %get3A_2272 : vector<1x16xf32> to vector<16xf32>
      %lt3A_2274 = arith.cmpf olt, %get3A_2273, %select_n3A_2264 : vector<16xf32>
      %select_n3A_2275 = arith.select %lt3A_2274, %get3A_2273, %select_n3A_2264 : vector<16xi1>, vector<16xf32>
      %add3A_2276 = arith.constant 16 : i32
      %add3A_2277 = vector.broadcast %add3A_2276 : i32 to vector<16xi32>
      %add3A_2278 = arith.addi %iota3A, %add3A_2277 : vector<16xi32>
      %select_n3A_2279 = arith.select %lt3A_2274, %add3A_2278, %select_n3A_2268 : vector<16xi1>, vector<16xi32>
      %get3A_2280 = arith.constant 14 : i32
      %get3A_2281 = arith.index_cast %get3A_2280 : i32 to index
      %get3A_2282 = arith.constant 32 : index
      %get3A_2283 = tpu.vector_load %arg5[%get3A_2281, %get3A_2282] {strides = array<i32>} : memref<16x128xf32, #tpu.memory_space<vmem>>, vector<1x16xf32>,
      %get3A_2284 = vector.shape_cast %get3A_2283 : vector<1x16xf32> to vector<16xf32>
      %lt3A_2285 = arith.cmpf olt, %get3A_2284, %select_n3A_2275 : vector<16xf32>
      %select_n3A_2286 = arith.select %lt3A_2285, %get3A_2284, %select_n3A_2275 : vector<16xi1>, vector<16xf32>
      %add3A_2287 = arith.constant 32 : i32
      %add3A_2288 = vector.broadcast %add3A_2287 : i32 to vector<16xi32>
      %add3A_2289 = arith.addi %iota3A, %add3A_2288 : vector<16xi32>
      %select_n3A_2290 = arith.select %lt3A_2285, %add3A_2289, %select_n3A_2279 : vector<16xi1>, vector<16xi32>
      %get3A_2291 = arith.constant 14 : i32
      %get3A_2292 = arith.index_cast %get3A_2291 : i32 to index
      %get3A_2293 = arith.constant 48 : index
      %get3A_2294 = tpu.vector_load %arg5[%get3A_2292, %get3A_2293] {strides = array<i32>} : memref<16x128xf32, #tpu.memory_space<vmem>>, vector<1x16xf32>,
      %get3A_2295 = vector.shape_cast %get3A_2294 : vector<1x16xf32> to vector<16xf32>
      %lt3A_2296 = arith.cmpf olt, %get3A_2295, %select_n3A_2286 : vector<16xf32>
      %select_n3A_2297 = arith.select %lt3A_2296, %get3A_2295, %select_n3A_2286 : vector<16xi1>, vector<16xf32>
      %add3A_2298 = arith.constant 48 : i32
      %add3A_2299 = vector.broadcast %add3A_2298 : i32 to vector<16xi32>
      %add3A_2300 = arith.addi %iota3A, %add3A_2299 : vector<16xi32>
      %select_n3A_2301 = arith.select %lt3A_2296, %add3A_2300, %select_n3A_2290 : vector<16xi1>, vector<16xi32>
      %get3A_2302 = arith.constant 14 : i32
      %get3A_2303 = arith.index_cast %get3A_2302 : i32 to index
      %get3A_2304 = arith.constant 64 : index
      %get3A_2305 = tpu.vector_load %arg5[%get3A_2303, %get3A_2304] {strides = array<i32>} : memref<16x128xf32, #tpu.memory_space<vmem>>, vector<1x16xf32>,
      %get3A_2306 = vector.shape_cast %get3A_2305 : vector<1x16xf32> to vector<16xf32>
      %lt3A_2307 = arith.cmpf olt, %get3A_2306, %select_n3A_2297 : vector<16xf32>
      %select_n3A_2308 = arith.select %lt3A_2307, %get3A_2306, %select_n3A_2297 : vector<16xi1>, vector<16xf32>
      %add3A_2309 = arith.constant 64 : i32
      %add3A_2310 = vector.broadcast %add3A_2309 : i32 to vector<16xi32>
      %add3A_2311 = arith.addi %iota3A, %add3A_2310 : vector<16xi32>
      %select_n3A_2312 = arith.select %lt3A_2307, %add3A_2311, %select_n3A_2301 : vector<16xi1>, vector<16xi32>
      %get3A_2313 = arith.constant 14 : i32
      %get3A_2314 = arith.index_cast %get3A_2313 : i32 to index
      %get3A_2315 = arith.constant 80 : index
      %get3A_2316 = tpu.vector_load %arg5[%get3A_2314, %get3A_2315] {strides = array<i32>} : memref<16x128xf32, #tpu.memory_space<vmem>>, vector<1x16xf32>,
      %get3A_2317 = vector.shape_cast %get3A_2316 : vector<1x16xf32> to vector<16xf32>
      %lt3A_2318 = arith.cmpf olt, %get3A_2317, %select_n3A_2308 : vector<16xf32>
      %select_n3A_2319 = arith.select %lt3A_2318, %get3A_2317, %select_n3A_2308 : vector<16xi1>, vector<16xf32>
      %add3A_2320 = arith.constant 80 : i32
      %add3A_2321 = vector.broadcast %add3A_2320 : i32 to vector<16xi32>
      %add3A_2322 = arith.addi %iota3A, %add3A_2321 : vector<16xi32>
      %select_n3A_2323 = arith.select %lt3A_2318, %add3A_2322, %select_n3A_2312 : vector<16xi1>, vector<16xi32>
      %get3A_2324 = arith.constant 14 : i32
      %get3A_2325 = arith.index_cast %get3A_2324 : i32 to index
      %get3A_2326 = arith.constant 96 : index
      %get3A_2327 = tpu.vector_load %arg5[%get3A_2325, %get3A_2326] {strides = array<i32>} : memref<16x128xf32, #tpu.memory_space<vmem>>, vector<1x16xf32>,
      %get3A_2328 = vector.shape_cast %get3A_2327 : vector<1x16xf32> to vector<16xf32>
      %lt3A_2329 = arith.cmpf olt, %get3A_2328, %select_n3A_2319 : vector<16xf32>
      %select_n3A_2330 = arith.select %lt3A_2329, %get3A_2328, %select_n3A_2319 : vector<16xi1>, vector<16xf32>
      %add3A_2331 = arith.constant 96 : i32
      %add3A_2332 = vector.broadcast %add3A_2331 : i32 to vector<16xi32>
      %add3A_2333 = arith.addi %iota3A, %add3A_2332 : vector<16xi32>
      %select_n3A_2334 = arith.select %lt3A_2329, %add3A_2333, %select_n3A_2323 : vector<16xi1>, vector<16xi32>
      %get3A_2335 = arith.constant 14 : i32
      %get3A_2336 = arith.index_cast %get3A_2335 : i32 to index
      %get3A_2337 = arith.constant 112 : index
      %get3A_2338 = tpu.vector_load %arg5[%get3A_2336, %get3A_2337] {strides = array<i32>} : memref<16x128xf32, #tpu.memory_space<vmem>>, vector<1x16xf32>,
      %get3A_2339 = vector.shape_cast %get3A_2338 : vector<1x16xf32> to vector<16xf32>
      %lt3A_2340 = arith.cmpf olt, %get3A_2339, %select_n3A_2330 : vector<16xf32>
      %select_n3A_2341 = arith.select %lt3A_2340, %get3A_2339, %select_n3A_2330 : vector<16xi1>, vector<16xf32>
      %add3A_2342 = arith.constant 112 : i32
      %add3A_2343 = vector.broadcast %add3A_2342 : i32 to vector<16xi32>
      %add3A_2344 = arith.addi %iota3A, %add3A_2343 : vector<16xi32>
      %select_n3A_2345 = arith.select %lt3A_2340, %add3A_2344, %select_n3A_2334 : vector<16xi1>, vector<16xi32>
      %xor3A_2346 = arith.constant 1 : i32
      %xor3A_2347 = vector.broadcast %xor3A_2346 : i32 to vector<16xi32>
      %xor3A_2348 = arith.xori %iota3A, %xor3A_2347 : vector<16xi32>
      %broadcast_in_dim3A_2349 = vector.shape_cast %xor3A_2348 : vector<16xi32> to vector<16x1xi32>
      %gather3A_2350 = vector.shape_cast %broadcast_in_dim3A_2349 : vector<16x1xi32> to vector<16xi32>
      %gather3A_2351 = tpu.dynamic_gather %select_n3A_2341[%gather3A_2350] in [0] : vector<16xf32>, vector<16xi32> -> vector<16xf32>
      %broadcast_in_dim3A_2352 = vector.shape_cast %xor3A_2348 : vector<16xi32> to vector<16x1xi32>
      %gather3A_2353 = vector.shape_cast %broadcast_in_dim3A_2352 : vector<16x1xi32> to vector<16xi32>
      %gather3A_2354 = tpu.dynamic_gather %select_n3A_2345[%gather3A_2353] in [0] : vector<16xi32>, vector<16xi32> -> vector<16xi32>
      %lt3A_2355 = arith.cmpf olt, %gather3A_2351, %select_n3A_2341 : vector<16xf32>
      %eq3A_2356 = arith.cmpf oeq, %gather3A_2351, %select_n3A_2341 : vector<16xf32>
      %lt3A_2357 = arith.cmpi slt, %gather3A_2354, %select_n3A_2345 : vector<16xi32>
      %and3A_2358 = arith.andi %eq3A_2356, %lt3A_2357 : vector<16xi1>
      %or3A_2359 = arith.ori %lt3A_2355, %and3A_2358 : vector<16xi1>
      %select_n3A_2360 = arith.select %or3A_2359, %gather3A_2351, %select_n3A_2341 : vector<16xi1>, vector<16xf32>
      %select_n3A_2361 = arith.select %or3A_2359, %gather3A_2354, %select_n3A_2345 : vector<16xi1>, vector<16xi32>
      %xor3A_2362 = arith.constant 2 : i32
      %xor3A_2363 = vector.broadcast %xor3A_2362 : i32 to vector<16xi32>
      %xor3A_2364 = arith.xori %iota3A, %xor3A_2363 : vector<16xi32>
      %broadcast_in_dim3A_2365 = vector.shape_cast %xor3A_2364 : vector<16xi32> to vector<16x1xi32>
      %gather3A_2366 = vector.shape_cast %broadcast_in_dim3A_2365 : vector<16x1xi32> to vector<16xi32>
      %gather3A_2367 = tpu.dynamic_gather %select_n3A_2360[%gather3A_2366] in [0] : vector<16xf32>, vector<16xi32> -> vector<16xf32>
      %broadcast_in_dim3A_2368 = vector.shape_cast %xor3A_2364 : vector<16xi32> to vector<16x1xi32>
      %gather3A_2369 = vector.shape_cast %broadcast_in_dim3A_2368 : vector<16x1xi32> to vector<16xi32>
      %gather3A_2370 = tpu.dynamic_gather %select_n3A_2361[%gather3A_2369] in [0] : vector<16xi32>, vector<16xi32> -> vector<16xi32>
      %lt3A_2371 = arith.cmpf olt, %gather3A_2367, %select_n3A_2360 : vector<16xf32>
      %eq3A_2372 = arith.cmpf oeq, %gather3A_2367, %select_n3A_2360 : vector<16xf32>
      %lt3A_2373 = arith.cmpi slt, %gather3A_2370, %select_n3A_2361 : vector<16xi32>
      %and3A_2374 = arith.andi %eq3A_2372, %lt3A_2373 : vector<16xi1>
      %or3A_2375 = arith.ori %lt3A_2371, %and3A_2374 : vector<16xi1>
      %select_n3A_2376 = arith.select %or3A_2375, %gather3A_2367, %select_n3A_2360 : vector<16xi1>, vector<16xf32>
      %select_n3A_2377 = arith.select %or3A_2375, %gather3A_2370, %select_n3A_2361 : vector<16xi1>, vector<16xi32>
      %xor3A_2378 = arith.constant 4 : i32
      %xor3A_2379 = vector.broadcast %xor3A_2378 : i32 to vector<16xi32>
      %xor3A_2380 = arith.xori %iota3A, %xor3A_2379 : vector<16xi32>
      %broadcast_in_dim3A_2381 = vector.shape_cast %xor3A_2380 : vector<16xi32> to vector<16x1xi32>
      %gather3A_2382 = vector.shape_cast %broadcast_in_dim3A_2381 : vector<16x1xi32> to vector<16xi32>
      %gather3A_2383 = tpu.dynamic_gather %select_n3A_2376[%gather3A_2382] in [0] : vector<16xf32>, vector<16xi32> -> vector<16xf32>
      %broadcast_in_dim3A_2384 = vector.shape_cast %xor3A_2380 : vector<16xi32> to vector<16x1xi32>
      %gather3A_2385 = vector.shape_cast %broadcast_in_dim3A_2384 : vector<16x1xi32> to vector<16xi32>
      %gather3A_2386 = tpu.dynamic_gather %select_n3A_2377[%gather3A_2385] in [0] : vector<16xi32>, vector<16xi32> -> vector<16xi32>
      %lt3A_2387 = arith.cmpf olt, %gather3A_2383, %select_n3A_2376 : vector<16xf32>
      %eq3A_2388 = arith.cmpf oeq, %gather3A_2383, %select_n3A_2376 : vector<16xf32>
      %lt3A_2389 = arith.cmpi slt, %gather3A_2386, %select_n3A_2377 : vector<16xi32>
      %and3A_2390 = arith.andi %eq3A_2388, %lt3A_2389 : vector<16xi1>
      %or3A_2391 = arith.ori %lt3A_2387, %and3A_2390 : vector<16xi1>
      %select_n3A_2392 = arith.select %or3A_2391, %gather3A_2383, %select_n3A_2376 : vector<16xi1>, vector<16xf32>
      %select_n3A_2393 = arith.select %or3A_2391, %gather3A_2386, %select_n3A_2377 : vector<16xi1>, vector<16xi32>
      %xor3A_2394 = arith.constant 8 : i32
      %xor3A_2395 = vector.broadcast %xor3A_2394 : i32 to vector<16xi32>
      %xor3A_2396 = arith.xori %iota3A, %xor3A_2395 : vector<16xi32>
      %broadcast_in_dim3A_2397 = vector.shape_cast %xor3A_2396 : vector<16xi32> to vector<16x1xi32>
      %gather3A_2398 = vector.shape_cast %broadcast_in_dim3A_2397 : vector<16x1xi32> to vector<16xi32>
      %gather3A_2399 = tpu.dynamic_gather %select_n3A_2392[%gather3A_2398] in [0] : vector<16xf32>, vector<16xi32> -> vector<16xf32>
      %broadcast_in_dim3A_2400 = vector.shape_cast %xor3A_2396 : vector<16xi32> to vector<16x1xi32>
      %gather3A_2401 = vector.shape_cast %broadcast_in_dim3A_2400 : vector<16x1xi32> to vector<16xi32>
      %gather3A_2402 = tpu.dynamic_gather %select_n3A_2393[%gather3A_2401] in [0] : vector<16xi32>, vector<16xi32> -> vector<16xi32>
      %lt3A_2403 = arith.cmpf olt, %gather3A_2399, %select_n3A_2392 : vector<16xf32>
      %eq3A_2404 = arith.cmpf oeq, %gather3A_2399, %select_n3A_2392 : vector<16xf32>
      %lt3A_2405 = arith.cmpi slt, %gather3A_2402, %select_n3A_2393 : vector<16xi32>
      %and3A_2406 = arith.andi %eq3A_2404, %lt3A_2405 : vector<16xi1>
      %or3A_2407 = arith.ori %lt3A_2403, %and3A_2406 : vector<16xi1>
      %select_n3A_2408 = arith.select %or3A_2407, %gather3A_2399, %select_n3A_2392 : vector<16xi1>, vector<16xf32>
      %select_n3A_2409 = arith.select %or3A_2407, %gather3A_2402, %select_n3A_2393 : vector<16xi1>, vector<16xi32>
      %eq3A_2410 = arith.constant 14 : i32
      %eq3A_2411 = vector.broadcast %eq3A_2410 : i32 to vector<16xi32>
      %eq3A_2412 = arith.cmpi eq, %iota3A, %eq3A_2411 : vector<16xi32>
      %select_n3A_2413 = arith.select %eq3A_2412, %select_n3A_2408, %select_n3A_2252 : vector<16xi1>, vector<16xf32>
      %select_n3A_2414 = arith.select %eq3A_2412, %select_n3A_2409, %select_n3A_2253 : vector<16xi1>, vector<16xi32>
      %broadcast_in_dim3A_2415 = arith.constant 3.400000e+38 : f32
      %broadcast_in_dim3A_2416 = vector.broadcast %broadcast_in_dim3A_2415 : f32 to vector<16xf32>
      %broadcast_in_dim3A_2417 = arith.constant 0 : i32
      %broadcast_in_dim3A_2418 = vector.broadcast %broadcast_in_dim3A_2417 : i32 to vector<16xi32>
      %get3A_2419 = arith.constant 15 : i32
      %get3A_2420 = arith.index_cast %get3A_2419 : i32 to index
      %get3A_2421 = arith.constant 0 : index
      %get3A_2422 = tpu.vector_load %arg5[%get3A_2420, %get3A_2421] {strides = array<i32>} : memref<16x128xf32, #tpu.memory_space<vmem>>, vector<1x16xf32>,
      %get3A_2423 = vector.shape_cast %get3A_2422 : vector<1x16xf32> to vector<16xf32>
      %lt3A_2424 = arith.cmpf olt, %get3A_2423, %broadcast_in_dim3A_2416 : vector<16xf32>
      %select_n3A_2425 = arith.select %lt3A_2424, %get3A_2423, %broadcast_in_dim3A_2416 : vector<16xi1>, vector<16xf32>
      %add3A_2426 = arith.constant 0 : i32
      %add3A_2427 = vector.broadcast %add3A_2426 : i32 to vector<16xi32>
      %add3A_2428 = arith.addi %iota3A, %add3A_2427 : vector<16xi32>
      %select_n3A_2429 = arith.select %lt3A_2424, %add3A_2428, %broadcast_in_dim3A_2418 : vector<16xi1>, vector<16xi32>
      %get3A_2430 = arith.constant 15 : i32
      %get3A_2431 = arith.index_cast %get3A_2430 : i32 to index
      %get3A_2432 = arith.constant 16 : index
      %get3A_2433 = tpu.vector_load %arg5[%get3A_2431, %get3A_2432] {strides = array<i32>} : memref<16x128xf32, #tpu.memory_space<vmem>>, vector<1x16xf32>,
      %get3A_2434 = vector.shape_cast %get3A_2433 : vector<1x16xf32> to vector<16xf32>
      %lt3A_2435 = arith.cmpf olt, %get3A_2434, %select_n3A_2425 : vector<16xf32>
      %select_n3A_2436 = arith.select %lt3A_2435, %get3A_2434, %select_n3A_2425 : vector<16xi1>, vector<16xf32>
      %add3A_2437 = arith.constant 16 : i32
      %add3A_2438 = vector.broadcast %add3A_2437 : i32 to vector<16xi32>
      %add3A_2439 = arith.addi %iota3A, %add3A_2438 : vector<16xi32>
      %select_n3A_2440 = arith.select %lt3A_2435, %add3A_2439, %select_n3A_2429 : vector<16xi1>, vector<16xi32>
      %get3A_2441 = arith.constant 15 : i32
      %get3A_2442 = arith.index_cast %get3A_2441 : i32 to index
      %get3A_2443 = arith.constant 32 : index
      %get3A_2444 = tpu.vector_load %arg5[%get3A_2442, %get3A_2443] {strides = array<i32>} : memref<16x128xf32, #tpu.memory_space<vmem>>, vector<1x16xf32>,
      %get3A_2445 = vector.shape_cast %get3A_2444 : vector<1x16xf32> to vector<16xf32>
      %lt3A_2446 = arith.cmpf olt, %get3A_2445, %select_n3A_2436 : vector<16xf32>
      %select_n3A_2447 = arith.select %lt3A_2446, %get3A_2445, %select_n3A_2436 : vector<16xi1>, vector<16xf32>
      %add3A_2448 = arith.constant 32 : i32
      %add3A_2449 = vector.broadcast %add3A_2448 : i32 to vector<16xi32>
      %add3A_2450 = arith.addi %iota3A, %add3A_2449 : vector<16xi32>
      %select_n3A_2451 = arith.select %lt3A_2446, %add3A_2450, %select_n3A_2440 : vector<16xi1>, vector<16xi32>
      %get3A_2452 = arith.constant 15 : i32
      %get3A_2453 = arith.index_cast %get3A_2452 : i32 to index
      %get3A_2454 = arith.constant 48 : index
      %get3A_2455 = tpu.vector_load %arg5[%get3A_2453, %get3A_2454] {strides = array<i32>} : memref<16x128xf32, #tpu.memory_space<vmem>>, vector<1x16xf32>,
      %get3A_2456 = vector.shape_cast %get3A_2455 : vector<1x16xf32> to vector<16xf32>
      %lt3A_2457 = arith.cmpf olt, %get3A_2456, %select_n3A_2447 : vector<16xf32>
      %select_n3A_2458 = arith.select %lt3A_2457, %get3A_2456, %select_n3A_2447 : vector<16xi1>, vector<16xf32>
      %add3A_2459 = arith.constant 48 : i32
      %add3A_2460 = vector.broadcast %add3A_2459 : i32 to vector<16xi32>
      %add3A_2461 = arith.addi %iota3A, %add3A_2460 : vector<16xi32>
      %select_n3A_2462 = arith.select %lt3A_2457, %add3A_2461, %select_n3A_2451 : vector<16xi1>, vector<16xi32>
      %get3A_2463 = arith.constant 15 : i32
      %get3A_2464 = arith.index_cast %get3A_2463 : i32 to index
      %get3A_2465 = arith.constant 64 : index
      %get3A_2466 = tpu.vector_load %arg5[%get3A_2464, %get3A_2465] {strides = array<i32>} : memref<16x128xf32, #tpu.memory_space<vmem>>, vector<1x16xf32>,
      %get3A_2467 = vector.shape_cast %get3A_2466 : vector<1x16xf32> to vector<16xf32>
      %lt3A_2468 = arith.cmpf olt, %get3A_2467, %select_n3A_2458 : vector<16xf32>
      %select_n3A_2469 = arith.select %lt3A_2468, %get3A_2467, %select_n3A_2458 : vector<16xi1>, vector<16xf32>
      %add3A_2470 = arith.constant 64 : i32
      %add3A_2471 = vector.broadcast %add3A_2470 : i32 to vector<16xi32>
      %add3A_2472 = arith.addi %iota3A, %add3A_2471 : vector<16xi32>
      %select_n3A_2473 = arith.select %lt3A_2468, %add3A_2472, %select_n3A_2462 : vector<16xi1>, vector<16xi32>
      %get3A_2474 = arith.constant 15 : i32
      %get3A_2475 = arith.index_cast %get3A_2474 : i32 to index
      %get3A_2476 = arith.constant 80 : index
      %get3A_2477 = tpu.vector_load %arg5[%get3A_2475, %get3A_2476] {strides = array<i32>} : memref<16x128xf32, #tpu.memory_space<vmem>>, vector<1x16xf32>,
      %get3A_2478 = vector.shape_cast %get3A_2477 : vector<1x16xf32> to vector<16xf32>
      %lt3A_2479 = arith.cmpf olt, %get3A_2478, %select_n3A_2469 : vector<16xf32>
      %select_n3A_2480 = arith.select %lt3A_2479, %get3A_2478, %select_n3A_2469 : vector<16xi1>, vector<16xf32>
      %add3A_2481 = arith.constant 80 : i32
      %add3A_2482 = vector.broadcast %add3A_2481 : i32 to vector<16xi32>
      %add3A_2483 = arith.addi %iota3A, %add3A_2482 : vector<16xi32>
      %select_n3A_2484 = arith.select %lt3A_2479, %add3A_2483, %select_n3A_2473 : vector<16xi1>, vector<16xi32>
      %get3A_2485 = arith.constant 15 : i32
      %get3A_2486 = arith.index_cast %get3A_2485 : i32 to index
      %get3A_2487 = arith.constant 96 : index
      %get3A_2488 = tpu.vector_load %arg5[%get3A_2486, %get3A_2487] {strides = array<i32>} : memref<16x128xf32, #tpu.memory_space<vmem>>, vector<1x16xf32>,
      %get3A_2489 = vector.shape_cast %get3A_2488 : vector<1x16xf32> to vector<16xf32>
      %lt3A_2490 = arith.cmpf olt, %get3A_2489, %select_n3A_2480 : vector<16xf32>
      %select_n3A_2491 = arith.select %lt3A_2490, %get3A_2489, %select_n3A_2480 : vector<16xi1>, vector<16xf32>
      %add3A_2492 = arith.constant 96 : i32
      %add3A_2493 = vector.broadcast %add3A_2492 : i32 to vector<16xi32>
      %add3A_2494 = arith.addi %iota3A, %add3A_2493 : vector<16xi32>
      %select_n3A_2495 = arith.select %lt3A_2490, %add3A_2494, %select_n3A_2484 : vector<16xi1>, vector<16xi32>
      %get3A_2496 = arith.constant 15 : i32
      %get3A_2497 = arith.index_cast %get3A_2496 : i32 to index
      %get3A_2498 = arith.constant 112 : index
      %get3A_2499 = tpu.vector_load %arg5[%get3A_2497, %get3A_2498] {strides = array<i32>} : memref<16x128xf32, #tpu.memory_space<vmem>>, vector<1x16xf32>,
      %get3A_2500 = vector.shape_cast %get3A_2499 : vector<1x16xf32> to vector<16xf32>
      %lt3A_2501 = arith.cmpf olt, %get3A_2500, %select_n3A_2491 : vector<16xf32>
      %select_n3A_2502 = arith.select %lt3A_2501, %get3A_2500, %select_n3A_2491 : vector<16xi1>, vector<16xf32>
      %add3A_2503 = arith.constant 112 : i32
      %add3A_2504 = vector.broadcast %add3A_2503 : i32 to vector<16xi32>
      %add3A_2505 = arith.addi %iota3A, %add3A_2504 : vector<16xi32>
      %select_n3A_2506 = arith.select %lt3A_2501, %add3A_2505, %select_n3A_2495 : vector<16xi1>, vector<16xi32>
      %xor3A_2507 = arith.constant 1 : i32
      %xor3A_2508 = vector.broadcast %xor3A_2507 : i32 to vector<16xi32>
      %xor3A_2509 = arith.xori %iota3A, %xor3A_2508 : vector<16xi32>
      %broadcast_in_dim3A_2510 = vector.shape_cast %xor3A_2509 : vector<16xi32> to vector<16x1xi32>
      %gather3A_2511 = vector.shape_cast %broadcast_in_dim3A_2510 : vector<16x1xi32> to vector<16xi32>
      %gather3A_2512 = tpu.dynamic_gather %select_n3A_2502[%gather3A_2511] in [0] : vector<16xf32>, vector<16xi32> -> vector<16xf32>
      %broadcast_in_dim3A_2513 = vector.shape_cast %xor3A_2509 : vector<16xi32> to vector<16x1xi32>
      %gather3A_2514 = vector.shape_cast %broadcast_in_dim3A_2513 : vector<16x1xi32> to vector<16xi32>
      %gather3A_2515 = tpu.dynamic_gather %select_n3A_2506[%gather3A_2514] in [0] : vector<16xi32>, vector<16xi32> -> vector<16xi32>
      %lt3A_2516 = arith.cmpf olt, %gather3A_2512, %select_n3A_2502 : vector<16xf32>
      %eq3A_2517 = arith.cmpf oeq, %gather3A_2512, %select_n3A_2502 : vector<16xf32>
      %lt3A_2518 = arith.cmpi slt, %gather3A_2515, %select_n3A_2506 : vector<16xi32>
      %and3A_2519 = arith.andi %eq3A_2517, %lt3A_2518 : vector<16xi1>
      %or3A_2520 = arith.ori %lt3A_2516, %and3A_2519 : vector<16xi1>
      %select_n3A_2521 = arith.select %or3A_2520, %gather3A_2512, %select_n3A_2502 : vector<16xi1>, vector<16xf32>
      %select_n3A_2522 = arith.select %or3A_2520, %gather3A_2515, %select_n3A_2506 : vector<16xi1>, vector<16xi32>
      %xor3A_2523 = arith.constant 2 : i32
      %xor3A_2524 = vector.broadcast %xor3A_2523 : i32 to vector<16xi32>
      %xor3A_2525 = arith.xori %iota3A, %xor3A_2524 : vector<16xi32>
      %broadcast_in_dim3A_2526 = vector.shape_cast %xor3A_2525 : vector<16xi32> to vector<16x1xi32>
      %gather3A_2527 = vector.shape_cast %broadcast_in_dim3A_2526 : vector<16x1xi32> to vector<16xi32>
      %gather3A_2528 = tpu.dynamic_gather %select_n3A_2521[%gather3A_2527] in [0] : vector<16xf32>, vector<16xi32> -> vector<16xf32>
      %broadcast_in_dim3A_2529 = vector.shape_cast %xor3A_2525 : vector<16xi32> to vector<16x1xi32>
      %gather3A_2530 = vector.shape_cast %broadcast_in_dim3A_2529 : vector<16x1xi32> to vector<16xi32>
      %gather3A_2531 = tpu.dynamic_gather %select_n3A_2522[%gather3A_2530] in [0] : vector<16xi32>, vector<16xi32> -> vector<16xi32>
      %lt3A_2532 = arith.cmpf olt, %gather3A_2528, %select_n3A_2521 : vector<16xf32>
      %eq3A_2533 = arith.cmpf oeq, %gather3A_2528, %select_n3A_2521 : vector<16xf32>
      %lt3A_2534 = arith.cmpi slt, %gather3A_2531, %select_n3A_2522 : vector<16xi32>
      %and3A_2535 = arith.andi %eq3A_2533, %lt3A_2534 : vector<16xi1>
      %or3A_2536 = arith.ori %lt3A_2532, %and3A_2535 : vector<16xi1>
      %select_n3A_2537 = arith.select %or3A_2536, %gather3A_2528, %select_n3A_2521 : vector<16xi1>, vector<16xf32>
      %select_n3A_2538 = arith.select %or3A_2536, %gather3A_2531, %select_n3A_2522 : vector<16xi1>, vector<16xi32>
      %xor3A_2539 = arith.constant 4 : i32
      %xor3A_2540 = vector.broadcast %xor3A_2539 : i32 to vector<16xi32>
      %xor3A_2541 = arith.xori %iota3A, %xor3A_2540 : vector<16xi32>
      %broadcast_in_dim3A_2542 = vector.shape_cast %xor3A_2541 : vector<16xi32> to vector<16x1xi32>
      %gather3A_2543 = vector.shape_cast %broadcast_in_dim3A_2542 : vector<16x1xi32> to vector<16xi32>
      %gather3A_2544 = tpu.dynamic_gather %select_n3A_2537[%gather3A_2543] in [0] : vector<16xf32>, vector<16xi32> -> vector<16xf32>
      %broadcast_in_dim3A_2545 = vector.shape_cast %xor3A_2541 : vector<16xi32> to vector<16x1xi32>
      %gather3A_2546 = vector.shape_cast %broadcast_in_dim3A_2545 : vector<16x1xi32> to vector<16xi32>
      %gather3A_2547 = tpu.dynamic_gather %select_n3A_2538[%gather3A_2546] in [0] : vector<16xi32>, vector<16xi32> -> vector<16xi32>
      %lt3A_2548 = arith.cmpf olt, %gather3A_2544, %select_n3A_2537 : vector<16xf32>
      %eq3A_2549 = arith.cmpf oeq, %gather3A_2544, %select_n3A_2537 : vector<16xf32>
      %lt3A_2550 = arith.cmpi slt, %gather3A_2547, %select_n3A_2538 : vector<16xi32>
      %and3A_2551 = arith.andi %eq3A_2549, %lt3A_2550 : vector<16xi1>
      %or3A_2552 = arith.ori %lt3A_2548, %and3A_2551 : vector<16xi1>
      %select_n3A_2553 = arith.select %or3A_2552, %gather3A_2544, %select_n3A_2537 : vector<16xi1>, vector<16xf32>
      %select_n3A_2554 = arith.select %or3A_2552, %gather3A_2547, %select_n3A_2538 : vector<16xi1>, vector<16xi32>
      %xor3A_2555 = arith.constant 8 : i32
      %xor3A_2556 = vector.broadcast %xor3A_2555 : i32 to vector<16xi32>
      %xor3A_2557 = arith.xori %iota3A, %xor3A_2556 : vector<16xi32>
      %broadcast_in_dim3A_2558 = vector.shape_cast %xor3A_2557 : vector<16xi32> to vector<16x1xi32>
      %gather3A_2559 = vector.shape_cast %broadcast_in_dim3A_2558 : vector<16x1xi32> to vector<16xi32>
      %gather3A_2560 = tpu.dynamic_gather %select_n3A_2553[%gather3A_2559] in [0] : vector<16xf32>, vector<16xi32> -> vector<16xf32>
      %broadcast_in_dim3A_2561 = vector.shape_cast %xor3A_2557 : vector<16xi32> to vector<16x1xi32>
      %gather3A_2562 = vector.shape_cast %broadcast_in_dim3A_2561 : vector<16x1xi32> to vector<16xi32>
      %gather3A_2563 = tpu.dynamic_gather %select_n3A_2554[%gather3A_2562] in [0] : vector<16xi32>, vector<16xi32> -> vector<16xi32>
      %lt3A_2564 = arith.cmpf olt, %gather3A_2560, %select_n3A_2553 : vector<16xf32>
      %eq3A_2565 = arith.cmpf oeq, %gather3A_2560, %select_n3A_2553 : vector<16xf32>
      %lt3A_2566 = arith.cmpi slt, %gather3A_2563, %select_n3A_2554 : vector<16xi32>
      %and3A_2567 = arith.andi %eq3A_2565, %lt3A_2566 : vector<16xi1>
      %or3A_2568 = arith.ori %lt3A_2564, %and3A_2567 : vector<16xi1>
      %select_n3A_2569 = arith.select %or3A_2568, %gather3A_2560, %select_n3A_2553 : vector<16xi1>, vector<16xf32>
      %select_n3A_2570 = arith.select %or3A_2568, %gather3A_2563, %select_n3A_2554 : vector<16xi1>, vector<16xi32>
      %eq3A_2571 = arith.constant 15 : i32
      %eq3A_2572 = vector.broadcast %eq3A_2571 : i32 to vector<16xi32>
      %eq3A_2573 = arith.cmpi eq, %iota3A, %eq3A_2572 : vector<16xi32>
      %select_n3A_2574 = arith.select %eq3A_2573, %select_n3A_2569, %select_n3A_2413 : vector<16xi1>, vector<16xf32>
      %select_n3A_2575 = arith.select %eq3A_2573, %select_n3A_2570, %select_n3A_2414 : vector<16xi1>, vector<16xi32>
      %swap3A = arith.constant 0 : index
      %swap3A_2576 = tpu.vector_load %arg6[%swap3A] {strides = array<i32>} : memref<16xf32, #tpu.memory_space<vmem>>, vector<16xf32>,
      %swap3A_2577 = vector.shape_cast %swap3A_2576 : vector<16xf32> to vector<16xf32>
      %swap3A_2578 = vector.shape_cast %select_n3A_2574 : vector<16xf32> to vector<16xf32>
      tpu.vector_store %arg6[%swap3A], %swap3A_2578 {strides = array<i32>} : memref<16xf32, #tpu.memory_space<vmem>>, vector<16xf32>,
      %swap3A_2579 = arith.constant 0 : index
      %swap3A_2580 = tpu.vector_load %arg7[%swap3A_2579] {strides = array<i32>} : memref<16xi32, #tpu.memory_space<vmem>>, vector<16xi32>,
      %swap3A_2581 = vector.shape_cast %swap3A_2580 : vector<16xi32> to vector<16xi32>
      %swap3A_2582 = vector.shape_cast %select_n3A_2575 : vector<16xi32> to vector<16xi32>
      tpu.vector_store %arg7[%swap3A_2579], %swap3A_2582 {strides = array<i32>} : memref<16xi32, #tpu.memory_space<vmem>>, vector<16xi32>,
      "tpu.region"() ({
        %run_scoped3A = tpu.sem_alloc : memref<!tpu.dma_semaphore, #tpu.memory_space<semaphore_mem>>
        tpu.enqueue_dma source(%arg6 : memref<16xf32, #tpu.memory_space<vmem>>) target(%arg3 : memref<16xf32, #tpu.memory_space<hbm>>) target_semaphore(%run_scoped3A : memref<!tpu.dma_semaphore, #tpu.memory_space<semaphore_mem>>)
        tpu.wait_dma2 semaphore(%run_scoped3A : memref<!tpu.dma_semaphore, #tpu.memory_space<semaphore_mem>>) src(%arg6 : memref<16xf32, #tpu.memory_space<vmem>>) dst(%arg3 : memref<16xf32, #tpu.memory_space<hbm>>)
        tpu.yield
      }) : () -> ()
      "tpu.region"() ({
        %run_scoped3A = tpu.sem_alloc : memref<!tpu.dma_semaphore, #tpu.memory_space<semaphore_mem>>
        tpu.enqueue_dma source(%arg7 : memref<16xi32, #tpu.memory_space<vmem>>) target(%arg4 : memref<16xi32, #tpu.memory_space<hbm>>) target_semaphore(%run_scoped3A : memref<!tpu.dma_semaphore, #tpu.memory_space<semaphore_mem>>)
        tpu.wait_dma2 semaphore(%run_scoped3A : memref<!tpu.dma_semaphore, #tpu.memory_space<semaphore_mem>>) src(%arg7 : memref<16xi32, #tpu.memory_space<vmem>>) dst(%arg4 : memref<16xi32, #tpu.memory_space<hbm>>)
        tpu.yield
      }) : () -> ()
    } else {
    }
    return
  }
}

module attributes {stable_mosaic.version = 14 : i64} {
  func.func @_body(%arg0: i32, %arg1: memref<16x16x768xf32, #tpu.memory_space<vmem>>, %arg2: memref<100x16x768xf32, #tpu.memory_space<vmem>>, %arg3: memref<16x128xf32, #tpu.memory_space<vmem>>, %arg4: memref<256x1600xf32, #tpu.memory_space<vmem>>, %arg5: memref<100x16x768xf32, #tpu.memory_space<vmem>>, %arg6: memref<16x16x768xf32, #tpu.memory_space<vmem>>) attributes {dimension_semantics = [#tpu.dimension_semantics<arbitrary>], iteration_bounds = array<i64: 13>, scalar_prefetch = 0 : i64, scratch_operands = 3 : i64, tpu.core_type = #tpu.core_type<tc>, window_params = [{transform_indices = @transform_0, window_bounds = array<i64: 16, 16, 768>}, {transform_indices = @transform_1, window_bounds = array<i64: 100, 16, 768>}, {pipeline_mode = #tpu.pipeline_mode<synchronous>, transform_indices = @transform_2, window_bounds = array<i64: 16, 128>}]} {
    %eq3A = arith.constant 0 : i32
    %eq3A_0 = arith.cmpi eq, %arg0, %eq3A : i32
    %convert_element_type3A = arith.extui %eq3A_0 : i1 to i32
    %cond3A = arith.constant 0 : i32
    %cond3A_1 = arith.cmpi ne, %convert_element_type3A, %cond3A : i32
    scf.if %cond3A_1 {
      %broadcast_in_dim3A = arith.constant 0.000000e+00 : f32
      %broadcast_in_dim3A_11 = vector.broadcast %broadcast_in_dim3A : f32 to vector<256x1600xf32>
      %swap3A = arith.constant 0 : index
      %swap3A_12 = arith.constant 0 : index
      %swap3A_13 = vector.load %arg4[%swap3A, %swap3A_12] : memref<256x1600xf32, #tpu.memory_space<vmem>>, vector<256x1600xf32>
      tpu.vector_store %arg4[%swap3A, %swap3A_12], %broadcast_in_dim3A_11 {strides = array<i32>} : memref<256x1600xf32, #tpu.memory_space<vmem>>, vector<256x1600xf32>,
      %broadcast_in_dim3A_14 = arith.constant 0.000000e+00 : f32
      %broadcast_in_dim3A_15 = vector.broadcast %broadcast_in_dim3A_14 : f32 to vector<100x16x768xf32>
      %swap3A_16 = arith.constant 0 : index
      %swap3A_17 = arith.constant 0 : index
      %swap3A_18 = arith.constant 0 : index
      %swap3A_19 = vector.load %arg5[%swap3A_16, %swap3A_17, %swap3A_18] : memref<100x16x768xf32, #tpu.memory_space<vmem>>, vector<100x16x768xf32>
      tpu.vector_store %arg5[%swap3A_16, %swap3A_17, %swap3A_18], %broadcast_in_dim3A_15 {strides = array<i32>} : memref<100x16x768xf32, #tpu.memory_space<vmem>>, vector<100x16x768xf32>,
      %broadcast_in_dim3A_20 = arith.constant 0.000000e+00 : f32
      %broadcast_in_dim3A_21 = vector.broadcast %broadcast_in_dim3A_20 : f32 to vector<16x16x768xf32>
      %swap3A_22 = arith.constant 0 : index
      %swap3A_23 = arith.constant 0 : index
      %swap3A_24 = arith.constant 0 : index
      %swap3A_25 = vector.load %arg6[%swap3A_22, %swap3A_23, %swap3A_24] : memref<16x16x768xf32, #tpu.memory_space<vmem>>, vector<16x16x768xf32>
      tpu.vector_store %arg6[%swap3A_22, %swap3A_23, %swap3A_24], %broadcast_in_dim3A_21 {strides = array<i32>} : memref<16x16x768xf32, #tpu.memory_space<vmem>>, vector<16x16x768xf32>,
    } else {
    }
    %lt3A = arith.constant 12 : i32
    %lt3A_2 = arith.cmpi slt, %arg0, %lt3A : i32
    %convert_element_type3A_3 = arith.extui %lt3A_2 : i1 to i32
    %cond3A_4 = arith.constant 0 : i32
    %cond3A_5 = arith.cmpi ne, %convert_element_type3A_3, %cond3A_4 : i32
    scf.if %cond3A_5 {
      %get3A = arith.constant 0 : index
      %get3A_11 = arith.constant 0 : index
      %get3A_12 = arith.constant 0 : index
      %get3A_13 = vector.load %arg1[%get3A, %get3A_11, %get3A_12] : memref<16x16x768xf32, #tpu.memory_space<vmem>>, vector<16x16x768xf32>
      %get3A_14 = arith.constant 0 : index
      %get3A_15 = arith.constant 0 : index
      %get3A_16 = arith.constant 0 : index
      %get3A_17 = vector.load %arg2[%get3A_14, %get3A_15, %get3A_16] : memref<100x16x768xf32, #tpu.memory_space<vmem>>, vector<100x16x768xf32>
      %reshape3A = vector.shape_cast %get3A_13 : vector<16x16x768xf32> to vector<256x768xf32>
      %reshape3A_18 = vector.shape_cast %get3A_17 : vector<100x16x768xf32> to vector<1600x768xf32>
      %convert_element_type3A_19 = arith.truncf %reshape3A : vector<256x768xf32> to vector<256x768xbf16>
      %convert_element_type3A_20 = arith.extf %convert_element_type3A_19 : vector<256x768xbf16> to vector<256x768xf32>
      %sub3A = arith.subf %reshape3A, %convert_element_type3A_20 : vector<256x768xf32>
      %convert_element_type3A_21 = arith.truncf %sub3A : vector<256x768xf32> to vector<256x768xbf16>
      %convert_element_type3A_22 = arith.truncf %reshape3A_18 : vector<1600x768xf32> to vector<1600x768xbf16>
      %convert_element_type3A_23 = arith.extf %convert_element_type3A_22 : vector<1600x768xbf16> to vector<1600x768xf32>
      %sub3A_24 = arith.subf %reshape3A_18, %convert_element_type3A_23 : vector<1600x768xf32>
      %convert_element_type3A_25 = arith.truncf %sub3A_24 : vector<1600x768xf32> to vector<1600x768xbf16>
      %get3A_26 = arith.constant 0 : index
      %get3A_27 = arith.constant 0 : index
      %get3A_28 = vector.load %arg4[%get3A_26, %get3A_27] : memref<256x1600xf32, #tpu.memory_space<vmem>>, vector<256x1600xf32>
      %dot_general3A = arith.constant dense<0.000000e+00> : vector<256x1600xf32>
      %dot_general3A_29 = tpu.matmul %convert_element_type3A_19, %convert_element_type3A_22, %dot_general3A {dimension_numbers = #tpu.dot_dimension_numbers<[1], [1], [0], [0], [0, 0, 1, 0], [], []>, transpose_lhs_hint = false} : vector<256x768xbf16>, vector<1600x768xbf16>, vector<256x1600xf32> -> vector<256x1600xf32>
      %dot_general3A_30 = arith.constant dense<0.000000e+00> : vector<256x1600xf32>
      %dot_general3A_31 = tpu.matmul %convert_element_type3A_19, %convert_element_type3A_25, %dot_general3A_30 {dimension_numbers = #tpu.dot_dimension_numbers<[1], [1], [0], [0], [0, 0, 1, 0], [], []>, transpose_lhs_hint = false} : vector<256x768xbf16>, vector<1600x768xbf16>, vector<256x1600xf32> -> vector<256x1600xf32>
      %add3A = arith.addf %dot_general3A_29, %dot_general3A_31 : vector<256x1600xf32>
      %dot_general3A_32 = arith.constant dense<0.000000e+00> : vector<256x1600xf32>
      %dot_general3A_33 = tpu.matmul %convert_element_type3A_21, %convert_element_type3A_22, %dot_general3A_32 {dimension_numbers = #tpu.dot_dimension_numbers<[1], [1], [0], [0], [0, 0, 1, 0], [], []>, transpose_lhs_hint = false} : vector<256x768xbf16>, vector<1600x768xbf16>, vector<256x1600xf32> -> vector<256x1600xf32>
      %add3A_34 = arith.addf %add3A, %dot_general3A_33 : vector<256x1600xf32>
      %add3A_35 = arith.addf %get3A_28, %add3A_34 : vector<256x1600xf32>
      %swap3A = arith.constant 0 : index
      %swap3A_36 = arith.constant 0 : index
      %swap3A_37 = vector.load %arg4[%swap3A, %swap3A_36] : memref<256x1600xf32, #tpu.memory_space<vmem>>, vector<256x1600xf32>
      tpu.vector_store %arg4[%swap3A, %swap3A_36], %add3A_35 {strides = array<i32>} : memref<256x1600xf32, #tpu.memory_space<vmem>>, vector<256x1600xf32>,
      %get3A_38 = arith.constant 0 : index
      %get3A_39 = arith.constant 0 : index
      %get3A_40 = arith.constant 0 : index
      %get3A_41 = vector.load %arg5[%get3A_38, %get3A_39, %get3A_40] : memref<100x16x768xf32, #tpu.memory_space<vmem>>, vector<100x16x768xf32>
      %mul3A = arith.mulf %get3A_17, %get3A_17 : vector<100x16x768xf32>
      %add3A_42 = arith.addf %get3A_41, %mul3A : vector<100x16x768xf32>
      %swap3A_43 = arith.constant 0 : index
      %swap3A_44 = arith.constant 0 : index
      %swap3A_45 = arith.constant 0 : index
      %swap3A_46 = vector.load %arg5[%swap3A_43, %swap3A_44, %swap3A_45] : memref<100x16x768xf32, #tpu.memory_space<vmem>>, vector<100x16x768xf32>
      tpu.vector_store %arg5[%swap3A_43, %swap3A_44, %swap3A_45], %add3A_42 {strides = array<i32>} : memref<100x16x768xf32, #tpu.memory_space<vmem>>, vector<100x16x768xf32>,
      %get3A_47 = arith.constant 0 : index
      %get3A_48 = arith.constant 0 : index
      %get3A_49 = arith.constant 0 : index
      %get3A_50 = vector.load %arg6[%get3A_47, %get3A_48, %get3A_49] : memref<16x16x768xf32, #tpu.memory_space<vmem>>, vector<16x16x768xf32>
      %mul3A_51 = arith.mulf %get3A_13, %get3A_13 : vector<16x16x768xf32>
      %add3A_52 = arith.addf %get3A_50, %mul3A_51 : vector<16x16x768xf32>
      %swap3A_53 = arith.constant 0 : index
      %swap3A_54 = arith.constant 0 : index
      %swap3A_55 = arith.constant 0 : index
      %swap3A_56 = vector.load %arg6[%swap3A_53, %swap3A_54, %swap3A_55] : memref<16x16x768xf32, #tpu.memory_space<vmem>>, vector<16x16x768xf32>
      tpu.vector_store %arg6[%swap3A_53, %swap3A_54, %swap3A_55], %add3A_52 {strides = array<i32>} : memref<16x16x768xf32, #tpu.memory_space<vmem>>, vector<16x16x768xf32>,
    } else {
    }
    %eq3A_6 = arith.constant 12 : i32
    %eq3A_7 = arith.cmpi eq, %arg0, %eq3A_6 : i32
    %convert_element_type3A_8 = arith.extui %eq3A_7 : i1 to i32
    %cond3A_9 = arith.constant 0 : i32
    %cond3A_10 = arith.cmpi ne, %convert_element_type3A_8, %cond3A_9 : i32
    scf.if %cond3A_10 {
      %broadcast_in_dim3A = arith.constant 0.000000e+00 : f32
      %broadcast_in_dim3A_11 = vector.broadcast %broadcast_in_dim3A : f32 to vector<16x100xf32>
      %broadcast_in_dim3A_12 = arith.constant 0.000000e+00 : f32
      %broadcast_in_dim3A_13 = vector.broadcast %broadcast_in_dim3A_12 : f32 to vector<100x768xf32>
      %broadcast_in_dim3A_14 = arith.constant 0.000000e+00 : f32
      %broadcast_in_dim3A_15 = vector.broadcast %broadcast_in_dim3A_14 : f32 to vector<16x768xf32>
      %get3A = arith.constant 0 : index
      %get3A_16 = arith.constant 0 : index
      %get3A_17 = arith.constant 0 : index
      %get3A_18 = vector.load %arg1[%get3A, %get3A_16, %get3A_17] : memref<16x16x768xf32, #tpu.memory_space<vmem>>, vector<1x16x768xf32>
      %get3A_19 = vector.shape_cast %get3A_18 : vector<1x16x768xf32> to vector<16x768xf32>
      %get3A_20 = arith.constant 0 : index
      %get3A_21 = arith.constant 0 : index
      %get3A_22 = arith.constant 0 : index
      %get3A_23 = vector.load %arg2[%get3A_20, %get3A_21, %get3A_22] : memref<100x16x768xf32, #tpu.memory_space<vmem>>, vector<100x1x768xf32>
      %get3A_24 = vector.shape_cast %get3A_23 : vector<100x1x768xf32> to vector<100x768xf32>
      %dot_general3A = arith.constant dense<0.000000e+00> : vector<16x100xf32>
      %dot_general3A_25 = tpu.matmul %get3A_19, %get3A_24, %dot_general3A {dimension_numbers = #tpu.dot_dimension_numbers<[1], [1], [0], [0], [0, 0, 1, 0], [], []>, precision = #tpu.contract_precision<fp32>, transpose_lhs_hint = false} : vector<16x768xf32>, vector<100x768xf32>, vector<16x100xf32> -> vector<16x100xf32>
      %add3A = arith.addf %broadcast_in_dim3A_11, %dot_general3A_25 : vector<16x100xf32>
      %mul3A = arith.mulf %get3A_24, %get3A_24 : vector<100x768xf32>
      %add3A_26 = arith.addf %broadcast_in_dim3A_13, %mul3A : vector<100x768xf32>
      %mul3A_27 = arith.mulf %get3A_19, %get3A_19 : vector<16x768xf32>
      %add3A_28 = arith.addf %broadcast_in_dim3A_15, %mul3A_27 : vector<16x768xf32>
      %get3A_29 = arith.constant 1 : index
      %get3A_30 = arith.constant 0 : index
      %get3A_31 = arith.constant 0 : index
      %get3A_32 = vector.load %arg1[%get3A_29, %get3A_30, %get3A_31] : memref<16x16x768xf32, #tpu.memory_space<vmem>>, vector<1x16x768xf32>
      %get3A_33 = vector.shape_cast %get3A_32 : vector<1x16x768xf32> to vector<16x768xf32>
      %get3A_34 = arith.constant 0 : index
      %get3A_35 = arith.constant 1 : index
      %get3A_36 = arith.constant 0 : index
      %get3A_37 = vector.load %arg2[%get3A_34, %get3A_35, %get3A_36] : memref<100x16x768xf32, #tpu.memory_space<vmem>>, vector<100x1x768xf32>
      %get3A_38 = vector.shape_cast %get3A_37 : vector<100x1x768xf32> to vector<100x768xf32>
      %dot_general3A_39 = arith.constant dense<0.000000e+00> : vector<16x100xf32>
      %dot_general3A_40 = tpu.matmul %get3A_33, %get3A_38, %dot_general3A_39 {dimension_numbers = #tpu.dot_dimension_numbers<[1], [1], [0], [0], [0, 0, 1, 0], [], []>, precision = #tpu.contract_precision<fp32>, transpose_lhs_hint = false} : vector<16x768xf32>, vector<100x768xf32>, vector<16x100xf32> -> vector<16x100xf32>
      %add3A_41 = arith.addf %add3A, %dot_general3A_40 : vector<16x100xf32>
      %mul3A_42 = arith.mulf %get3A_38, %get3A_38 : vector<100x768xf32>
      %add3A_43 = arith.addf %add3A_26, %mul3A_42 : vector<100x768xf32>
      %mul3A_44 = arith.mulf %get3A_33, %get3A_33 : vector<16x768xf32>
      %add3A_45 = arith.addf %add3A_28, %mul3A_44 : vector<16x768xf32>
      %get3A_46 = arith.constant 2 : index
      %get3A_47 = arith.constant 0 : index
      %get3A_48 = arith.constant 0 : index
      %get3A_49 = vector.load %arg1[%get3A_46, %get3A_47, %get3A_48] : memref<16x16x768xf32, #tpu.memory_space<vmem>>, vector<1x16x768xf32>
      %get3A_50 = vector.shape_cast %get3A_49 : vector<1x16x768xf32> to vector<16x768xf32>
      %get3A_51 = arith.constant 0 : index
      %get3A_52 = arith.constant 2 : index
      %get3A_53 = arith.constant 0 : index
      %get3A_54 = vector.load %arg2[%get3A_51, %get3A_52, %get3A_53] : memref<100x16x768xf32, #tpu.memory_space<vmem>>, vector<100x1x768xf32>
      %get3A_55 = vector.shape_cast %get3A_54 : vector<100x1x768xf32> to vector<100x768xf32>
      %dot_general3A_56 = arith.constant dense<0.000000e+00> : vector<16x100xf32>
      %dot_general3A_57 = tpu.matmul %get3A_50, %get3A_55, %dot_general3A_56 {dimension_numbers = #tpu.dot_dimension_numbers<[1], [1], [0], [0], [0, 0, 1, 0], [], []>, precision = #tpu.contract_precision<fp32>, transpose_lhs_hint = false} : vector<16x768xf32>, vector<100x768xf32>, vector<16x100xf32> -> vector<16x100xf32>
      %add3A_58 = arith.addf %add3A_41, %dot_general3A_57 : vector<16x100xf32>
      %mul3A_59 = arith.mulf %get3A_55, %get3A_55 : vector<100x768xf32>
      %add3A_60 = arith.addf %add3A_43, %mul3A_59 : vector<100x768xf32>
      %mul3A_61 = arith.mulf %get3A_50, %get3A_50 : vector<16x768xf32>
      %add3A_62 = arith.addf %add3A_45, %mul3A_61 : vector<16x768xf32>
      %get3A_63 = arith.constant 3 : index
      %get3A_64 = arith.constant 0 : index
      %get3A_65 = arith.constant 0 : index
      %get3A_66 = vector.load %arg1[%get3A_63, %get3A_64, %get3A_65] : memref<16x16x768xf32, #tpu.memory_space<vmem>>, vector<1x16x768xf32>
      %get3A_67 = vector.shape_cast %get3A_66 : vector<1x16x768xf32> to vector<16x768xf32>
      %get3A_68 = arith.constant 0 : index
      %get3A_69 = arith.constant 3 : index
      %get3A_70 = arith.constant 0 : index
      %get3A_71 = vector.load %arg2[%get3A_68, %get3A_69, %get3A_70] : memref<100x16x768xf32, #tpu.memory_space<vmem>>, vector<100x1x768xf32>
      %get3A_72 = vector.shape_cast %get3A_71 : vector<100x1x768xf32> to vector<100x768xf32>
      %dot_general3A_73 = arith.constant dense<0.000000e+00> : vector<16x100xf32>
      %dot_general3A_74 = tpu.matmul %get3A_67, %get3A_72, %dot_general3A_73 {dimension_numbers = #tpu.dot_dimension_numbers<[1], [1], [0], [0], [0, 0, 1, 0], [], []>, precision = #tpu.contract_precision<fp32>, transpose_lhs_hint = false} : vector<16x768xf32>, vector<100x768xf32>, vector<16x100xf32> -> vector<16x100xf32>
      %add3A_75 = arith.addf %add3A_58, %dot_general3A_74 : vector<16x100xf32>
      %mul3A_76 = arith.mulf %get3A_72, %get3A_72 : vector<100x768xf32>
      %add3A_77 = arith.addf %add3A_60, %mul3A_76 : vector<100x768xf32>
      %mul3A_78 = arith.mulf %get3A_67, %get3A_67 : vector<16x768xf32>
      %add3A_79 = arith.addf %add3A_62, %mul3A_78 : vector<16x768xf32>
      %get3A_80 = arith.constant 0 : index
      %get3A_81 = arith.constant 0 : index
      %get3A_82 = vector.load %arg4[%get3A_80, %get3A_81] : memref<256x1600xf32, #tpu.memory_space<vmem>>, vector<256x1600xf32>
      %iota3A = tpu.iota {dimensions = array<i32: 0>} : vector<256x1600xi32>
      %iota3A_83 = tpu.iota {dimensions = array<i32: 1>} : vector<256x1600xi32>
      %jit3A = arith.constant 16 : i32
      %div3A = vector.broadcast %jit3A : i32 to vector<256x1600xi32>
      %div3A_84 = arith.divsi %iota3A, %div3A : vector<256x1600xi32>
      %sign3A = arith.constant 0 : i32
      %sign3A_85 = vector.broadcast %sign3A : i32 to vector<256x1600xi32>
      %sign3A_86 = arith.cmpi sgt, %iota3A, %sign3A_85 : vector<256x1600xi32>
      %sign3A_87 = arith.extui %sign3A_86 : vector<256x1600xi1> to vector<256x1600xi32>
      %sign3A_88 = arith.constant 0 : i32
      %sign3A_89 = vector.broadcast %sign3A_88 : i32 to vector<256x1600xi32>
      %sign3A_90 = arith.cmpi slt, %iota3A, %sign3A_89 : vector<256x1600xi32>
      %sign3A_91 = arith.extui %sign3A_90 : vector<256x1600xi1> to vector<256x1600xi32>
      %sign3A_92 = arith.subi %sign3A_87, %sign3A_91 : vector<256x1600xi32>
      %sign3A_93 = arith.constant 0 : i32
      %sign3A_94 = arith.cmpi sgt, %jit3A, %sign3A_93 : i32
      %sign3A_95 = arith.extui %sign3A_94 : i1 to i32
      %sign3A_96 = arith.constant 0 : i32
      %sign3A_97 = arith.cmpi slt, %jit3A, %sign3A_96 : i32
      %sign3A_98 = arith.extui %sign3A_97 : i1 to i32
      %sign3A_99 = arith.subi %sign3A_95, %sign3A_98 : i32
      %ne3A = vector.broadcast %sign3A_99 : i32 to vector<256x1600xi32>
      %ne3A_100 = arith.cmpi ne, %sign3A_92, %ne3A : vector<256x1600xi32>
      %rem3A = vector.broadcast %jit3A : i32 to vector<256x1600xi32>
      %rem3A_101 = arith.remsi %iota3A, %rem3A : vector<256x1600xi32>
      %ne3A_102 = arith.constant 0 : i32
      %ne3A_103 = vector.broadcast %ne3A_102 : i32 to vector<256x1600xi32>
      %ne3A_104 = arith.cmpi ne, %rem3A_101, %ne3A_103 : vector<256x1600xi32>
      %and3A = arith.andi %ne3A_100, %ne3A_104 : vector<256x1600xi1>
      %sub3A = arith.constant 1 : i32
      %sub3A_105 = vector.broadcast %sub3A : i32 to vector<256x1600xi32>
      %sub3A_106 = arith.subi %div3A_84, %sub3A_105 : vector<256x1600xi32>
      %select_n3A = arith.select %and3A, %sub3A_106, %div3A_84 : vector<256x1600xi1>, vector<256x1600xi32>
      %jit3A_107 = arith.constant 16 : i32
      %eq3A_108 = arith.constant 0 : i32
      %eq3A_109 = arith.cmpi eq, %jit3A_107, %eq3A_108 : i32
      %jit3A_110 = arith.constant 1 : i32
      %select_n3A_111 = arith.select %eq3A_109, %jit3A_110, %jit3A_107 : i32
      %rem3A_112 = vector.broadcast %select_n3A_111 : i32 to vector<256x1600xi32>
      %rem3A_113 = arith.remsi %iota3A_83, %rem3A_112 : vector<256x1600xi32>
      %ne3A_114 = arith.constant 0 : i32
      %ne3A_115 = vector.broadcast %ne3A_114 : i32 to vector<256x1600xi32>
      %ne3A_116 = arith.cmpi ne, %rem3A_113, %ne3A_115 : vector<256x1600xi32>
      %lt3A_117 = arith.constant 0 : i32
      %lt3A_118 = vector.broadcast %lt3A_117 : i32 to vector<256x1600xi32>
      %lt3A_119 = arith.cmpi slt, %rem3A_113, %lt3A_118 : vector<256x1600xi32>
      %lt3A_120 = arith.constant 0 : i32
      %lt3A_121 = arith.cmpi slt, %select_n3A_111, %lt3A_120 : i32
      %ne3A_122 = vector.broadcast %lt3A_121 : i1 to vector<256x1600xi1>
      %ne3A_123 = vector.broadcast %ne3A_122 : vector<256x1600xi1> to vector<256x1600xi1>
      %ne3A_124 = arith.xori %lt3A_119, %ne3A_123 : vector<256x1600xi1>
      %and3A_125 = arith.andi %ne3A_124, %ne3A_116 : vector<256x1600xi1>
      %add3A_126 = vector.broadcast %select_n3A_111 : i32 to vector<256x1600xi32>
      %add3A_127 = arith.addi %rem3A_113, %add3A_126 : vector<256x1600xi32>
      %select_n3A_128 = arith.select %and3A_125, %add3A_127, %rem3A_113 : vector<256x1600xi1>, vector<256x1600xi32>
      %eq3A_129 = arith.cmpi eq, %select_n3A, %select_n3A_128 : vector<256x1600xi32>
      %jit3A_130 = arith.constant 0.000000e+00 : f32
      %broadcast_in_dim3A_131 = vector.broadcast %jit3A_130 : f32 to vector<256x1600xf32>
      %select_n3A_132 = arith.select %eq3A_129, %get3A_82, %broadcast_in_dim3A_131 : vector<256x1600xi1>, vector<256x1600xf32>
      %iota3A_133 = tpu.iota {dimensions = array<i32: 0>} : vector<16x256xi32>
      %iota3A_134 = tpu.iota {dimensions = array<i32: 1>} : vector<16x256xi32>
      %jit3A_135 = arith.constant 16 : i32
      %eq3A_136 = arith.constant 0 : i32
      %eq3A_137 = arith.cmpi eq, %jit3A_135, %eq3A_136 : i32
      %jit3A_138 = arith.constant 1 : i32
      %select_n3A_139 = arith.select %eq3A_137, %jit3A_138, %jit3A_135 : i32
      %rem3A_140 = vector.broadcast %select_n3A_139 : i32 to vector<16x256xi32>
      %rem3A_141 = arith.remsi %iota3A_134, %rem3A_140 : vector<16x256xi32>
      %ne3A_142 = arith.constant 0 : i32
      %ne3A_143 = vector.broadcast %ne3A_142 : i32 to vector<16x256xi32>
      %ne3A_144 = arith.cmpi ne, %rem3A_141, %ne3A_143 : vector<16x256xi32>
      %lt3A_145 = arith.constant 0 : i32
      %lt3A_146 = vector.broadcast %lt3A_145 : i32 to vector<16x256xi32>
      %lt3A_147 = arith.cmpi slt, %rem3A_141, %lt3A_146 : vector<16x256xi32>
      %lt3A_148 = arith.constant 0 : i32
      %lt3A_149 = arith.cmpi slt, %select_n3A_139, %lt3A_148 : i32
      %ne3A_150 = vector.broadcast %lt3A_149 : i1 to vector<16x256xi1>
      %ne3A_151 = vector.broadcast %ne3A_150 : vector<16x256xi1> to vector<16x256xi1>
      %ne3A_152 = arith.xori %lt3A_147, %ne3A_151 : vector<16x256xi1>
      %and3A_153 = arith.andi %ne3A_152, %ne3A_144 : vector<16x256xi1>
      %add3A_154 = vector.broadcast %select_n3A_139 : i32 to vector<16x256xi32>
      %add3A_155 = arith.addi %rem3A_141, %add3A_154 : vector<16x256xi32>
      %select_n3A_156 = arith.select %and3A_153, %add3A_155, %rem3A_141 : vector<16x256xi1>, vector<16x256xi32>
      %eq3A_157 = arith.cmpi eq, %iota3A_133, %select_n3A_156 : vector<16x256xi32>
      %jit3A_158 = arith.constant 1.000000e+00 : f32
      %jit3A_159 = arith.constant 0.000000e+00 : f32
      %broadcast_in_dim3A_160 = vector.broadcast %jit3A_158 : f32 to vector<16x256xf32>
      %broadcast_in_dim3A_161 = vector.broadcast %jit3A_159 : f32 to vector<16x256xf32>
      %select_n3A_162 = arith.select %eq3A_157, %broadcast_in_dim3A_160, %broadcast_in_dim3A_161 : vector<16x256xi1>, vector<16x256xf32>
      %iota3A_163 = tpu.iota {dimensions = array<i32: 0>} : vector<1600x100xi32>
      %iota3A_164 = tpu.iota {dimensions = array<i32: 1>} : vector<1600x100xi32>
      %jit3A_165 = arith.constant 16 : i32
      %div3A_166 = vector.broadcast %jit3A_165 : i32 to vector<1600x100xi32>
      %div3A_167 = arith.divsi %iota3A_163, %div3A_166 : vector<1600x100xi32>
      %sign3A_168 = arith.constant 0 : i32
      %sign3A_169 = vector.broadcast %sign3A_168 : i32 to vector<1600x100xi32>
      %sign3A_170 = arith.cmpi sgt, %iota3A_163, %sign3A_169 : vector<1600x100xi32>
      %sign3A_171 = arith.extui %sign3A_170 : vector<1600x100xi1> to vector<1600x100xi32>
      %sign3A_172 = arith.constant 0 : i32
      %sign3A_173 = vector.broadcast %sign3A_172 : i32 to vector<1600x100xi32>
      %sign3A_174 = arith.cmpi slt, %iota3A_163, %sign3A_173 : vector<1600x100xi32>
      %sign3A_175 = arith.extui %sign3A_174 : vector<1600x100xi1> to vector<1600x100xi32>
      %sign3A_176 = arith.subi %sign3A_171, %sign3A_175 : vector<1600x100xi32>
      %sign3A_177 = arith.constant 0 : i32
      %sign3A_178 = arith.cmpi sgt, %jit3A_165, %sign3A_177 : i32
      %sign3A_179 = arith.extui %sign3A_178 : i1 to i32
      %sign3A_180 = arith.constant 0 : i32
      %sign3A_181 = arith.cmpi slt, %jit3A_165, %sign3A_180 : i32
      %sign3A_182 = arith.extui %sign3A_181 : i1 to i32
      %sign3A_183 = arith.subi %sign3A_179, %sign3A_182 : i32
      %ne3A_184 = vector.broadcast %sign3A_183 : i32 to vector<1600x100xi32>
      %ne3A_185 = arith.cmpi ne, %sign3A_176, %ne3A_184 : vector<1600x100xi32>
      %rem3A_186 = vector.broadcast %jit3A_165 : i32 to vector<1600x100xi32>
      %rem3A_187 = arith.remsi %iota3A_163, %rem3A_186 : vector<1600x100xi32>
      %ne3A_188 = arith.constant 0 : i32
      %ne3A_189 = vector.broadcast %ne3A_188 : i32 to vector<1600x100xi32>
      %ne3A_190 = arith.cmpi ne, %rem3A_187, %ne3A_189 : vector<1600x100xi32>
      %and3A_191 = arith.andi %ne3A_185, %ne3A_190 : vector<1600x100xi1>
      %sub3A_192 = arith.constant 1 : i32
      %sub3A_193 = vector.broadcast %sub3A_192 : i32 to vector<1600x100xi32>
      %sub3A_194 = arith.subi %div3A_167, %sub3A_193 : vector<1600x100xi32>
      %select_n3A_195 = arith.select %and3A_191, %sub3A_194, %div3A_167 : vector<1600x100xi1>, vector<1600x100xi32>
      %eq3A_196 = arith.cmpi eq, %select_n3A_195, %iota3A_164 : vector<1600x100xi32>
      %jit3A_197 = arith.constant 1.000000e+00 : f32
      %jit3A_198 = arith.constant 0.000000e+00 : f32
      %broadcast_in_dim3A_199 = vector.broadcast %jit3A_197 : f32 to vector<1600x100xf32>
      %broadcast_in_dim3A_200 = vector.broadcast %jit3A_198 : f32 to vector<1600x100xf32>
      %select_n3A_201 = arith.select %eq3A_196, %broadcast_in_dim3A_199, %broadcast_in_dim3A_200 : vector<1600x100xi1>, vector<1600x100xf32>
      %dot_general3A_202 = arith.constant dense<0.000000e+00> : vector<16x1600xf32>
      %dot_general3A_203 = tpu.matmul %select_n3A_162, %select_n3A_132, %dot_general3A_202 {dimension_numbers = #tpu.dot_dimension_numbers<[1], [0], [0], [1], [0, 0, 1, 1], [], []>, precision = #tpu.contract_precision<fp32>, transpose_lhs_hint = false} : vector<16x256xf32>, vector<256x1600xf32>, vector<16x1600xf32> -> vector<16x1600xf32>
      %dot_general3A_204 = arith.constant dense<0.000000e+00> : vector<16x100xf32>
      %dot_general3A_205 = tpu.matmul %dot_general3A_203, %select_n3A_201, %dot_general3A_204 {dimension_numbers = #tpu.dot_dimension_numbers<[1], [0], [0], [1], [0, 0, 1, 1], [], []>, precision = #tpu.contract_precision<fp32>, transpose_lhs_hint = false} : vector<16x1600xf32>, vector<1600x100xf32>, vector<16x100xf32> -> vector<16x100xf32>
      %add3A_206 = arith.addf %dot_general3A_205, %add3A_75 : vector<16x100xf32>
      %get3A_207 = arith.constant 0 : index
      %get3A_208 = arith.constant 0 : index
      %get3A_209 = arith.constant 0 : index
      %get3A_210 = vector.load %arg5[%get3A_207, %get3A_208, %get3A_209] : memref<100x16x768xf32, #tpu.memory_space<vmem>>, vector<100x16x768xf32>
      %reduce_sum3A = arith.constant dense<0.000000e+00> : vector<100xf32>
      %reduce_sum3A_211 = vector.multi_reduction <add>, %get3A_210, %reduce_sum3A [1, 2] : vector<100x16x768xf32> to vector<100xf32>
      %reduce_sum3A_212 = arith.constant dense<0.000000e+00> : vector<100xf32>
      %reduce_sum3A_213 = vector.multi_reduction <add>, %add3A_77, %reduce_sum3A_212 [1] : vector<100x768xf32> to vector<100xf32>
      %add3A_214 = arith.addf %reduce_sum3A_211, %reduce_sum3A_213 : vector<100xf32>
      %get3A_215 = arith.constant 0 : index
      %get3A_216 = arith.constant 0 : index
      %get3A_217 = arith.constant 0 : index
      %get3A_218 = vector.load %arg6[%get3A_215, %get3A_216, %get3A_217] : memref<16x16x768xf32, #tpu.memory_space<vmem>>, vector<16x16x768xf32>
      %reduce_sum3A_219 = arith.constant dense<0.000000e+00> : vector<16xf32>
      %reduce_sum3A_220 = vector.multi_reduction <add>, %get3A_218, %reduce_sum3A_219 [0, 2] : vector<16x16x768xf32> to vector<16xf32>
      %reduce_sum3A_221 = arith.constant dense<0.000000e+00> : vector<16xf32>
      %reduce_sum3A_222 = vector.multi_reduction <add>, %add3A_79, %reduce_sum3A_221 [1] : vector<16x768xf32> to vector<16xf32>
      %add3A_223 = arith.addf %reduce_sum3A_220, %reduce_sum3A_222 : vector<16xf32>
      %broadcast_in_dim3A_224 = vector.shape_cast %add3A_223 : vector<16xf32> to vector<16x1xf32>
      %broadcast_in_dim3A_225 = vector.shape_cast %add3A_214 : vector<100xf32> to vector<1x100xf32>
      %add3A_226 = vector.broadcast %broadcast_in_dim3A_224 : vector<16x1xf32> to vector<16x100xf32>
      %add3A_227 = vector.broadcast %broadcast_in_dim3A_225 : vector<1x100xf32> to vector<16x100xf32>
      %add3A_228 = arith.addf %add3A_226, %add3A_227 : vector<16x100xf32>
      %mul3A_229 = arith.constant 2.000000e+00 : f32
      %mul3A_230 = vector.broadcast %mul3A_229 : f32 to vector<16x100xf32>
      %mul3A_231 = arith.mulf %mul3A_230, %add3A_206 : vector<16x100xf32>
      %sub3A_232 = arith.subf %add3A_228, %mul3A_231 : vector<16x100xf32>
      %max3A = arith.constant 0.000000e+00 : f32
      %max3A_233 = vector.broadcast %max3A : f32 to vector<16x100xf32>
      %max3A_234 = arith.maximumf %sub3A_232, %max3A_233 : vector<16x100xf32>
      %sqrt3A = math.sqrt %max3A_234 : vector<16x100xf32>
      %jit3A_235 = arith.constant 0x7F800000 : f32
      %pad3A = vector.broadcast %jit3A_235 : f32 to vector<16x28xf32>
      %pad3A_236 = tpu.concatenate %sqrt3A, %pad3A in 1 : vector<16x100xf32>, vector<16x28xf32> -> vector<16x128xf32>
      %swap3A = arith.constant 0 : index
      %swap3A_237 = arith.constant 0 : index
      %swap3A_238 = vector.load %arg3[%swap3A, %swap3A_237] : memref<16x128xf32, #tpu.memory_space<vmem>>, vector<16x128xf32>
      tpu.vector_store %arg3[%swap3A, %swap3A_237], %pad3A_236 {strides = array<i32>} : memref<16x128xf32, #tpu.memory_space<vmem>>, vector<16x128xf32>,
    } else {
    }
    return
  }
  func.func @transform_0(%arg0: i32) -> (i32, i32, i32) {
    %c0_i32 = arith.constant 0 : i32
    %c0_i32_0 = arith.constant 0 : i32
    %c0_i32_1 = arith.constant 0 : i32
    return %arg0, %c0_i32, %c0_i32_0 : i32, i32, i32
  }
  func.func @transform_1(%arg0: i32) -> (i32, i32, i32) {
    %c0_i32 = arith.constant 0 : i32
    %c0_i32_0 = arith.constant 0 : i32
    %c0_i32_1 = arith.constant 0 : i32
    return %c0_i32, %arg0, %c0_i32_0 : i32, i32, i32
  }
  func.func @transform_2(%arg0: i32) -> (i32, i32) {
    %c0_i32 = arith.constant 0 : i32
    %c0_i32_0 = arith.constant 0 : i32
    %c0_i32_1 = arith.constant 0 : i32
    return %c0_i32, %c0_i32_0 : i32, i32
  }
}

</mosaic_0001>

<sc_bundles>
// kernel: kernel.4.cloned.1.call-start
scs
__scs_entry_jumppad:
0x0: {  	(pc) =	sbr.rel $0x88, $3  }
0x1: {  	(tag) =	ssettag $0x0;
	lr =	simm.s32 $0x1  }
0x2: {  	[smem:$0x3F9F] =	sst lr;
	_ =	strace $0xD0000000  }
0x3: {  	_ = 	snop  }
0x4: {  	_ = 	snop  }
0x5: {  	_ = 	snop  }
0x6: {  	_ = 	snop  }
0x7: {  	_ = 	snop  }
__scs_overlays_trampoline_lowered:
0x8: {  	[smem:$0x3FAE] =	sst s0  }
0x9: {  	[smem:$0x3FAF] =	sst s1  }
0xa: {  	[smem:$0x3FB0] =	sst s2  }
0xb: {  	[smem:$0x3FB1] =	sst s3  }
0xc: {  	[smem:$0x3FB2] =	sst s4  }
0xd: {  	[smem:$0x3FB3] =	sst s5  }
0xe: {  	[smem:$0x3FB4] =	sst s6  }
0xf: {  	[smem:$0x3FB5] =	sst s7  }
0x10: {  	[smem:$0x3FB6] =	sst s8  }
0x11: {  	[smem:$0x3FB7] =	sst s9;
	s0 =	simm.s32 @!p0 $0x0  }
0x12: {  	s1 =	sld [smem:$0x3F9D];
	s0 =	simm.s32 @p0 $0x1  }
0x13: {  	[smem:$0x3FB8] =	sst s0;
	s0 =	simm.s32 @!p1 $0x0  }
0x14: {  	s2 =	sld [smem:$0x3F9C];
	s0 =	simm.s32 @p1 $0x1  }
0x15: {  	[smem:$0x3FB9] =	sst s0;
	s0 =	simm.s32 @!p2 $0x0  }
0x16: {  	s3 =	sld [smem:$0x3FDB];
	s0 =	simm.s32 @p2 $0x1  }
0x17: {  	s4 =	simm.s32 $0x1BF5;
	[smem:$0x3FBB] =	sst s0  }
0x18: {  	s0 =	sld [smem:$0x3F9E];
	_ =	swait.ge [sflag:s4], $0x0  }
0x19: {  	s7 =	sld [smem:$0x3F9F]  }
0x1a: {  	s8 =	sadd.s32 $0xFFFFE003, lr  }
0x1b: {  	s9 =	sadd.s32 $0xFFFFFEF7, lr;
	s5 =	simm.s32 $0xFFFFFFFF;
	p2 =	slt.u32 s8, $0xFFFFF086  }
0x1c: {  	p1 =	slt.u32 s9, $0xF7A;
	s5 =	simm.s32 @!p2 $0x0  }
0x1d: {  	s5 =	simm.s32 @p1 $0x1;
	p0 =	seq.s32 s7, s2  }
0x1e: {  	s7 =	smul.u32 @!p0 $0xF7A, s2;
	p2 =	seq.s32 @!p0 s5, $0x0  }
0x1f: {  	s9 =	smul.u32 $0xF7A, s1;
	s8 =	simm.s32 @!p0 $0x1BF5;
	p2 =	por !p2, p0  }
0x20: {  	[sflag:s8] =	ssyncset.s32 @!p0 $0xFFFFF086;
	s6 =	sadd.s32 @!p0 s3, s7;
	s7 =	simm.s32 @!p0 $0x108  }
0x21: {  	s3 =	sadd.s32 s3, s9;
	s6 =	sadd.s32 @!p0 $0x88, s6;
	s7 =	simm.s32 @p2 $0x1082  }
0x22: {  	[simem:s7], [sflag:s8] =	dma.local @!p0 [hbm:s6], $0xF7A  }
0x23: {  	s9 =	sor.u32 $0xD0000000, s2;
	s6 =	simm.s32 $0x108;
	_ =	swait.ge @!p0 [sflag:s8], $0x0  }
0x24: {  	s3 =	sadd.s32 $0x88, s3;
	s6 =	simm.s32 @!p1 $0x1082;
	[sflag:s4] =	ssyncset.s32 $0xFFFFF086  }
0x25: {  	[simem:s6], [sflag:s4] =	dma.local [hbm:s3], $0xF7A  }
0x26: {  	[smem:$0x3F9F] =	sst s1;
	(tag) =	ssettag s2;
	_ =	strace s9  }
0x27: {  	s1 =	sld [smem:$0x3FAF]  }
0x28: {  	s2 =	sld [smem:$0x3FB0]  }
0x29: {  	s4 =	sld [smem:$0x3FB2]  }
0x2a: {  	p0 =	seq.s32 s5, $0x0;
	s5 =	sld [smem:$0x3FB3]  }
0x2b: {  	s6 =	sld [smem:$0x3FB4]  }
0x2c: {  	s7 =	sld [smem:$0x3FB5]  }
0x2d: {  	s3 =	simm.s32 $0x108;
	s8 =	sld [smem:$0x3FB6]  }
0x2e: {  	s3 =	simm.s32 @!p0 $0x1082;
	s9 =	sld [smem:$0x3FB7]  }
0x2f: {  	lr =	sadd.s32 s0, s3;
	s0 =	sld [smem:$0x3FAE]  }
0x30: {  	s3 =	sld [smem:$0x3FB1]  }
0x31: {  	[smem:$0x3FBA] =	sst s10  }
0x32: {  	s10 =	sld [smem:$0x3FB8];
	_ =	sdelay $0x3  }
0x33: {  	p0 =	seq.s32 s10, $0x1;
	s10 =	sld [smem:$0x3FBA];
	_ =	sdelay $0x3  }
0x34: {  	[smem:$0x3FBA] =	sst s10  }
0x35: {  	s10 =	sld [smem:$0x3FB9];
	_ =	sdelay $0x3  }
0x36: {  	p1 =	seq.s32 s10, $0x1;
	s10 =	sld [smem:$0x3FBA];
	_ =	sdelay $0x3  }
0x37: {  	[smem:$0x3FBA] =	sst s10  }
0x38: {  	s10 =	sld [smem:$0x3FBB]  }
0x39: {  	_ = 	snop;
	(pc) =	sbr.ind lr, $3  }
0x3a: {  	_ = 	snop  }
0x3b: {  	_ = 	snop  }
0x3c: {  	p2 =	seq.s32 s10, $0x1;
	s10 =	sld [smem:$0x3FBA]  }
0x3d: {  	_ =	shalt  }
0x3e: {  	_ =	shalt  }
0x3f: {  	_ =	shalt  }
0x40: {  	_ =	shalt  }
0x41: {  	_ =	shalt  }
0x42: {  	_ =	shalt  }
0x43: {  	_ =	shalt  }
0x44: {  	_ =	shalt  }
0x45: {  	_ =	shalt  }
0x46: {  	_ =	shalt  }
0x47: {  	_ =	shalt  }
0x48: {  	_ =	shalt  }
0x49: {  	_ =	shalt  }
0x4a: {  	_ =	shalt  }
0x4b: {  	_ =	shalt  }
0x4c: {  	_ =	shalt  }
0x4d: {  	_ =	shalt  }
0x4e: {  	_ =	shalt  }
0x4f: {  	_ =	shalt  }
0x50: {  	_ =	shalt  }
0x51: {  	_ =	shalt  }
0x52: {  	_ =	shalt  }
0x53: {  	_ =	shalt  }
0x54: {  	_ =	shalt  }
0x55: {  	_ =	shalt  }
0x56: {  	_ =	shalt  }
0x57: {  	_ =	shalt  }
0x58: {  	_ =	shalt  }
0x59: {  	_ =	shalt  }
0x5a: {  	_ =	shalt  }
0x5b: {  	_ =	shalt  }
0x5c: {  	_ =	shalt  }
0x5d: {  	_ =	shalt  }
0x5e: {  	_ =	shalt  }
0x5f: {  	_ =	shalt  }
0x60: {  	_ =	shalt  }
0x61: {  	_ =	shalt  }
0x62: {  	_ =	shalt  }
0x63: {  	_ =	shalt  }
0x64: {  	_ =	shalt  }
0x65: {  	_ =	shalt  }
0x66: {  	_ =	shalt  }
0x67: {  	_ =	shalt  }
0x68: {  	_ =	shalt  }
0x69: {  	_ =	shalt  }
0x6a: {  	_ =	shalt  }
0x6b: {  	_ =	shalt  }
0x6c: {  	_ =	shalt  }
0x6d: {  	_ =	shalt  }
0x6e: {  	_ =	shalt  }
0x6f: {  	_ =	shalt  }
0x70: {  	_ =	shalt  }
0x71: {  	_ =	shalt  }
0x72: {  	_ =	shalt  }
0x73: {  	_ =	shalt  }
0x74: {  	_ =	shalt  }
0x75: {  	_ =	shalt  }
0x76: {  	_ =	shalt  }
0x77: {  	_ =	shalt  }
0x78: {  	_ =	shalt  }
0x79: {  	_ =	shalt  }
0x7a: {  	_ =	shalt  }
0x7b: {  	_ =	shalt  }
0x7c: {  	_ =	shalt  }
0x7d: {  	_ =	shalt  }
0x7e: {  	_ =	shalt  }
0x7f: {  	_ =	shalt  }
0x80: {  	_ =	shalt  }
0x81: {  	_ =	shalt  }
0x82: {  	_ =	shalt  }
0x83: {  	_ =	shalt  }
0x84: {  	_ =	shalt  }
0x85: {  	_ =	shalt  }
0x86: {  	_ =	shalt  }
0x87: {  	_ =	shalt  }
.Lfunc_end0:
.L_simem_size_0:
called_computation_lowered:
.L_overlay_start_0:
0x88: {  	s2 =	sld [smem:$0x3FD9]  }
0x89: {  	s3 =	sld [smem:$0x3FFE];
	_ =	sdelay $0x1  }
0x8a: {  	s1 =	srdreg.scid  }
0x8b: {  	s0 =	sand.u32 $0x1, s1  }
0x8c: {  	s14 =	sshll.u32 s0, $0xA;
	s2 =	sadd.s32 s3, s2  }
0x8d: {  	s2 =	sadd.s32 s2, s14  }
0x8e: {  	[smem:$0x3FC6] =	sst s2  }
0x8f: {  	_ = 	snop  }
0x90: {  	s2 =	sld [smem:$0x3FD0];
	_ =	sdelay $0x2  }
0x91: {  	s15 =	simm.s32 $0xA;
	s4 =	simm.s32 $0x10  }
0x92: {  	[smem:s4], [sflag:s15] =	dma.local [hbm:s2], $0x1  }
0x93: {  	_ =	swait.eq [sflag:s15], $0x1  }
0x94: {  	[sflag:s15] =	ssyncset.done $0x0  }
0x95: {  	s16 =	sld [smem:$0x10];
	[sflag:s15] =	ssyncadd.s32 $0xFFFFFFFF  }
0x96: {  	s17 =	sld [smem:$0x11];
	(tm) =	ssettm $0x1  }
0x97: {  	s18 =	sld [smem:$0x3FFB];
	_ =	sdelay $0x3  }
0x98: {  	_ =	strace s18  }
0x99: {  	s4 =	sld [smem:$0x3FFC];
	_ =	sdelay $0x3  }
0x9a: {  	_ =	strace s4  }
0x9b: {  	s4 =	sld [smem:$0x3FFD];
	_ =	sdelay $0x3  }
0x9c: {  	_ =	strace s4  }
0x9d: {  	_ =	strace $0x8FFFFFFF  }
0x9e: {  	s19 =	sld [smem:$0x3FDB];
	_ =	sdelay $0x1  }
0x9f: {  	s5 =	simm.s32 $_scs_section_size  }
0xa0: {  	s6 =	simm.s32 $_size__tile_overlayer_lowered;
	s7 =	simm.s32 $_tile_overlayer_lowered  }
0xa1: {  	s22 =	simm.s32 $0x1BFF;
	s21 =	sshll.u32 s7, $0x1;
	s4 =	sadd.s32 s5, s19  }
0xa2: {  	s8 =	simm.s32 $0x0;
	s20 =	sshll.u32 s6, $0x1;
	s6 =	sadd.s32 s21, s4  }
0xa3: {  	[timem:s8], [sflag:s22] =	dma.local [hbm:s6], s20  }
0xa4: {  	_ =	swait.ge [sflag:s22], s20  }
0xa5: {  	s5 =	ssub.s32 $0x0, s20;
	[sflag:s22] =	ssyncset.done $0x0  }
0xa6: {  	[sflag:s22] =	ssyncadd.s32 s5;
	_ =	sdelay $0x1  }
0xa7: {  	s23 =	simm.s32 $0x1B8B  }
0xa8: {  	_ =	swait.ge [sflag:s23], $0x1  }
0xa9: {  	[sflag:s23] =	ssyncset.done $0x0  }
0xaa: {  	s25 =	simm.s32 $0x1B8E;
	s24 =	sld [smem:$0x3FFE];
	[sflag:s23] =	ssyncadd.s32 $0xFFFFFFFF  }
0xab: {  	s26 =	simm.s32 $execute0_lowered;
	[smem:$0x3FD2] =	sst s25  }
0xac: {  	s6 =	sshll.u32 s26, $0x1;
	_ =	strace $0x80000046;
	[dreg:$0x1] =	wrdreg $0xFFFFFFFF  }
0xad: {  	s28 =	simm.s32 $_size_execute0_lowered;
	s4 =	sadd.s32 s4, s6;
	[dreg:$0x0] =	wrdreg $0x0  }
0xae: {  	s6 =	sshll.u32 s28, $0x1;
	[dreg:$0x2] =	wrdreg s4  }
0xaf: {  	[dreg:$0x3] =	wrdreg s6  }
0xb0: {  	[dreg:$0x4] =	wrdreg $0xC0  }
0xb1: {  	_ =	task [dreg:s8], $0x5FFFF  }
0xb2: {  	[dreg:$0x1] =	wrdreg $0xFFFFFFFF  }
0xb3: {  	[dreg:$0x0] =	wrdreg $0x60  }
0xb4: {  	[dreg:$0x2] =	wrdreg s24  }
0xb5: {  	[dreg:$0x3] =	wrdreg s16  }
0xb6: {  	[dreg:$0x4] =	wrdreg s17  }
0xb7: {  	[dreg:$0x5] =	wrdreg $0x9  }
0xb8: {  	_ =	task.clear_ibuf [dreg:s8], $0x6FFFF;
	_ =	strace $0x90000046  }
0xb9: {  	s29 =	simm.s32 $0x9;
	_ =	strace $0x80000048  }
0xba: {  	_ =	swait.ge [sflag:s29], $0x1  }
0xbb: {  	[sflag:s29] =	ssyncadd.s32 $0xFFFFFFFF  }
0xbc: {  	_ =	strace $0x90000048  }
0xbd: {  	_ =	sfence  }
0xbe: {  	s30 =	sld [smem:$0x0];
	_ =	sdelay $0x2  }
0xbf: {  	s31 =	sshll.u32 s1, $0xD;
	s1 =	sshrl.u32 s1, $0x2  }
0xc0: {  	s3 =	sand.u32 $0x4000, s31;
	s1 =	sadd.s32 s1, s30  }
0xc1: {  	s0 =	sor.u32 s3, s0;
	s1 =	sshll.u32 s1, $0x11  }
0xc2: {  	s0 =	sor.u32 s1, s0  }
0xc3: {  	s0 =	sadd.s32 $0x8F2B, s0  }
0xc4: {  	[sflag:s0] =	ssyncadd.remote.s32 $0x1  }
0xc5: {  	_ =	sfence.sel $0xFFFF  }
0xc6: {  	[dreg:$0x0] =	wrdreg $0xFFFFFFFF;
	(pc) =	sbr.abs _section_cstart, $3  }
0xc7: {  	[dreg:$0x1] =	wrdreg $0xFFFFFFFF  }
0xc8: {  	_ =	task.clear_ibuf [dreg:s8], $0x2FFFF;
	_ =	strace $0x9FFFFFFF  }
0xc9: {  	(tm) =	ssettm $0x7FFFFFFF  }
tec
execute0_lowered:
.L_overlay_start_1:
0x0: {  	(tag) =	ssettag $0x1  }
0x1: {  	s0 =	srdreg.scid  }
0x2: {  	s5 =	sand.u32 $0x1, s0;
	s0 =	stileid.u32  }
0x3: {  	s6 =	sor.u32 s0, s5  }
0x4: {  	p0 =	sne.s32 s6, $0x0  }
.Ltmp0:
0x5: {  	_ = 	snop;
	(pc) =	sbr.rel @p0 .LBB2_3-.Ltmp0, $4  }
0x6: {  	s4 =	rddreg [dreg:$0x0]  }
0x7: {  	s2 =	rddreg [dreg:$0x1]  }
0x8: {  	s3 =	rddreg [dreg:$0x2]  }
0x9: {  	s1 =	rddreg [dreg:$0x3];
	_ =	strace $0x80000047  }
0xa: {  	v1 =	vimm.s32 $0xEFCDAB89;
	v2 =	vimm.s32 $0x67452301  }
0xb: {  	v0 =	vlaneseq.u32;
	v4 =	vimm.s32 $0xDCFE98BA;
	v9 =	vimm.s32 $0x32107654  }
0xc: {  	v10 =	vimm.s32 $0xFEDCBA98;
	vm0 =	vmmov $0x1;
	v56 =	vimm.s32 $0x0  }
0xd: {  	vm5 =	vmmov $0x3;
	v3 =	vunpack.c.l.s4.s8 v1;
	v2 =	vunpack.c.l.s4.s8 v2  }
0xe: {  	v57 =	vimm.s32 $0x0;
	vm4 =	vmmov $0x7;
	v58 =	vimm.s32 $0x0  }
0xf: {  	v59 =	vimm.s32 $0x0;
	v5 =	vunpack.c.0.s8.s32 v3;
	v6 =	vunpack.c.0.s8.s32 v2  }
0x10: {  	v60 =	vimm.s32 $0x0;
	v61 =	vimm.s32 $0x0;
	v62 =	vimm.s32 $0x0  }
0x11: {  	v7 =	vunpack.c.l.s4.s8 v4;
	v8 =	vcombine.low v6, v5;
	v5 =	vimm.s32 $0x54761032  }
0x12: {  	v63 =	vimm.s32 $0x0;
	v9 =	vunpack.c.l.s4.s8 v9;
	v5 =	vunpack.c.l.s4.s8 v5  }
0x13: {  	v10 =	vunpack.c.l.s4.s8 v10;
	v6 =	vunpack.c.0.s8.s32 v7;
	v7 =	vimm.s32 $0xBA98FEDC  }
0x14: {  	v7 =	vunpack.c.l.s4.s8 v7;
	v11 =	vunpack.c.0.s8.s32 v5;
	v5 =	vimm.s32 $0x76543210  }
0x15: {  	vm8 =	vmmov $0x1ff;
	vm9 =	vmmov $0x3ff;
	v12 =	vunpack.c.l.s4.s8 v5  }
0x16: {  	v9 =	vunpack.c.0.s8.s32 v9;
	v10 =	vunpack.c.0.s8.s32 v10;
	v7 =	vunpack.c.0.s8.s32 v7  }
0x17: {  	vm10 =	vmmov $0x7ff;
	v11 =	vcombine.low v11, v6;
	v12 =	vunpack.c.0.s8.s32 v12  }
0x18: {  	vm11 =	vmmov $0xfff;
	v14 =	vand.u32 $0xF, v10;
	v13 =	vcombine.low v9, v7  }
0x19: {  	v9 =	vand.u32 $0xF, v11;
	v11 =	vcombine.low v14, v12;
	v12 =	vsel vm0, $0xFFFFFFFF, v56  }
0x1a: {  	vm12 =	vmmov $0x1fff;
	vm13 =	vmmov $0x3fff;
	[tilespmem:$0x1FF80] =	vst v12;
	v12 =	vsel vm5, $0xFFFFFFFF, v57  }
0x1b: {  	vm14 =	vmmov $0x7fff;
	vm5 =	vmmov $0xf;
	[tilespmem:$0x1FF90] =	vst v12;
	v12 =	vsel vm4, $0xFFFFFFFF, v58  }
0x1c: {  	v1 =	vor.u32 $0x10, v0;
	vm4 =	vmmov $0x1f;
	[tilespmem:$0x1FFA0] =	vst v12;
	v12 =	vsel vm5, $0xFFFFFFFF, v59  }
0x1d: {  	v4 =	vor.u32 $0x40, v0;
	vm5 =	vmmov $0x3f;
	[tilespmem:$0x1FFB0] =	vst v12;
	v12 =	vsel vm4, $0xFFFFFFFF, v60  }
0x1e: {  	v2 =	vor.u32 $0x20, v0;
	vm4 =	vmmov $0x7f;
	[tilespmem:$0x1FFC0] =	vst v12;
	v12 =	vsel vm5, $0xFFFFFFFF, v61  }
0x1f: {  	s5 =	ssub.s32 $0x2, s5;
	s4 =	sadd.s32 $0xA00, s4;
	v3 =	vor.u32 $0x30, v0;
	vm5 =	vmmov $0xff;
	[tilespmem:$0x1FFD0] =	vst v12;
	v12 =	vsel vm4, $0xFFFFFFFF, v62  }
0x20: {  	s7 =	simm.s32 $0x1;
	s8 =	simm.s32 $0x800;
	s6 =	sshrl.u32 s5, $0x1;
	v8 =	vand.u32 $0xF, v8;
	v5 =	vor.u32 $0x50, v0;
	[tilespmem:$0x1FFE0] =	vst v12;
	v12 =	vsel vm5, $0xFFFFFFFF, v63  }
0x21: {  	s9 =	simm.s32 $0x880;
	s5 =	ssub.s32 s5, s6;
	s6 =	simm.s32 $0x0;
	v6 =	vor.u32 $0x60, v0;
	v7 =	vor.u32 $0x70, v0;
	v10 =	vand.u32 $0xF, v13;
	[tilespmem:$0x1FFF0] =	vst v12  }
.LBB2_2:
0x22: {  	[tilespmem:s6], [sflag:$0x1] =	stream.linear.gather [hbm4b:s4+s6], $0x800, $0x38;
	[tilespmem:$0x900] =	vst v63  }
0x23: {  	_ =	swait.ge [sflag:s7], $0x800  }
0x24: {  	[sflag:s7] =	ssyncset.done $0x0  }
0x25: {  	[sflag:s7] =	ssyncadd.s32 $0xFFFFF800  }
0x26: {  	v12 =	vld [tilespmem:$0x0];
	_ =	sdelay $0x1  }
0x27: {  	v13 =	vld [tilespmem:$0x10];
	_ =	sdelay $0x1  }
0x28: {  	v14 =	vld [tilespmem:$0x20]  }
0x29: {  	vm0 =	vlt.f32 v12, $3.399999950e+38  }
0x2a: {  	v15 =	vld [tilespmem:$0x30];
	v12 =	vnsel vm0, $0x7F7FC99E, v12  }
0x2b: {  	vm15 =	vlt.f32 v13, v12  }
0x2c: {  	v27 =	vld [tilespmem:$0x40];
	v12 =	vsel vm15, v13, v12  }
0x2d: {  	vm1 =	vlt.f32 v14, v12  }
0x2e: {  	v28 =	vld [tilespmem:$0x50];
	v12 =	vsel vm1, v14, v12  }
0x2f: {  	vm2 =	vlt.f32 v15, v12  }
0x30: {  	v29 =	vld [tilespmem:$0x60];
	v12 =	vsel vm2, v15, v12  }
0x31: {  	v16 =	vnsel vm0, $0x0, v0;
	vm5 =	vlt.f32 v27, v12  }
0x32: {  	v30 =	vld [tilespmem:$0x70];
	v16 =	vsel vm15, v1, v16;
	v12 =	vsel vm5, v27, v12  }
0x33: {  	v16 =	vsel vm1, v2, v16;
	vm4 =	vlt.f32 v28, v12  }
0x34: {  	v16 =	vsel vm2, v3, v16;
	v12 =	vsel vm4, v28, v12  }
0x35: {  	v31 =	vsel vm5, v4, v16;
	vm5 =	vlt.f32 v29, v12  }
0x36: {  	v14 =	vsel vm4, v5, v31;
	v12 =	vsel vm5, v29, v12  }
0x37: {  	v14 =	vsel vm5, v6, v14;
	vm4 =	vlt.f32 v30, v12  }
0x38: {  	v12 =	vsel vm4, v30, v12;
	v32 =	vsel vm4, v7, v14  }
0x39: {  	v33 =	vperm.xlane v12, v8;
	v34 =	vperm.xlane v32, v8  }
0x3a: {  	v35 =	vld [tilespmem:$0x80]  }
0x3b: {  	vm0 =	veq.f32 v33, v12;
	vm5 =	vlt.s32 v34, v32  }
0x3c: {  	v17 =	vld [tilespmem:$0x90];
	vm4 =	vlt.f32 v33, v12;
	vm0 =	vmand vm0, vm5  }
0x3d: {  	vm0 =	vmor vm4, vm0  }
0x3e: {  	v18 =	vld [tilespmem:$0xA0];
	v12 =	vsel vm0, v33, v12;
	v13 =	vsel vm0, v34, v32  }
0x3f: {  	vm0 =	vlt.f32 v35, $3.399999950e+38;
	v14 =	vperm.xlane v12, v9;
	v15 =	vperm.xlane v13, v9  }
0x40: {  	v19 =	vld [tilespmem:$0xB0];
	v16 =	vnsel vm0, $0x7F7FC99E, v35  }
0x41: {  	vm2 =	vlt.f32 v17, v16;
	vm5 =	veq.f32 v14, v12;
	vm4 =	vlt.s32 v15, v13  }
0x42: {  	v36 =	vld [tilespmem:$0xC0];
	vm15 =	vlt.f32 v14, v12;
	v16 =	vsel vm2, v17, v16;
	vm1 =	vmand vm5, vm4  }
0x43: {  	v20 =	vnsel vm0, $0x0, v0;
	vm1 =	vmor vm15, vm1;
	vm15 =	vlt.f32 v18, v16  }
0x44: {  	v37 =	vld [tilespmem:$0xD0];
	v20 =	vsel vm2, v1, v20;
	v16 =	vsel vm15, v18, v16  }
0x45: {  	v12 =	vsel vm1, v14, v12;
	v13 =	vsel vm1, v15, v13;
	vm1 =	vlt.f32 v19, v16  }
0x46: {  	v38 =	vld [tilespmem:$0xE0];
	v14 =	vperm.xlane v12, v10;
	v15 =	vperm.xlane v13, v10;
	v16 =	vsel vm1, v19, v16  }
0x47: {  	v20 =	vsel vm15, v2, v20;
	vm0 =	vlt.f32 v36, v16  }
0x48: {  	v39 =	vld [tilespmem:$0xF0];
	vm4 =	veq.f32 v14, v12;
	vm5 =	vlt.s32 v15, v13;
	v16 =	vsel vm0, v36, v16  }
0x49: {  	vm3 =	vlt.f32 v14, v12;
	vm2 =	vmand vm4, vm5;
	vm4 =	vlt.f32 v37, v16  }
0x4a: {  	v20 =	vsel vm1, v3, v20;
	vm2 =	vmor vm3, vm2;
	v16 =	vsel vm4, v37, v16  }
0x4b: {  	v40 =	vsel vm0, v4, v20;
	v12 =	vsel vm2, v14, v12;
	vm5 =	vlt.f32 v38, v16  }
0x4c: {  	v15 =	vsel vm2, v15, v13;
	v41 =	vsel vm4, v5, v40;
	v42 =	vsel vm5, v38, v16  }
0x4d: {  	v43 =	vperm.xlane v12, v11;
	v13 =	vsel vm5, v6, v41;
	vm4 =	vlt.f32 v39, v42  }
0x4e: {  	v45 =	vld [tilespmem:$0x100];
	v44 =	vperm.xlane v15, v11;
	v14 =	vsel vm4, v39, v42;
	v13 =	vsel vm4, v7, v13  }
0x4f: {  	v46 =	vperm.xlane v14, v8;
	v47 =	vperm.xlane v13, v8  }
0x50: {  	v21 =	vld [tilespmem:$0x110];
	vm0 =	vlt.f32 v43, v12;
	vm1 =	veq.f32 v43, v12  }
0x51: {  	vm2 =	vlt.s32 v44, v15;
	vm3 =	veq.f32 v46, v14;
	vm4 =	vlt.s32 v47, v13  }
0x52: {  	v22 =	vld [tilespmem:$0x120];
	vm1 =	vmand vm1, vm2;
	vm2 =	vlt.f32 v46, v14;
	vm3 =	vmand vm3, vm4  }
0x53: {  	vm0 =	vmor vm0, vm1;
	vm5 =	vmor vm2, vm3;
	vm2 =	vlt.f32 v45, $3.399999950e+38  }
0x54: {  	v49 =	vld [tilespmem:$0x130];
	v14 =	vsel vm5, v46, v14;
	v48 =	vsel vm5, v47, v13;
	v17 =	vnsel vm2, $0x7F7FC99E, v45  }
0x55: {  	v23 =	vperm.xlane v14, v9;
	v24 =	vperm.xlane v48, v9;
	vm1 =	vlt.f32 v21, v17  }
0x56: {  	v51 =	vld [tilespmem:$0x140];
	v13 =	vsel vm0, v43, v12;
	v12 =	vsel vm0, v44, v15;
	v50 =	vsel vm1, v21, v17  }
0x57: {  	vm3 =	veq.f32 v23, v14;
	vm4 =	vlt.s32 v24, v48;
	vm5 =	vlt.f32 v22, v50  }
0x58: {  	v52 =	vld [tilespmem:$0x150];
	vm15 =	vlt.f32 v23, v14;
	vm3 =	vmand vm3, vm4;
	v17 =	vsel vm5, v22, v50  }
0x59: {  	v56 =	vnsel vm2, $0x0, v0;
	vm0 =	vmor vm15, vm3;
	vm3 =	vlt.f32 v49, v17  }
0x5a: {  	v54 =	vld [tilespmem:$0x160];
	v20 =	vsel vm1, v1, v56;
	v17 =	vsel vm3, v49, v17  }
0x5b: {  	v14 =	vsel vm0, v23, v14;
	v53 =	vsel vm0, v24, v48;
	vm0 =	vlt.f32 v51, v17  }
0x5c: {  	v58 =	vld [tilespmem:$0x170];
	v20 =	vsel vm5, v2, v20;
	v16 =	vsel vm0, v51, v17  }
0x5d: {  	v20 =	vsel vm3, v3, v20;
	v55 =	vperm.xlane v14, v10;
	vm2 =	vlt.f32 v52, v16  }
0x5e: {  	v57 =	vperm.xlane v53, v10;
	v20 =	vsel vm0, v4, v20;
	v16 =	vsel vm2, v52, v16  }
0x5f: {  	v59 =	vld [tilespmem:$0x180];
	vm1 =	vlt.f32 v55, v14;
	vm4 =	veq.f32 v55, v14;
	vm0 =	vlt.f32 v54, v16  }
0x60: {  	vm3 =	vlt.s32 v57, v53;
	v20 =	vsel vm2, v5, v20;
	v16 =	vsel vm0, v54, v16  }
0x61: {  	v61 =	vld [tilespmem:$0x190];
	vm3 =	vmand vm4, vm3;
	v60 =	vsel vm0, v6, v20;
	vm4 =	vlt.f32 v58, v16  }
0x62: {  	vm1 =	vmor vm1, vm3;
	v16 =	vsel vm4, v58, v16;
	v62 =	vsel vm4, v7, v60  }
0x63: {  	v30 =	vld [tilespmem:$0x1A0];
	v14 =	vsel vm1, v55, v14;
	v28 =	vperm.xlane v16, v8;
	v29 =	vperm.xlane v62, v8  }
0x64: {  	v63 =	vsel vm1, v57, v53;
	vm0 =	vlt.f32 v59, $3.399999950e+38;
	v31 =	vperm.xlane v14, v11  }
0x65: {  	v25 =	vld [tilespmem:$0x1B0];
	v21 =	vnsel vm0, $0x7F7FC99E, v59;
	vm1 =	veq.f32 v28, v16;
	vm2 =	vlt.s32 v29, v62  }
0x66: {  	v32 =	vperm.xlane v63, v11;
	vm1 =	vmand vm1, vm2;
	vm2 =	vlt.f32 v61, v21  }
0x67: {  	v33 =	vld [tilespmem:$0x1C0];
	v26 =	vnsel vm0, $0x0, v0;
	vm3 =	vlt.f32 v28, v16;
	v20 =	vsel vm2, v61, v21  }
0x68: {  	vm5 =	vlt.s32 v32, v63;
	vm1 =	vmor vm3, vm1;
	vm4 =	vlt.f32 v30, v20  }
0x69: {  	v34 =	vld [tilespmem:$0x1D0];
	vm3 =	veq.f32 v31, v14;
	v26 =	vsel vm2, v1, v26;
	v20 =	vsel vm4, v30, v20  }
0x6a: {  	v15 =	vsel vm1, v28, v16;
	v17 =	vsel vm1, v29, v62;
	vm1 =	vlt.f32 v25, v20  }
0x6b: {  	v35 =	vld [tilespmem:$0x1E0];
	v16 =	vperm.xlane v15, v9;
	v19 =	vperm.xlane v17, v9;
	v20 =	vsel vm1, v25, v20  }
0x6c: {  	vm3 =	vmand vm3, vm5;
	v26 =	vsel vm4, v2, v26;
	vm0 =	vlt.f32 v33, v20  }
0x6d: {  	v36 =	vld [tilespmem:$0x1F0];
	vm6 =	veq.f32 v16, v15;
	vm2 =	vlt.s32 v19, v17;
	v20 =	vsel vm0, v33, v20  }
0x6e: {  	vm5 =	vlt.f32 v16, v15;
	vm2 =	vmand vm6, vm2;
	vm4 =	vlt.f32 v34, v20  }
0x6f: {  	v26 =	vsel vm1, v3, v26;
	vm2 =	vmor vm5, vm2;
	v20 =	vsel vm4, v34, v20  }
0x70: {  	v37 =	vsel vm0, v4, v26;
	v16 =	vsel vm2, v16, v15;
	vm5 =	vlt.f32 v35, v20  }
0x71: {  	v17 =	vsel vm2, v19, v17;
	v15 =	vsel vm4, v5, v37;
	v38 =	vsel vm5, v35, v20  }
0x72: {  	v39 =	vperm.xlane v16, v10;
	v15 =	vsel vm5, v6, v15;
	vm4 =	vlt.f32 v36, v38  }
0x73: {  	v40 =	vperm.xlane v17, v10;
	v19 =	vsel vm4, v36, v38;
	v41 =	vsel vm4, v7, v15  }
0x74: {  	vm15 =	vlt.f32 v31, v14;
	v42 =	vperm.xlane v19, v8;
	v43 =	vperm.xlane v41, v8  }
0x75: {  	v44 =	vld [tilespmem:$0x200];
	vm0 =	vmor vm15, vm3;
	vm1 =	vlt.f32 v39, v16;
	vm2 =	veq.f32 v39, v16  }
0x76: {  	vm3 =	vlt.s32 v40, v17;
	vm4 =	veq.f32 v42, v19;
	vm5 =	vlt.s32 v43, v41  }
0x77: {  	vm2 =	vmand vm2, vm3;
	vm3 =	vlt.f32 v42, v19;
	vm4 =	vmand vm4, vm5  }
0x78: {  	v45 =	vld [tilespmem:$0x210];
	v15 =	vsel vm0, v31, v14;
	v14 =	vsel vm0, v32, v63;
	vm4 =	vmor vm3, vm4  }
0x79: {  	vm5 =	vmor vm1, vm2;
	v19 =	vsel vm4, v42, v19;
	v46 =	vsel vm4, v43, v41  }
0x7a: {  	v49 =	vld [tilespmem:$0x220];
	vm1 =	vlt.f32 v44, $3.399999950e+38;
	v47 =	vperm.xlane v19, v9;
	v48 =	vperm.xlane v46, v9  }
0x7b: {  	v16 =	vsel vm5, v39, v16;
	v17 =	vsel vm5, v40, v17;
	v23 =	vnsel vm1, $0x7F7FC99E, v44  }
0x7c: {  	v27 =	vld [tilespmem:$0x230];
	v28 =	vnsel vm1, $0x0, v0;
	vm0 =	veq.f32 v47, v19;
	vm2 =	vlt.s32 v48, v46  }
0x7d: {  	v51 =	vperm.xlane v17, v11;
	vm0 =	vmand vm0, vm2;
	vm2 =	vlt.f32 v45, v23  }
0x7e: {  	v52 =	vld [tilespmem:$0x240];
	v50 =	vperm.xlane v16, v11;
	vm3 =	vlt.f32 v47, v19;
	v18 =	vsel vm2, v45, v23  }
0x7f: {  	vm5 =	vlt.s32 v51, v17;
	vm3 =	vmor vm3, vm0;
	vm4 =	vlt.f32 v49, v18  }
0x80: {  	v53 =	vld [tilespmem:$0x250];
	vm0 =	veq.f32 v50, v16;
	v28 =	vsel vm2, v1, v28;
	v18 =	vsel vm4, v49, v18  }
0x81: {  	v19 =	vsel vm3, v47, v19;
	v20 =	vsel vm3, v48, v46;
	vm3 =	vlt.f32 v27, v18  }
0x82: {  	v54 =	vld [tilespmem:$0x260];
	v21 =	vperm.xlane v19, v10;
	v22 =	vperm.xlane v20, v10;
	v18 =	vsel vm3, v27, v18  }
0x83: {  	vm0 =	vmand vm0, vm5;
	v28 =	vsel vm4, v2, v28;
	vm1 =	vlt.f32 v52, v18  }
0x84: {  	v55 =	vld [tilespmem:$0x270];
	vm6 =	veq.f32 v21, v19;
	vm2 =	vlt.s32 v22, v20;
	v18 =	vsel vm1, v52, v18  }
0x85: {  	vm5 =	vlt.f32 v21, v19;
	vm2 =	vmand vm6, vm2;
	vm4 =	vlt.f32 v53, v18  }
0x86: {  	v28 =	vsel vm3, v3, v28;
	vm2 =	vmor vm5, vm2;
	v18 =	vsel vm4, v53, v18  }
0x87: {  	v56 =	vsel vm1, v4, v28;
	v19 =	vsel vm2, v21, v19;
	vm5 =	vlt.f32 v54, v18  }
0x88: {  	v20 =	vsel vm2, v22, v20;
	v21 =	vsel vm4, v5, v56;
	v18 =	vsel vm5, v54, v18  }
0x89: {  	v57 =	vperm.xlane v19, v11;
	v21 =	vsel vm5, v6, v21;
	vm4 =	vlt.f32 v55, v18  }
0x8a: {  	v58 =	vperm.xlane v20, v11;
	v18 =	vsel vm4, v55, v18;
	v21 =	vsel vm4, v7, v21  }
0x8b: {  	v59 =	vld [tilespmem:$0x280];
	vm15 =	vlt.f32 v50, v16;
	v60 =	vperm.xlane v18, v8;
	v61 =	vperm.xlane v21, v8  }
0x8c: {  	vm0 =	vmor vm15, vm0;
	vm1 =	vlt.f32 v57, v19;
	vm2 =	veq.f32 v57, v19  }
0x8d: {  	v62 =	vld [tilespmem:$0x290];
	vm3 =	vlt.s32 v58, v20;
	vm4 =	veq.f32 v60, v18;
	vm5 =	vlt.s32 v61, v21  }
0x8e: {  	vm2 =	vmand vm2, vm3;
	vm3 =	vlt.f32 v60, v18;
	vm4 =	vmand vm4, vm5  }
0x8f: {  	v29 =	vld [tilespmem:$0x2A0];
	v16 =	vsel vm0, v50, v16;
	vm1 =	vmor vm1, vm2;
	vm2 =	vmor vm3, vm4  }
0x90: {  	vm3 =	vlt.f32 v59, $3.399999950e+38;
	v27 =	vsel vm2, v60, v18;
	v21 =	vsel vm2, v61, v21  }
0x91: {  	v63 =	vld [tilespmem:$0x2B0];
	v23 =	vnsel vm3, $0x7F7FC99E, v59;
	v30 =	vperm.xlane v27, v9;
	v31 =	vperm.xlane v21, v9  }
0x92: {  	v18 =	vsel vm0, v51, v17;
	v17 =	vsel vm1, v57, v19;
	vm2 =	vlt.f32 v62, v23  }
0x93: {  	v32 =	vld [tilespmem:$0x2C0];
	v26 =	vsel vm2, v62, v23;
	vm0 =	veq.f32 v30, v27;
	vm4 =	vlt.s32 v31, v21  }
0x94: {  	vm5 =	vlt.f32 v29, v26;
	vm6 =	vlt.f32 v30, v27;
	vm0 =	vmand vm0, vm4  }
0x95: {  	v33 =	vld [tilespmem:$0x2D0];
	v19 =	vsel vm1, v58, v20;
	v23 =	vsel vm5, v29, v26;
	vm0 =	vmor vm6, vm0  }
0x96: {  	v35 =	vld [tilespmem:$0x2E0];
	v37 =	vnsel vm3, $0x0, v0;
	vm1 =	vlt.f32 v63, v23;
	v34 =	vsel vm0, v30, v27  }
0x97: {  	v41 =	vld [tilespmem:$0x300];
	v21 =	vsel vm0, v31, v21;
	v23 =	vsel vm1, v63, v23;
	v27 =	vsel vm2, v1, v37  }
0x98: {  	v36 =	vperm.xlane v34, v10;
	vm0 =	vlt.f32 v32, v23;
	v27 =	vsel vm5, v2, v27  }
0x99: {  	v39 =	vld [tilespmem:$0x2F0];
	v38 =	vperm.xlane v21, v10;
	v22 =	vsel vm0, v32, v23;
	v27 =	vsel vm1, v3, v27  }
0x9a: {  	vm2 =	vlt.f32 v36, v34;
	vm3 =	vlt.f32 v33, v22;
	vm4 =	veq.f32 v36, v34  }
0x9b: {  	vm1 =	vlt.s32 v38, v21;
	v40 =	vsel vm0, v4, v27;
	v22 =	vsel vm3, v33, v22  }
0x9c: {  	vm0 =	vlt.f32 v41, $3.399999950e+38;
	vm1 =	vmand vm4, vm1;
	vm5 =	vlt.f32 v35, v22  }
0x9d: {  	v25 =	vsel vm3, v5, v40;
	vm1 =	vmor vm2, vm1;
	v22 =	vsel vm5, v35, v22  }
0x9e: {  	v43 =	vld [tilespmem:$0x310];
	v42 =	vsel vm5, v6, v25;
	v20 =	vsel vm1, v36, v34;
	vm4 =	vlt.f32 v39, v22  }
0x9f: {  	v49 =	vperm.xlane v20, v11;
	v22 =	vsel vm4, v39, v22;
	v44 =	vsel vm4, v7, v42  }
0xa0: {  	v48 =	vld [tilespmem:$0x320];
	v45 =	vsel vm1, v38, v21;
	v46 =	vperm.xlane v22, v8;
	v47 =	vperm.xlane v44, v8  }
0xa1: {  	v27 =	vnsel vm0, $0x7F7FC99E, v41;
	v32 =	vnsel vm0, $0x0, v0;
	v50 =	vperm.xlane v45, v11  }
0xa2: {  	v51 =	vld [tilespmem:$0x330];
	vm15 =	vlt.f32 v49, v20;
	vm1 =	veq.f32 v46, v22;
	vm2 =	vlt.s32 v47, v44  }
0xa3: {  	vm3 =	vlt.f32 v46, v22;
	vm1 =	vmand vm1, vm2;
	vm2 =	vlt.f32 v43, v27  }
0xa4: {  	v52 =	vld [tilespmem:$0x340];
	vm5 =	vlt.s32 v50, v45;
	vm1 =	vmor vm3, vm1;
	v25 =	vsel vm2, v43, v27  }
0xa5: {  	vm3 =	veq.f32 v49, v20;
	v32 =	vsel vm2, v1, v32;
	vm4 =	vlt.f32 v48, v25  }
0xa6: {  	v53 =	vld [tilespmem:$0x350];
	v21 =	vsel vm1, v46, v22;
	v23 =	vsel vm1, v47, v44;
	v25 =	vsel vm4, v48, v25  }
0xa7: {  	v22 =	vperm.xlane v21, v9;
	v26 =	vperm.xlane v23, v9;
	vm1 =	vlt.f32 v51, v25  }
0xa8: {  	v54 =	vld [tilespmem:$0x360];
	vm3 =	vmand vm3, vm5;
	v32 =	vsel vm4, v2, v32;
	v25 =	vsel vm1, v51, v25  }
0xa9: {  	vm6 =	veq.f32 v22, v21;
	vm2 =	vlt.s32 v26, v23;
	vm0 =	vlt.f32 v52, v25  }
0xaa: {  	v55 =	vld [tilespmem:$0x370];
	vm5 =	vlt.f32 v22, v21;
	vm2 =	vmand vm6, vm2;
	v25 =	vsel vm0, v52, v25  }
0xab: {  	v32 =	vsel vm1, v3, v32;
	vm2 =	vmor vm5, vm2;
	vm4 =	vlt.f32 v53, v25  }
0xac: {  	v56 =	vsel vm0, v4, v32;
	vm0 =	vmor vm15, vm3;
	v25 =	vsel vm4, v53, v25  }
0xad: {  	v22 =	vsel vm2, v22, v21;
	v23 =	vsel vm2, v26, v23;
	vm5 =	vlt.f32 v54, v25  }
0xae: {  	v21 =	vsel vm4, v5, v56;
	v57 =	vperm.xlane v22, v10;
	v25 =	vsel vm5, v54, v25  }
0xaf: {  	v58 =	vperm.xlane v23, v10;
	v21 =	vsel vm5, v6, v21;
	vm4 =	vlt.f32 v55, v25  }
0xb0: {  	v62 =	vld [tilespmem:$0x380];
	vm2 =	veq.f32 v57, v22;
	v25 =	vsel vm4, v55, v25;
	v59 =	vsel vm4, v7, v21  }
0xb1: {  	vm3 =	vlt.s32 v58, v23;
	v60 =	vperm.xlane v25, v8;
	v61 =	vperm.xlane v59, v8  }
0xb2: {  	vm1 =	vlt.f32 v57, v22;
	vm2 =	vmand vm2, vm3;
	v21 =	vsel vm0, v49, v20  }
0xb3: {  	v20 =	vsel vm0, v50, v45;
	vm4 =	veq.f32 v60, v25;
	vm5 =	vlt.s32 v61, v59  }
0xb4: {  	vm3 =	vlt.f32 v60, v25;
	vm4 =	vmand vm4, vm5;
	vm5 =	vmor vm1, vm2  }
0xb5: {  	v63 =	vld [tilespmem:$0x390];
	vm1 =	vlt.f32 v62, $3.399999950e+38;
	vm4 =	vmor vm3, vm4;
	v22 =	vsel vm5, v57, v22  }
0xb6: {  	v25 =	vsel vm4, v60, v25;
	v36 =	vsel vm4, v61, v59;
	v40 =	vperm.xlane v22, v11  }
0xb7: {  	v39 =	vld [tilespmem:$0x3A0];
	v23 =	vsel vm5, v58, v23;
	v37 =	vperm.xlane v25, v9;
	v38 =	vperm.xlane v36, v9  }
0xb8: {  	v29 =	vnsel vm1, $0x7F7FC99E, v62;
	v34 =	vnsel vm1, $0x0, v0;
	v41 =	vperm.xlane v23, v11  }
0xb9: {  	v33 =	vld [tilespmem:$0x3B0];
	vm15 =	vlt.f32 v40, v22;
	vm0 =	veq.f32 v37, v25;
	vm2 =	vlt.s32 v38, v36  }
0xba: {  	vm3 =	vlt.f32 v37, v25;
	vm0 =	vmand vm0, vm2;
	vm2 =	vlt.f32 v63, v29  }
0xbb: {  	v42 =	vld [tilespmem:$0x3C0];
	vm5 =	vlt.s32 v41, v23;
	vm3 =	vmor vm3, vm0;
	v24 =	vsel vm2, v63, v29  }
0xbc: {  	vm0 =	veq.f32 v40, v22;
	v34 =	vsel vm2, v1, v34;
	vm4 =	vlt.f32 v39, v24  }
0xbd: {  	v43 =	vld [tilespmem:$0x3D0];
	v25 =	vsel vm3, v37, v25;
	vm0 =	vmand vm0, vm5;
	v24 =	vsel vm4, v39, v24  }
0xbe: {  	v26 =	vsel vm3, v38, v36;
	v27 =	vperm.xlane v25, v10;
	vm3 =	vlt.f32 v33, v24  }
0xbf: {  	v44 =	vld [tilespmem:$0x3E0];
	v28 =	vperm.xlane v26, v10;
	vm0 =	vmor vm15, vm0;
	v24 =	vsel vm3, v33, v24  }
0xc0: {  	v34 =	vsel vm4, v2, v34;
	v22 =	vsel vm0, v40, v22;
	vm1 =	vlt.f32 v42, v24  }
0xc1: {  	v45 =	vld [tilespmem:$0x3F0];
	vm6 =	veq.f32 v27, v25;
	vm2 =	vlt.s32 v28, v26;
	v24 =	vsel vm1, v42, v24  }
0xc2: {  	vm5 =	vlt.f32 v27, v25;
	vm2 =	vmand vm6, vm2;
	vm4 =	vlt.f32 v43, v24  }
0xc3: {  	v34 =	vsel vm3, v3, v34;
	vm2 =	vmor vm5, vm2;
	v24 =	vsel vm4, v43, v24  }
0xc4: {  	v46 =	vsel vm1, v4, v34;
	v25 =	vsel vm2, v27, v25;
	vm5 =	vlt.f32 v44, v24  }
0xc5: {  	v26 =	vsel vm2, v28, v26;
	v27 =	vsel vm4, v5, v46;
	v24 =	vsel vm5, v44, v24  }
0xc6: {  	v48 =	vld [tilespmem:$0x400];
	v47 =	vperm.xlane v25, v11;
	v27 =	vsel vm5, v6, v27;
	vm4 =	vlt.f32 v45, v24  }
0xc7: {  	v49 =	vperm.xlane v26, v11;
	v24 =	vsel vm4, v45, v24;
	v27 =	vsel vm4, v7, v27  }
0xc8: {  	v35 =	vld [tilespmem:$0x410];
	v23 =	vsel vm0, v41, v23;
	v29 =	vperm.xlane v24, v8;
	v50 =	vperm.xlane v27, v8  }
0xc9: {  	vm1 =	vlt.f32 v47, v25;
	vm2 =	veq.f32 v47, v25;
	vm3 =	vlt.s32 v49, v26  }
0xca: {  	v51 =	vld [tilespmem:$0x420];
	vm2 =	vmand vm2, vm3;
	vm4 =	veq.f32 v29, v24;
	vm5 =	vlt.s32 v50, v27  }
0xcb: {  	vm6 =	vlt.f32 v29, v24;
	vm4 =	vmand vm4, vm5;
	vm5 =	vlt.f32 v48, $3.399999950e+38  }
0xcc: {  	v36 =	vld [tilespmem:$0x430];
	vm15 =	vmor vm1, vm2;
	vm3 =	vmor vm6, vm4;
	v30 =	vnsel vm5, $0x7F7FC99E, v48  }
0xcd: {  	v29 =	vsel vm3, v29, v24;
	v27 =	vsel vm3, v50, v27;
	vm3 =	vlt.f32 v35, v30  }
0xce: {  	v54 =	vld [tilespmem:$0x440];
	v52 =	vperm.xlane v29, v9;
	v37 =	vperm.xlane v27, v9;
	v53 =	vsel vm3, v35, v30  }
0xcf: {  	v58 =	vnsel vm5, $0x0, v0;
	v24 =	vsel vm15, v47, v25;
	vm0 =	vlt.f32 v51, v53  }
0xd0: {  	v55 =	vld [tilespmem:$0x450];
	vm1 =	veq.f32 v52, v29;
	vm2 =	vlt.s32 v37, v27;
	v31 =	vsel vm0, v51, v53  }
0xd1: {  	vm4 =	vlt.f32 v52, v29;
	vm1 =	vmand vm1, vm2;
	vm2 =	vlt.f32 v36, v31  }
0xd2: {  	v57 =	vld [tilespmem:$0x460];
	vm1 =	vmor vm4, vm1;
	v56 =	vsel vm2, v36, v31;
	v31 =	vsel vm3, v1, v58  }
0xd3: {  	v29 =	vsel vm1, v52, v29;
	vm4 =	vlt.f32 v54, v56;
	v27 =	vsel vm1, v37, v27  }
0xd4: {  	v59 =	vld [tilespmem:$0x470];
	v31 =	vsel vm0, v2, v31;
	v25 =	vsel vm4, v54, v56;
	v34 =	vperm.xlane v29, v10  }
0xd5: {  	v62 =	vld [tilespmem:$0x480];
	v60 =	vperm.xlane v27, v10;
	v31 =	vsel vm2, v3, v31;
	vm0 =	vlt.f32 v55, v25  }
0xd6: {  	v31 =	vsel vm4, v4, v31;
	v25 =	vsel vm0, v55, v25;
	vm1 =	vlt.f32 v34, v29  }
0xd7: {  	vm3 =	veq.f32 v34, v29;
	vm5 =	vlt.s32 v60, v27;
	vm2 =	vlt.f32 v57, v25  }
0xd8: {  	v31 =	vsel vm0, v5, v31;
	vm0 =	vmand vm3, vm5;
	v25 =	vsel vm2, v57, v25  }
0xd9: {  	v61 =	vsel vm2, v6, v31;
	vm0 =	vmor vm1, vm0;
	vm4 =	vlt.f32 v59, v25  }
0xda: {  	vm2 =	vlt.f32 v62, $3.399999950e+38;
	v30 =	vsel vm4, v59, v25;
	v28 =	vsel vm4, v7, v61  }
0xdb: {  	v41 =	vsel vm0, v34, v29;
	v63 =	vperm.xlane v30, v8;
	v40 =	vperm.xlane v28, v8  }
0xdc: {  	v42 =	vld [tilespmem:$0x490];
	v27 =	vsel vm0, v60, v27;
	v31 =	vnsel vm2, $0x7F7FC99E, v62;
	v53 =	vnsel vm2, $0x0, v0  }
0xdd: {  	v43 =	vperm.xlane v41, v11;
	vm0 =	veq.f32 v63, v30;
	vm5 =	vlt.s32 v40, v28  }
0xde: {  	v45 =	vld [tilespmem:$0x4A0];
	v44 =	vperm.xlane v27, v11;
	vm4 =	vlt.f32 v63, v30;
	vm0 =	vmand vm0, vm5  }
0xdf: {  	v25 =	vsel vm15, v49, v26;
	vm3 =	veq.f32 v43, v41;
	vm0 =	vmor vm4, vm0  }
0xe0: {  	v46 =	vld [tilespmem:$0x4B0];
	vm4 =	vlt.s32 v44, v27;
	v30 =	vsel vm0, v63, v30;
	v28 =	vsel vm0, v40, v28  }
0xe1: {  	vm0 =	vlt.f32 v42, v31;
	v47 =	vperm.xlane v30, v9;
	v48 =	vperm.xlane v28, v9  }
0xe2: {  	v49 =	vld [tilespmem:$0x4C0];
	vm1 =	vlt.f32 v43, v41;
	vm3 =	vmand vm3, vm4;
	v29 =	vsel vm0, v42, v31  }
0xe3: {  	vm7 =	vlt.f32 v45, v29;
	vm5 =	veq.f32 v47, v30;
	vm6 =	vlt.s32 v48, v28  }
0xe4: {  	v50 =	vld [tilespmem:$0x4D0];
	v29 =	vsel vm7, v45, v29;
	vm5 =	vmand vm5, vm6;
	vm6 =	vlt.f32 v47, v30  }
0xe5: {  	vm15 =	vmor vm1, vm3;
	vm4 =	vmor vm6, vm5;
	vm5 =	vlt.f32 v46, v29  }
0xe6: {  	v51 =	vld [tilespmem:$0x4E0];
	v30 =	vsel vm4, v47, v30;
	v29 =	vsel vm5, v46, v29;
	v52 =	vsel vm4, v48, v28  }
0xe7: {  	v28 =	vsel vm0, v1, v53;
	vm1 =	vlt.f32 v49, v29;
	v54 =	vperm.xlane v30, v10  }
0xe8: {  	v55 =	vld [tilespmem:$0x4F0];
	v38 =	vperm.xlane v52, v10;
	v28 =	vsel vm7, v2, v28;
	v29 =	vsel vm1, v49, v29  }
0xe9: {  	v28 =	vsel vm5, v3, v28;
	vm0 =	vlt.f32 v50, v29;
	vm2 =	vlt.f32 v54, v30  }
0xea: {  	vm3 =	veq.f32 v54, v30;
	vm4 =	vlt.s32 v38, v52;
	v29 =	vsel vm0, v50, v29  }
0xeb: {  	v28 =	vsel vm1, v4, v28;
	vm5 =	vmand vm3, vm4;
	vm1 =	vlt.f32 v51, v29  }
0xec: {  	v28 =	vsel vm0, v5, v28;
	vm0 =	vmor vm2, vm5;
	v29 =	vsel vm1, v51, v29  }
0xed: {  	v28 =	vsel vm1, v6, v28;
	v60 =	vsel vm0, v38, v52;
	vm4 =	vlt.f32 v55, v29  }
0xee: {  	v38 =	vperm.xlane v60, v11;
	v29 =	vsel vm4, v55, v29;
	v56 =	vsel vm4, v7, v28  }
0xef: {  	v59 =	vld [tilespmem:$0x500];
	v30 =	vsel vm0, v54, v30;
	v57 =	vperm.xlane v29, v8;
	v58 =	vperm.xlane v56, v8  }
0xf0: {  	v26 =	vsel vm15, v44, v27;
	v61 =	vperm.xlane v30, v11;
	v28 =	vsel vm15, v43, v41  }
0xf1: {  	v39 =	vld [tilespmem:$0x510];
	vm3 =	vlt.s32 v38, v60;
	vm5 =	veq.f32 v57, v29;
	vm1 =	vlt.s32 v58, v56  }
0xf2: {  	vm2 =	vlt.f32 v57, v29;
	vm0 =	vmand vm5, vm1;
	vm1 =	veq.f32 v61, v30  }
0xf3: {  	v62 =	vld [tilespmem:$0x520];
	vm0 =	vmor vm2, vm0;
	vm2 =	vlt.f32 v61, v30;
	vm1 =	vmand vm1, vm3  }
0xf4: {  	v29 =	vsel vm0, v57, v29;
	v31 =	vsel vm0, v58, v56;
	vm0 =	vlt.f32 v59, $3.399999950e+38  }
0xf5: {  	v44 =	vld [tilespmem:$0x530];
	v32 =	vperm.xlane v29, v9;
	v63 =	vperm.xlane v31, v9;
	v43 =	vnsel vm0, $0x7F7FC99E, v59  }
0xf6: {  	vm15 =	vmor vm2, vm1;
	vm3 =	vlt.f32 v39, v43  }
0xf7: {  	v45 =	vld [tilespmem:$0x540];
	vm4 =	veq.f32 v32, v29;
	vm5 =	vlt.s32 v63, v31;
	v35 =	vsel vm3, v39, v43  }
0xf8: {  	v27 =	vsel vm15, v61, v30;
	vm4 =	vmand vm4, vm5;
	vm5 =	vlt.f32 v62, v35  }
0xf9: {  	v40 =	vld [tilespmem:$0x550];
	v51 =	vnsel vm0, $0x0, v0;
	vm6 =	vlt.f32 v32, v29;
	v35 =	vsel vm5, v62, v35  }
0xfa: {  	v53 =	vld [tilespmem:$0x580];
	v36 =	vsel vm3, v1, v51;
	vm4 =	vmor vm6, vm4;
	vm2 =	vlt.f32 v44, v35  }
0xfb: {  	v49 =	vld [tilespmem:$0x560];
	v36 =	vsel vm5, v2, v36;
	v29 =	vsel vm4, v32, v29;
	v48 =	vsel vm2, v44, v35  }
0xfc: {  	v46 =	vsel vm4, v63, v31;
	v47 =	vperm.xlane v29, v10;
	vm0 =	vlt.f32 v45, v48  }
0xfd: {  	v52 =	vld [tilespmem:$0x570];
	v50 =	vperm.xlane v46, v10;
	v36 =	vsel vm2, v3, v36;
	v32 =	vsel vm0, v45, v48  }
0xfe: {  	vm1 =	vlt.f32 v47, v29;
	vm3 =	veq.f32 v47, v29;
	vm4 =	vlt.f32 v40, v32  }
0xff: {  	vm5 =	vlt.s32 v50, v46;
	v36 =	vsel vm0, v4, v36;
	v32 =	vsel vm4, v40, v32  }
0x100: {  	vm2 =	vmand vm3, vm5;
	vm3 =	vlt.f32 v53, $3.399999950e+38;
	vm5 =	vlt.f32 v49, v32  }
0x101: {  	vm1 =	vmor vm1, vm2;
	v36 =	vsel vm4, v5, v36;
	v32 =	vsel vm5, v49, v32  }
0x102: {  	v31 =	vsel vm1, v47, v29;
	v54 =	vsel vm5, v6, v36;
	vm5 =	vlt.f32 v52, v32  }
0x103: {  	v57 =	vld [tilespmem:$0x590];
	v55 =	vperm.xlane v31, v11;
	v32 =	vsel vm5, v52, v32;
	v56 =	vsel vm5, v7, v54  }
0x104: {  	v35 =	vsel vm1, v50, v46;
	v58 =	vperm.xlane v32, v8;
	v59 =	vperm.xlane v56, v8  }
0x105: {  	v34 =	vnsel vm3, $0x7F7FC99E, v53;
	v29 =	vsel vm15, v38, v60;
	v60 =	vperm.xlane v35, v11  }
0x106: {  	v61 =	vld [tilespmem:$0x5A0];
	vm0 =	veq.f32 v55, v31;
	vm1 =	veq.f32 v58, v32;
	vm2 =	vlt.s32 v59, v56  }
0x107: {  	vm5 =	vlt.f32 v55, v31;
	vm4 =	vlt.f32 v58, v32;
	vm1 =	vmand vm1, vm2  }
0x108: {  	v41 =	vld [tilespmem:$0x5B0];
	vm2 =	vlt.s32 v60, v35;
	vm1 =	vmor vm4, vm1;
	vm4 =	vlt.f32 v57, v34  }
0x109: {  	vm0 =	vmand vm0, vm2;
	v32 =	vsel vm1, v58, v32;
	v37 =	vsel vm1, v59, v56  }
0x10a: {  	v63 =	vld [tilespmem:$0x5C0];
	v62 =	vsel vm4, v57, v34;
	v45 =	vperm.xlane v32, v9;
	v40 =	vperm.xlane v37, v9  }
0x10b: {  	v47 =	vnsel vm3, $0x0, v0;
	vm15 =	vmor vm5, vm0;
	vm1 =	vlt.f32 v61, v62  }
0x10c: {  	v46 =	vld [tilespmem:$0x5D0];
	v30 =	vsel vm1, v61, v62;
	vm2 =	veq.f32 v45, v32;
	vm6 =	vlt.s32 v40, v37  }
0x10d: {  	vm7 =	vlt.f32 v41, v30;
	vm3 =	vlt.f32 v45, v32;
	vm0 =	vmand vm2, vm6  }
0x10e: {  	v42 =	vld [tilespmem:$0x5E0];
	v41 =	vsel vm7, v41, v30;
	v30 =	vsel vm15, v55, v31;
	v31 =	vsel vm4, v1, v47  }
0x10f: {  	vm2 =	vlt.f32 v63, v41;
	vm0 =	vmor vm3, vm0;
	v31 =	vsel vm1, v2, v31  }
0x110: {  	v48 =	vld [tilespmem:$0x5F0];
	v34 =	vsel vm2, v63, v41;
	v32 =	vsel vm0, v45, v32;
	v31 =	vsel vm7, v3, v31  }
0x111: {  	v37 =	vsel vm0, v40, v37;
	vm4 =	vlt.f32 v46, v34;
	v49 =	vperm.xlane v32, v10  }
0x112: {  	v31 =	vsel vm2, v4, v31;
	v50 =	vperm.xlane v37, v10;
	v34 =	vsel vm4, v46, v34  }
0x113: {  	v31 =	vsel vm4, v5, v31;
	vm5 =	vlt.f32 v42, v34;
	vm1 =	veq.f32 v49, v32  }
0x114: {  	v34 =	vsel vm5, v42, v34;
	v31 =	vsel vm5, v6, v31;
	vm5 =	vlt.s32 v50, v37  }
0x115: {  	v51 =	vld [tilespmem:$0x600];
	vm4 =	vlt.f32 v48, v34;
	vm0 =	vmand vm1, vm5  }
0x116: {  	v34 =	vsel vm4, v48, v34;
	v52 =	vsel vm4, v7, v31;
	vm4 =	vlt.f32 v49, v32  }
0x117: {  	v43 =	vld [tilespmem:$0x610];
	v53 =	vperm.xlane v34, v8;
	v54 =	vperm.xlane v52, v8;
	vm0 =	vmor vm4, vm0  }
0x118: {  	v31 =	vsel vm15, v60, v35;
	v32 =	vsel vm0, v49, v32  }
0x119: {  	v55 =	vld [tilespmem:$0x620];
	v37 =	vsel vm0, v50, v37;
	vm1 =	veq.f32 v53, v34;
	vm2 =	vlt.s32 v54, v52  }
0x11a: {  	vm3 =	vlt.f32 v53, v34;
	vm1 =	vmand vm1, vm2;
	vm2 =	vlt.f32 v51, $3.399999950e+38  }
0x11b: {  	v57 =	vld [tilespmem:$0x630];
	v61 =	vperm.xlane v32, v11;
	vm1 =	vmor vm3, vm1;
	v56 =	vnsel vm2, $0x7F7FC99E, v51  }
0x11c: {  	v34 =	vsel vm1, v53, v34;
	v36 =	vsel vm1, v54, v52;
	vm1 =	vlt.f32 v43, v56  }
0x11d: {  	v60 =	vld [tilespmem:$0x640];
	v58 =	vperm.xlane v34, v9;
	v59 =	vperm.xlane v36, v9;
	v35 =	vsel vm1, v43, v56  }
0x11e: {  	v63 =	vperm.xlane v37, v11;
	v44 =	vnsel vm2, $0x0, v0;
	vm0 =	vlt.f32 v55, v35  }
0x11f: {  	v62 =	vld [tilespmem:$0x650];
	vm3 =	veq.f32 v58, v34;
	vm4 =	vlt.s32 v59, v36;
	v33 =	vsel vm0, v55, v35  }
0x120: {  	vm2 =	veq.f32 v61, v32;
	vm3 =	vmand vm3, vm4;
	vm4 =	vlt.f32 v57, v33  }
0x121: {  	v48 =	vld [tilespmem:$0x660];
	v44 =	vsel vm1, v1, v44;
	vm5 =	vlt.f32 v58, v34;
	v33 =	vsel vm4, v57, v33  }
0x122: {  	v44 =	vsel vm0, v2, v44;
	vm0 =	vmor vm5, vm3;
	vm1 =	vlt.f32 v60, v33  }
0x123: {  	v49 =	vld [tilespmem:$0x670];
	v44 =	vsel vm4, v3, v44;
	v34 =	vsel vm0, v58, v34;
	v33 =	vsel vm1, v60, v33  }
0x124: {  	v50 =	vsel vm0, v59, v36;
	v51 =	vsel vm1, v4, v44;
	vm3 =	vlt.f32 v62, v33  }
0x125: {  	v40 =	vperm.xlane v34, v10;
	v52 =	vperm.xlane v50, v10;
	v33 =	vsel vm3, v62, v33  }
0x126: {  	vm4 =	vlt.s32 v63, v37;
	v36 =	vsel vm3, v5, v51;
	vm5 =	vlt.f32 v48, v33  }
0x127: {  	vm1 =	veq.f32 v40, v34;
	vm0 =	vlt.s32 v52, v50;
	v33 =	vsel vm5, v48, v33  }
0x128: {  	vm3 =	vlt.f32 v40, v34;
	v36 =	vsel vm5, v6, v36;
	vm5 =	vlt.f32 v49, v33  }
0x129: {  	vm0 =	vmand vm1, vm0;
	v33 =	vsel vm5, v49, v33;
	v36 =	vsel vm5, v7, v36  }
0x12a: {  	vm0 =	vmor vm3, vm0;
	v53 =	vperm.xlane v33, v8;
	v54 =	vperm.xlane v36, v8  }
0x12b: {  	vm15 =	vlt.f32 v61, v32;
	vm2 =	vmand vm2, vm4;
	v34 =	vsel vm0, v40, v34  }
0x12c: {  	v35 =	vsel vm0, v52, v50;
	vm1 =	veq.f32 v53, v33;
	vm3 =	vlt.s32 v54, v36  }
0x12d: {  	v55 =	vperm.xlane v34, v11;
	vm4 =	vlt.f32 v53, v33;
	vm1 =	vmand vm1, vm3  }
0x12e: {  	vm0 =	vmor vm15, vm2;
	v56 =	vperm.xlane v35, v11;
	vm4 =	vmor vm4, vm1  }
0x12f: {  	v57 =	vld [tilespmem:$0x680];
	vm2 =	veq.f32 v55, v34;
	v33 =	vsel vm4, v53, v33;
	v36 =	vsel vm4, v54, v36  }
0x130: {  	vm3 =	vlt.s32 v56, v35;
	v58 =	vperm.xlane v33, v9;
	v59 =	vperm.xlane v36, v9  }
0x131: {  	v60 =	vld [tilespmem:$0x690];
	v32 =	vsel vm0, v61, v32;
	vm1 =	vlt.f32 v55, v34;
	vm2 =	vmand vm2, vm3  }
0x132: {  	vm1 =	vmor vm1, vm2;
	vm4 =	veq.f32 v58, v33;
	vm5 =	vlt.s32 v59, v36  }
0x133: {  	v45 =	vld [tilespmem:$0x6A0];
	v34 =	vsel vm1, v55, v34;
	vm3 =	vlt.f32 v58, v33;
	vm4 =	vmand vm4, vm5  }
0x134: {  	v50 =	vld [tilespmem:$0x1FF80];
	v35 =	vsel vm1, v56, v35;
	vm2 =	vmor vm3, vm4;
	vm3 =	vlt.f32 v57, $3.399999950e+38  }
0x135: {  	v61 =	vld [tilespmem:$0x6B0];
	v42 =	vsel vm2, v58, v33;
	v36 =	vsel vm2, v59, v36;
	v41 =	vnsel vm3, $0x7F7FC99E, v57  }
0x136: {  	v46 =	vperm.xlane v42, v10;
	v47 =	vperm.xlane v36, v10;
	vm2 =	vlt.f32 v60, v41  }
0x137: {  	v33 =	vsel vm0, v63, v37;
	v51 =	vnsel vm3, $0x0, v0;
	v62 =	vsel vm2, v60, v41  }
0x138: {  	v63 =	vld [tilespmem:$0x6C0];
	vm0 =	veq.f32 v46, v42;
	vm4 =	vlt.s32 v47, v36;
	vm5 =	vlt.f32 v45, v62  }
0x139: {  	v41 =	vld [tilespmem:$0x1FF90];
	vm0 =	vmand vm0, vm4;
	vm4 =	vlt.f32 v46, v42;
	v37 =	vsel vm5, v45, v62  }
0x13a: {  	vm0 =	vmor vm4, vm0;
	vm1 =	vlt.f32 v61, v37;
	vm4 =	vnez.u8 v50  }
0x13b: {  	v45 =	vld [tilespmem:$0x6D0];
	v48 =	vsel vm0, v46, v42;
	v36 =	vsel vm0, v47, v36;
	v37 =	vsel vm1, v61, v37  }
0x13c: {  	v42 =	vsel vm4, v13, v15;
	v13 =	vsel vm2, v1, v51;
	v12 =	vsel vm4, v12, v14  }
0x13d: {  	v49 =	vld [tilespmem:$0x6E0];
	vm0 =	vlt.f32 v63, v37;
	v52 =	vperm.xlane v48, v11;
	v54 =	vperm.xlane v36, v11  }
0x13e: {  	v53 =	vld [tilespmem:$0x6F0];
	v13 =	vsel vm5, v2, v13;
	vm4 =	vnez.u8 v41;
	v37 =	vsel vm0, v63, v37  }
0x13f: {  	v55 =	vld [tilespmem:$0x700];
	v13 =	vsel vm1, v3, v13;
	v14 =	vsel vm4, v42, v16;
	v12 =	vsel vm4, v12, v18  }
0x140: {  	vm2 =	vlt.f32 v45, v37;
	vm3 =	vlt.f32 v52, v48;
	vm1 =	veq.f32 v52, v48  }
0x141: {  	v56 =	vld [tilespmem:$0x710];
	v13 =	vsel vm0, v4, v13;
	vm5 =	vlt.s32 v54, v36;
	v37 =	vsel vm2, v45, v37  }
0x142: {  	v13 =	vsel vm2, v5, v13;
	vm1 =	vmand vm1, vm5;
	vm0 =	vlt.f32 v49, v37  }
0x143: {  	v58 =	vld [tilespmem:$0x720];
	vm1 =	vmor vm3, vm1;
	v37 =	vsel vm0, v49, v37;
	v13 =	vsel vm0, v6, v13  }
0x144: {  	vm0 =	vlt.f32 v55, $3.399999950e+38;
	v15 =	vsel vm1, v52, v48;
	v48 =	vld [tilespmem:$0x1FFA0];
	vm5 =	vlt.f32 v53, v37  }
0x145: {  	v50 =	vld [tilespmem:$0x1FFB0];
	v61 =	vnsel vm0, $0x7F7FC99E, v55;
	v37 =	vsel vm5, v53, v37;
	v57 =	vsel vm5, v7, v13  }
0x146: {  	vm3 =	vlt.f32 v56, v61;
	v59 =	vperm.xlane v37, v8;
	v60 =	vperm.xlane v57, v8  }
0x147: {  	v62 =	vld [tilespmem:$0x730];
	v51 =	vnsel vm0, $0x0, v0;
	v13 =	vsel vm1, v54, v36;
	v36 =	vsel vm3, v56, v61  }
0x148: {  	vm1 =	veq.f32 v59, v37;
	vm2 =	vlt.s32 v60, v57;
	vm5 =	vlt.f32 v59, v37  }
0x149: {  	v63 =	vld [tilespmem:$0x740];
	vm4 =	vnez.u8 v48;
	vm1 =	vmand vm1, vm2;
	vm2 =	vlt.f32 v58, v36  }
0x14a: {  	v14 =	vsel vm4, v14, v17;
	v12 =	vsel vm4, v12, v19;
	vm4 =	vnez.u8 v50  }
0x14b: {  	v19 =	vsel vm3, v1, v51;
	vm1 =	vmor vm5, vm1;
	v43 =	vsel vm2, v58, v36  }
0x14c: {  	v44 =	vld [tilespmem:$0x750];
	v45 =	vsel vm1, v59, v37;
	v47 =	vsel vm1, v60, v57;
	vm1 =	vlt.f32 v62, v43  }
0x14d: {  	v14 =	vsel vm4, v14, v21;
	v19 =	vsel vm2, v2, v19;
	v16 =	vsel vm1, v62, v43  }
0x14e: {  	v49 =	vld [tilespmem:$0x760];
	v52 =	vperm.xlane v45, v9;
	v54 =	vperm.xlane v47, v9;
	vm0 =	vlt.f32 v63, v16  }
0x14f: {  	v55 =	vld [tilespmem:$0x780];
	v12 =	vsel vm4, v12, v20;
	v19 =	vsel vm1, v3, v19;
	v16 =	vsel vm0, v63, v16  }
0x150: {  	v53 =	vld [tilespmem:$0x770];
	vm3 =	vlt.f32 v52, v45;
	vm1 =	veq.f32 v52, v45;
	vm5 =	vlt.s32 v54, v47  }
0x151: {  	v19 =	vsel vm0, v4, v19;
	vm2 =	vlt.f32 v44, v16;
	vm1 =	vmand vm1, vm5  }
0x152: {  	v63 =	vld [tilespmem:$0x1FFC0];
	v16 =	vsel vm2, v44, v16;
	v19 =	vsel vm2, v5, v19;
	vm1 =	vmor vm3, vm1  }
0x153: {  	v56 =	vld [tilespmem:$0x790];
	vm0 =	vlt.f32 v49, v16;
	v21 =	vsel vm1, v52, v45;
	v60 =	vsel vm1, v54, v47  }
0x154: {  	v16 =	vsel vm0, v49, v16;
	v19 =	vsel vm0, v6, v19;
	vm0 =	vlt.f32 v55, $3.399999950e+38  }
0x155: {  	v57 =	vld [tilespmem:$0x7A0];
	v46 =	vperm.xlane v21, v10;
	v54 =	vperm.xlane v60, v10;
	vm5 =	vlt.f32 v53, v16  }
0x156: {  	v42 =	vld [tilespmem:$0x1FFD0];
	v18 =	vnsel vm0, $0x7F7FC99E, v55;
	v16 =	vsel vm5, v53, v16;
	v19 =	vsel vm5, v7, v19  }
0x157: {  	v61 =	vld [tilespmem:$0x7B0];
	vm4 =	vnez.u8 v63;
	v58 =	vperm.xlane v16, v8;
	v59 =	vperm.xlane v19, v8  }
0x158: {  	v62 =	vld [tilespmem:$0x7C0];
	vm3 =	vlt.f32 v56, v18;
	v14 =	vsel vm4, v14, v22;
	v12 =	vsel vm4, v12, v23  }
0x159: {  	v44 =	vld [tilespmem:$0x1FFE0];
	v17 =	vsel vm3, v56, v18;
	vm1 =	veq.f32 v58, v16;
	vm2 =	vlt.s32 v59, v19  }
0x15a: {  	vm5 =	vlt.f32 v58, v16;
	vm1 =	vmand vm1, vm2;
	vm2 =	vlt.f32 v57, v17  }
0x15b: {  	v39 =	vld [tilespmem:$0x7D0];
	vm4 =	vnez.u8 v42;
	vm1 =	vmor vm5, vm1;
	v17 =	vsel vm2, v57, v17  }
0x15c: {  	v16 =	vsel vm1, v58, v16;
	v19 =	vsel vm1, v59, v19;
	vm1 =	vlt.f32 v61, v17  }
0x15d: {  	v43 =	vld [tilespmem:$0x7E0];
	v45 =	vnsel vm0, $0x0, v0;
	v14 =	vsel vm4, v14, v24;
	v17 =	vsel vm1, v61, v17  }
0x15e: {  	v12 =	vsel vm4, v12, v25;
	vm4 =	vnez.u8 v44;
	vm5 =	vlt.f32 v62, v17  }
0x15f: {  	v47 =	vld [tilespmem:$0x7F0];
	v23 =	vsel vm3, v1, v45;
	v14 =	vsel vm4, v14, v28;
	v17 =	vsel vm5, v62, v17  }
0x160: {  	v12 =	vsel vm4, v12, v26;
	v23 =	vsel vm2, v2, v23;
	vm2 =	vlt.f32 v39, v17  }
0x161: {  	v48 =	vperm.xlane v16, v9;
	v23 =	vsel vm1, v3, v23;
	v17 =	vsel vm2, v39, v17  }
0x162: {  	v49 =	vperm.xlane v19, v9;
	v50 =	vsel vm5, v4, v23;
	vm0 =	vlt.f32 v43, v17  }
0x163: {  	vm1 =	vlt.f32 v48, v16;
	v20 =	vsel vm2, v5, v50;
	v17 =	vsel vm0, v43, v17  }
0x164: {  	vm3 =	veq.f32 v48, v16;
	v20 =	vsel vm0, v6, v20;
	vm5 =	vlt.f32 v47, v17  }
0x165: {  	vm2 =	vlt.s32 v49, v19;
	v17 =	vsel vm5, v47, v17;
	v51 =	vsel vm5, v7, v20  }
0x166: {  	vm2 =	vmand vm3, vm2;
	v52 =	vperm.xlane v17, v8;
	v53 =	vperm.xlane v51, v8  }
0x167: {  	vm3 =	veq.f32 v46, v21;
	vm5 =	vmor vm1, vm2;
	vm1 =	vlt.f32 v46, v21  }
0x168: {  	v16 =	vsel vm5, v48, v16;
	vm0 =	veq.f32 v52, v17;
	vm2 =	vlt.s32 v53, v51  }
0x169: {  	v19 =	vsel vm5, v49, v19;
	vm5 =	vlt.f32 v52, v17;
	vm0 =	vmand vm0, vm2  }
0x16a: {  	v25 =	vperm.xlane v16, v10;
	v28 =	vperm.xlane v19, v10;
	vm0 =	vmor vm5, vm0  }
0x16b: {  	vm5 =	vlt.s32 v54, v60;
	v17 =	vsel vm0, v52, v17;
	v18 =	vsel vm0, v53, v51  }
0x16c: {  	vm5 =	vmand vm3, vm5;
	v20 =	vperm.xlane v17, v9;
	v22 =	vperm.xlane v18, v9  }
0x16d: {  	v55 =	vld [tilespmem:$0x1FFF0];
	vm0 =	vmor vm1, vm5;
	vm1 =	veq.f32 v25, v16;
	vm5 =	vlt.s32 v28, v19  }
0x16e: {  	vm1 =	vmand vm1, vm5;
	v21 =	vsel vm0, v46, v21;
	vm5 =	vlt.f32 v25, v16  }
0x16f: {  	v23 =	vsel vm0, v54, v60;
	vm2 =	veq.f32 v20, v17;
	vm3 =	vlt.s32 v22, v18  }
0x170: {  	vm1 =	vmor vm5, vm1;
	v24 =	vperm.xlane v21, v11;
	v56 =	vperm.xlane v23, v11  }
0x171: {  	vm2 =	vmand vm2, vm3;
	vm3 =	vlt.f32 v20, v17;
	v16 =	vsel vm1, v25, v16  }
0x172: {  	v19 =	vsel vm1, v28, v19;
	vm2 =	vmor vm3, vm2;
	vm3 =	vnez.u8 v55  }
0x173: {  	v57 =	vperm.xlane v16, v11;
	v58 =	vperm.xlane v19, v11;
	v14 =	vsel vm3, v14, v27  }
0x174: {  	v12 =	vsel vm3, v12, v29;
	v17 =	vsel vm2, v20, v17;
	v18 =	vsel vm2, v22, v18  }
0x175: {  	v14 =	vsel vm8, v14, v30;
	v20 =	vperm.xlane v17, v10;
	v22 =	vperm.xlane v18, v10  }
0x176: {  	vm2 =	veq.f32 v24, v21;
	v12 =	vsel vm8, v12, v31;
	v14 =	vsel vm9, v14, v32  }
0x177: {  	v12 =	vsel vm9, v12, v33;
	vm0 =	veq.f32 v20, v17;
	vm4 =	vlt.s32 v22, v18  }
0x178: {  	vm5 =	vlt.f32 v20, v17;
	v14 =	vsel vm10, v14, v34;
	v12 =	vsel vm10, v12, v35  }
0x179: {  	vm0 =	vmand vm0, vm4;
	vm4 =	vlt.s32 v56, v23;
	v14 =	vsel vm11, v14, v15  }
0x17a: {  	v12 =	vsel vm11, v12, v13;
	vm0 =	vmor vm5, vm0;
	vm5 =	vlt.f32 v24, v21  }
0x17b: {  	vm1 =	vmand vm2, vm4;
	vm4 =	veq.f32 v57, v16;
	v17 =	vsel vm0, v20, v17  }
0x17c: {  	v18 =	vsel vm0, v22, v18;
	vm0 =	vmor vm5, vm1;
	vm5 =	vlt.s32 v58, v19  }
0x17d: {  	vm1 =	vmand vm4, vm5;
	v59 =	vperm.xlane v17, v11;
	v60 =	vperm.xlane v18, v11  }
0x17e: {  	vm4 =	vlt.f32 v57, v16;
	v21 =	vsel vm0, v24, v21;
	v23 =	vsel vm0, v56, v23  }
0x17f: {  	vm1 =	vmor vm4, vm1;
	vm5 =	veq.f32 v59, v17;
	vm4 =	vlt.s32 v60, v18  }
0x180: {  	v61 =	vsel vm12, v14, v21;
	vm0 =	vmand vm5, vm4;
	vm5 =	vlt.f32 v59, v17  }
0x181: {  	v12 =	vsel vm12, v12, v23;
	v16 =	vsel vm1, v57, v16;
	vm0 =	vmor vm5, vm0  }
0x182: {  	v19 =	vsel vm1, v58, v19;
	v13 =	vsel vm13, v61, v16;
	v62 =	vsel vm0, v59, v17  }
0x183: {  	v12 =	vsel vm13, v12, v19;
	v63 =	vsel vm0, v60, v18;
	v13 =	vsel vm14, v13, v62  }
0x184: {  	v12 =	vsel vm14, v12, v63;
	[tilespmem:$0x800] =	vst v13  }
0x185: {  	[tilespmem:$0x880] =	vst v12  }
0x186: {  	[hbm4b:s2+s6] =	stream.linear.scatter [tilespmem:s8], [sflag:$0x1], $0x80, $0x38;
	[tilespmem:$0x900] =	vst v63  }
0x187: {  	_ =	swait.ge [sflag:s7], $0x80  }
0x188: {  	p0 =	sne.s32 s5, $0x1;
	[sflag:s7] =	ssyncset.done $0x0  }
.Ltmp1:
0x189: {  	[sflag:s7] =	ssyncadd.s32 $0xFFFFFF80;
	(pc) =	sbr.rel @p0 .LBB2_2-.Ltmp1, $4  }
0x18a: {  	[hbm4b:s3+s6] =	stream.linear.scatter [tilespmem:s9], [sflag:$0x1], $0x80, $0x38;
	[tilespmem:$0x900] =	vst v63  }
0x18b: {  	_ =	swait.ge [sflag:s7], $0x80  }
0x18c: {  	[sflag:s7] =	ssyncset.done $0x0  }
0x18d: {  	s5 =	sadd.s32 $0xFFFFFFFF, s5;
	[sflag:s7] =	ssyncadd.s32 $0xFFFFFF80  }
.LBB2_3:
0x18e: {  	_ =	sfence.sel $0x180000  }
0x18f: {  	[bflag:$0x0] =	sbarrier.arrive $0xFFFF  }
0x190: {  	p0 =	sne.s32 s0, $0x0;
	_ =	strace $0x90000047  }
0x191: {  	s0 =	sadd.s32 @!p0 $0x100000, s1;
	[bflag:$0x2] =	sbarrier.arrive $0xFFFF  }
0x192: {  	[sflag:s0] =	ssyncadd.tile.s32 @!p0 $0x1;
	_ =	shalt  }
.Lfunc_end2:
_tile_overlayer_lowered:
.L_overlay_start_2:
0x193: {  	(tag) =	ssettag $0x2  }
0x194: {  	s0 =	rddreg [dreg:$0x0];
	s2 =	stileid.u32  }
0x195: {  	s1 =	rddreg [dreg:$0x1];
	p0 =	sne.s32 s2, $0x0  }
0x196: {  	s3 =	rddreg [dreg:$0x2];
	[bflag:$0x3] =	sbarrier.arrive $0xFFFF;
	s2 =	simm.s32 @!p0 $0x1C01  }
0x197: {  	[timem:s3], [sflag:s2] =	dma.local @!p0 [hbm:s0], s1  }
0x198: {  	s0 =	simm.s32 @!p0 $0x1  }
0x199: {  	_ =	swait.ge @!p0 [sflag:s0], s1  }
0x19a: {  	s1 =	ssub.s32 @!p0 $0x0, s1;
	[sflag:s0] =	ssyncset.done @!p0 $0x0  }
0x19b: {  	[sflag:s0] =	ssyncadd.s32 @!p0 s1  }
0x19c: {  	[bflag:$0x3] =	sbarrier.arrive $0xFFFF  }
0x19d: {  	_ =	shalt  }

</sc_bundles>
